<compile_context>
chip_gen: v7x
topology: tpu7x:2x2x1
jax: 0.10.2.dev20260603
libtpu: 0.0.44.dev20260713+nightly
codegen_flags: <defaults>
</compile_context>

<pallas_src>
import functools

import jax
import jax.numpy as jnp
import numpy as np
from jax import lax
from jax.experimental import pallas as pl
from jax.experimental.pallas import tpu as pltpu
from jax.experimental.pallas import tpu_sc as plsc

N = 10000
E = 320000
D = 128
H = 8
DH = 16
KV_D = 2 * D

NCORES = 2
SUB = 16
NW = NCORES * SUB
EPW = E // NW
BE = 40
NBLK = EPW // BE
RPS = 640
RPS_LAST = N - RPS * (SUB - 1)
NZ = 640
ZRPS = NZ // SUB



def _proj_nodes_body(h_ref, wq_ref, bq_ref, wk_ref, bk_ref, wv_ref, bv_ref,
                     qh_ref, kv_ref):
    hb = h_ref[...]
    qh_ref[...] = (jnp.dot(hb, wq_ref[...], preferred_element_type=jnp.float32)
                   + bq_ref[...])
    k = jnp.dot(hb, wk_ref[...], preferred_element_type=jnp.float32) + bk_ref[...]
    v = jnp.dot(hb, wv_ref[...], preferred_element_type=jnp.float32) + bv_ref[...]
    kv_ref[...] = jnp.concatenate([k, v], axis=1)


def _proj_nodes(h, WQ, bQ, WK, bK, WV, bV):
    blk = 2000
    grid = N // blk
    w_spec = pl.BlockSpec((D, D), lambda i: (0, 0))
    b_spec = pl.BlockSpec((1, D), lambda i: (0, 0))
    return pl.pallas_call(
        _proj_nodes_body,
        grid=(grid,),
        in_specs=[pl.BlockSpec((blk, D), lambda i: (i, 0)),
                  w_spec, b_spec, w_spec, b_spec, w_spec, b_spec],
        out_specs=[pl.BlockSpec((blk, D), lambda i: (i, 0)),
                   pl.BlockSpec((blk, KV_D), lambda i: (i, 0))],
        out_shape=[jax.ShapeDtypeStruct((N, D), jnp.float32),
                   jax.ShapeDtypeStruct((N, KV_D), jnp.float32)],
    )(h, WQ, bQ.reshape(1, D), WK, bK.reshape(1, D), WV, bV.reshape(1, D))


def _proj_edges_body(e_ref, w_ref, b_ref, qe_ref):
    qe_ref[...] = (jnp.dot(e_ref[...], w_ref[...],
                           preferred_element_type=jnp.float32) + b_ref[...])


def _proj_edges(e, WQe, bQe):
    blk = 4000
    grid = E // blk
    return pl.pallas_call(
        _proj_edges_body,
        grid=(grid,),
        in_specs=[pl.BlockSpec((blk, D), lambda i: (i, 0)),
                  pl.BlockSpec((D, D), lambda i: (0, 0)),
                  pl.BlockSpec((1, D), lambda i: (0, 0))],
        out_specs=pl.BlockSpec((blk, D), lambda i: (i, 0)),
        out_shape=jax.ShapeDtypeStruct((E, D), jnp.float32),
    )(e, WQe, bQe.reshape(1, D))



def _sc_body(qh_hbm, kv_hbm, qe_hbm, src_hbm, dst_hbm, zw_hbm,
             eout_hbm, wv_parts, zp_parts,
             src_v, dst_v, dstp_v, zt_v, zh_v, kv_buf, q_buf, qe_buf,
             eout_buf, acc_buf, z_buf, wv_sh, zp_sh, sem1, sem2):
    c = lax.axis_index("c")
    s = lax.axis_index("s")
    wid = c * SUB + s
    base0 = wid * EPW
    lane = lax.iota(jnp.int32, 16)

    row0 = s * RPS
    zrow0 = s * ZRPS

    pltpu.sync_copy(zw_hbm.at[pl.ds(0, ZRPS)], zp_sh.at[pl.ds(zrow0, ZRPS)])

    @pl.when(s < SUB - 1)
    def _():
        pltpu.sync_copy(zw_hbm, wv_sh.at[pl.ds(row0, RPS)])

    @pl.when(s == SUB - 1)
    def _():
        pltpu.sync_copy(zw_hbm.at[pl.ds(0, RPS_LAST)],
                        wv_sh.at[pl.ds(row0, RPS_LAST)])

    plsc.subcore_barrier()

    def blk(b, carry):
        base = base0 + b * BE
        pltpu.sync_copy(src_hbm.at[pl.ds(base, BE)], src_v)
        pltpu.sync_copy(dst_hbm.at[pl.ds(base, BE)], dst_v)
        kv_cp = pltpu.async_copy(kv_hbm.at[src_v], kv_buf, sem1)
        q_cp = pltpu.async_copy(qh_hbm.at[dst_v], q_buf, sem2)
        pltpu.sync_copy(qe_hbm.at[pl.ds(base, BE)], qe_buf)
        for gch in sorted(set(min(g, BE - 16) for g in range(0, BE, 16))):
            dv = dst_v[pl.ds(gch, 16)]
            dstp_v[pl.ds(gch, 16)] = jnp.right_shift(dv, 4)
            zt_v[pl.ds(gch, 16)] = jnp.right_shift(dv & 15, 1)
            zh_v[pl.ds(gch, 16)] = dv & 1
        kv_cp.wait()
        q_cp.wait()

        perm8 = (lane + 8) & 15

        @plsc.parallel_loop(0, BE, 1, unroll=2)
        def edge(i):
            z_lo = jnp.zeros((16,), jnp.float32)
            for r in range(H):
                off = r * DH
                k = kv_buf[i, pl.ds(off, DH)]
                q = q_buf[i, pl.ds(off, DH)]
                g = qe_buf[i, pl.ds(off, DH)]
                sc = k * q * g * 0.25
                eout_buf[i, pl.ds(off, DH)] = sc
                t = plsc.cumsum(sc)[15]
                sv = jnp.exp(jnp.clip(jnp.broadcast_to(t, (16,)), -5.0, 5.0))
                v = kv_buf[i, pl.ds(D + off, DH)]
                acc_buf[i, pl.ds(off, DH)] = v * sv
                z_lo = jnp.where(lane == r, sv, z_lo)
            tv = jnp.broadcast_to(zt_v[pl.ds(i, 16)][0], (16,))
            hv = jnp.broadcast_to(zh_v[pl.ds(i, 16)][0], (16,))
            z_hi = z_lo.at[perm8].get(mode="promise_in_bounds")
            val = jnp.where(hv == 1, z_hi, z_lo)
            for tt in range(8):
                z_buf[i, pl.ds(tt * DH, DH)] = jnp.where(
                    tv == tt, val, jnp.zeros((16,), jnp.float32))

        pltpu.sync_copy(eout_buf, eout_hbm.at[pl.ds(base, BE)])
        pltpu.sync_copy(acc_buf, wv_sh.at[dst_v], add=True)
        pltpu.sync_copy(z_buf, zp_sh.at[dstp_v], add=True)
        return carry

    lax.fori_loop(0, NBLK, blk, 0)

    plsc.subcore_barrier()

    pltpu.sync_copy(zp_sh.at[pl.ds(zrow0, ZRPS)],
                    zp_parts.at[c, pl.ds(zrow0, ZRPS)])

    @pl.when(s < SUB - 1)
    def _():
        pltpu.sync_copy(wv_sh.at[pl.ds(row0, RPS)],
                        wv_parts.at[c, pl.ds(row0, RPS)])

    @pl.when(s == SUB - 1)
    def _():
        pltpu.sync_copy(wv_sh.at[pl.ds(row0, RPS_LAST)],
                        wv_parts.at[c, pl.ds(row0, RPS_LAST)])


def _sc_attention(qh, kv, qe, src, dst, zw):
    mesh = plsc.VectorSubcoreMesh(core_axis_name="c", subcore_axis_name="s")
    f = pl.kernel(
        _sc_body,
        out_type=(jax.ShapeDtypeStruct((E, D), jnp.float32),
                  jax.ShapeDtypeStruct((NCORES, N, D), jnp.float32),
                  jax.ShapeDtypeStruct((NCORES, NZ, D), jnp.float32)),
        mesh=mesh,
        compiler_params=pltpu.CompilerParams(needs_layout_passes=False),
        scratch_types=[
            pltpu.VMEM((BE,), jnp.int32),
            pltpu.VMEM((BE,), jnp.int32),
            pltpu.VMEM((BE,), jnp.int32),
            pltpu.VMEM((BE + 16,), jnp.int32),
            pltpu.VMEM((BE + 16,), jnp.int32),
            pltpu.VMEM((BE, KV_D), jnp.float32),
            pltpu.VMEM((BE, D), jnp.float32),
            pltpu.VMEM((BE, D), jnp.float32),
            pltpu.VMEM((BE, D), jnp.float32),
            pltpu.VMEM((BE, D), jnp.float32),
            pltpu.VMEM((BE, D), jnp.float32),
            pltpu.VMEM_SHARED((N, D), jnp.float32),
            pltpu.VMEM_SHARED((NZ, D), jnp.float32),
            pltpu.SemaphoreType.DMA,
            pltpu.SemaphoreType.DMA,
        ],
    )
    return f(qh, kv, qe, src, dst, zw)



def _final_body(wv_ref, z_ref, r_ref, out_ref):
    wv = wv_ref[0] + wv_ref[1]
    z = z_ref[0] + z_ref[1]
    zrep = jnp.dot(z, r_ref[...], preferred_element_type=jnp.float32)
    out_ref[...] = wv / (zrep + 1e-6)


def _final_combine(wv_parts, z8_parts, rep):
    blk = 2000
    grid = N // blk
    return pl.pallas_call(
        _final_body,
        grid=(grid,),
        in_specs=[pl.BlockSpec((NCORES, blk, D), lambda i: (0, i, 0)),
                  pl.BlockSpec((NCORES, blk, H), lambda i: (0, i, 0)),
                  pl.BlockSpec((H, D), lambda i: (0, 0))],
        out_specs=pl.BlockSpec((blk, D), lambda i: (i, 0)),
        out_shape=jax.ShapeDtypeStruct((N, D), jnp.float32),
    )(wv_parts, z8_parts, rep)



_REP = np.zeros((H, D), dtype=np.float32)
for _r in range(H):
    _REP[_r, _r * DH:(_r + 1) * DH] = 1.0


@jax.jit
def kernel(h, e, edge_index, WQ, bQ, WK, bK, WV, bV, WQe, bQe):
    qh, kv = _proj_nodes(h, WQ, bQ, WK, bK, WV, bV)
    qe = _proj_edges(e, WQe, bQe)
    src = edge_index[0]
    dst = edge_index[1]
    zw = jnp.zeros((RPS, D), jnp.float32)
    eout, wv_parts, zp_parts = _sc_attention(qh, kv, qe, src, dst, zw)
    z8_parts = zp_parts.reshape(NCORES, NZ * DH, H)[:, :N, :]
    h_out = _final_combine(wv_parts, z8_parts, jnp.asarray(_REP))
    return h_out.reshape(N, H, DH), eout.reshape(E, H, DH)

# --- scband reference (transcript-rebuilt; emitter-appended) ---
"""Pipeline reference for scband-multi-head-attention-layer-36979668418616 (READ-ONLY COPY).

The authoritative reference and input builder live on the scoring server;
editing this copy changes nothing except your own understanding.
"""

import jax, jax.numpy as jnp
import numpy as np

N_NODES = 10000
N_EDGES = 320000
IN_DIM = 128
NUM_HEADS = 8
OUT_DIM = 16


def setup_inputs(seed: int = 0) -> dict:
    key = jax.random.key(seed)
    ks = jax.random.split(key, 12)
    h = jax.random.normal(ks[0], (N_NODES, IN_DIM), dtype=jnp.float32)
    e = jax.random.normal(ks[1], (N_EDGES, IN_DIM), dtype=jnp.float32)
    edge_index = jax.random.randint(ks[2], (2, N_EDGES), 0, N_NODES, dtype=jnp.int32)
    scale = 1.0 / np.sqrt(IN_DIM)
    WQ = jax.random.normal(ks[3], (IN_DIM, NUM_HEADS * OUT_DIM), dtype=jnp.float32) * scale
    bQ = jnp.zeros((NUM_HEADS * OUT_DIM,), dtype=jnp.float32)
    WK = jax.random.normal(ks[4], (IN_DIM, NUM_HEADS * OUT_DIM), dtype=jnp.float32) * scale
    bK = jnp.zeros((NUM_HEADS * OUT_DIM,), dtype=jnp.float32)
    WV = jax.random.normal(ks[5], (IN_DIM, NUM_HEADS * OUT_DIM), dtype=jnp.float32) * scale
    bV = jnp.zeros((NUM_HEADS * OUT_DIM,), dtype=jnp.float32)
    WQe = jax.random.normal(ks[6], (IN_DIM, NUM_HEADS * OUT_DIM), dtype=jnp.float32) * scale
    bQe = jnp.zeros((NUM_HEADS * OUT_DIM,), dtype=jnp.float32)
    return {"h": h, "e": e, "edge_index": edge_index,
            "WQ": WQ, "bQ": bQ, "WK": WK, "bK": bK,
            "WV": WV, "bV": bV, "WQe": WQe, "bQe": bQe}


def reference(h, e, edge_index, WQ, bQ, WK, bK, WV, bV, WQe, bQe):
    # Linear projections (nn.Linear with bias) + reshape to [*, H, d]
    Q_h = (h @ WQ + bQ).reshape(-1, NUM_HEADS, OUT_DIM)
    K_h = (h @ WK + bK).reshape(-1, NUM_HEADS, OUT_DIM)
    V_h = (h @ WV + bV).reshape(-1, NUM_HEADS, OUT_DIM)
    Q_e = (e @ WQe + bQe).reshape(-1, NUM_HEADS, OUT_DIM)

    src = edge_index[0]
    dst = edge_index[1]

    # propagate_attention_as_a_generalization_of_graph_to_transformer (aggregate_on_dst=False)
    # src_multiply_dst('K_h','Q_h','score'): elementwise K_h[src] * Q_h[dst]
    score = K_h[src] * Q_h[dst]
    # scaling_multiply: divide by sqrt(out_dim)
    score = score / jnp.sqrt(jnp.float32(OUT_DIM))
    # imp_exp_attn('score','Q_e'): inject edge features
    score = score * Q_e
    # out_edge_features('score'): edge output is the pre-exp score
    e_out = score
    # exp('score'): exp of clamped sum over feature dim -> scalar per head per edge
    s = jnp.exp(jnp.clip(jnp.sum(score, axis=-1, keepdims=True), -5.0, 5.0))
    # send_and_recv: fn.src_mul_edge('V_h','score') then fn.sum -> wV; fn.copy_edge + sum -> z
    wV = jax.ops.segment_sum(V_h[src] * s, dst, num_segments=N_NODES)
    z = jax.ops.segment_sum(s, dst, num_segments=N_NODES)
    # h_out = wV / (z + 1e-6)
    h_out = wV / (z + 1e-6)
    return (h_out, e_out)

if __name__ == "__main__":
    import jax
    _d = setup_inputs()
    print(jax.jit(kernel)(*tuple(_d.values())))

</pallas_src>

<mosaic_0001>
#map = affine_map<(d0, d1) -> (0, 0)>
#map1 = affine_map<(d0, d1) -> (0)>
#map2 = affine_map<(d0, d1) -> (0, 0, 0)>
module attributes {stable_mosaic.version = 14 : i64} {
  func.func @_sc_body(%arg0: i32, %arg1: i32, %arg2: memref<10000x128xf32, #tpu.memory_space<hbm>>, %arg3: memref<10000x256xf32, #tpu.memory_space<hbm>>, %arg4: memref<320000x128xf32, #tpu.memory_space<hbm>>, %arg5: memref<320000xi32, #tpu.memory_space<hbm>>, %arg6: memref<320000xi32, #tpu.memory_space<hbm>>, %arg7: memref<640x128xf32, #tpu.memory_space<hbm>>, %arg8: memref<320000x128xf32, #tpu.memory_space<hbm>>, %arg9: memref<2x10000x128xf32, #tpu.memory_space<hbm>>, %arg10: memref<2x640x128xf32, #tpu.memory_space<hbm>>, %arg11: memref<40xi32, #tpu.memory_space<vmem>>, %arg12: memref<40xi32, #tpu.memory_space<vmem>>, %arg13: memref<40xi32, #tpu.memory_space<vmem>>, %arg14: memref<56xi32, #tpu.memory_space<vmem>>, %arg15: memref<56xi32, #tpu.memory_space<vmem>>, %arg16: memref<40x256xf32, #tpu.memory_space<vmem>>, %arg17: memref<40x128xf32, #tpu.memory_space<vmem>>, %arg18: memref<40x128xf32, #tpu.memory_space<vmem>>, %arg19: memref<40x128xf32, #tpu.memory_space<vmem>>, %arg20: memref<40x128xf32, #tpu.memory_space<vmem>>, %arg21: memref<40x128xf32, #tpu.memory_space<vmem>>, %arg22: memref<10000x128xf32, #tpu.memory_space<vmem_shared>>, %arg23: memref<640x128xf32, #tpu.memory_space<vmem_shared>>, %arg24: memref<!tpu.dma_semaphore, #tpu.memory_space<semaphore_mem>>, %arg25: memref<!tpu.dma_semaphore, #tpu.memory_space<semaphore_mem>>) attributes {dimension_semantics = [#tpu.dimension_semantics<core_parallel>, #tpu.dimension_semantics<subcore_parallel>], iteration_bounds = array<i64: 2, 16>, scalar_prefetch = 0 : i64, scratch_operands = 15 : i64, tpu.core_type = #tpu.core_type<sc_vector_subcore>, window_params = [{transform_indices = #map}, {transform_indices = #map}, {transform_indices = #map}, {transform_indices = #map1}, {transform_indices = #map1}, {transform_indices = #map}, {transform_indices = #map}, {transform_indices = #map2}, {transform_indices = #map2}]} {
    %mul3A = arith.constant 16 : i32
    %mul3A_0 = arith.muli %arg0, %mul3A : i32
    %add3A = arith.addi %mul3A_0, %arg1 : i32
    %mul3A_1 = arith.constant 10000 : i32
    %mul3A_2 = arith.muli %add3A, %mul3A_1 : i32
    %iota3A = tpu.iota {dimensions = array<i32: 0>} : vector<16xi32>
    %mul3A_3 = arith.constant 640 : i32
    %mul3A_4 = arith.muli %arg1, %mul3A_3 : i32
    %mul3A_5 = arith.constant 40 : i32
    %mul3A_6 = arith.muli %arg1, %mul3A_5 : i32
    "tpu.region"() ({
      %run_scoped3A = tpu.sem_alloc : memref<!tpu.dma_semaphore, #tpu.memory_space<semaphore_mem>>
      %dma_start3A = arith.constant 0 : i32
      %dma_start3A_29 = tpu.memref_slice %arg23[%mul3A_6, %dma_start3A] : memref<640x128xf32, #tpu.memory_space<vmem_shared>> -> memref<40x128xf32, #tpu.memory_space<vmem_shared>>
      %dma_start3A_30 = arith.constant 0 : i32
      %dma_start3A_31 = arith.constant 0 : i32
      %dma_start3A_32 = tpu.memref_slice %arg7[%dma_start3A_30, %dma_start3A_31] : memref<640x128xf32, #tpu.memory_space<hbm>> -> memref<40x128xf32, #tpu.memory_space<hbm>>
      tpu.enqueue_dma source(%dma_start3A_32 : memref<40x128xf32, #tpu.memory_space<hbm>>) target(%dma_start3A_29 : memref<40x128xf32, #tpu.memory_space<vmem_shared>>) target_semaphore(%run_scoped3A : memref<!tpu.dma_semaphore, #tpu.memory_space<semaphore_mem>>)
      %dma_wait3A = arith.constant 0 : i32
      %dma_wait3A_33 = tpu.memref_slice %arg23[%mul3A_6, %dma_wait3A] : memref<640x128xf32, #tpu.memory_space<vmem_shared>> -> memref<40x128xf32, #tpu.memory_space<vmem_shared>>
      %dma_wait3A_34 = arith.constant 0 : i32
      %dma_wait3A_35 = arith.constant 0 : i32
      %dma_wait3A_36 = tpu.memref_slice %arg7[%dma_wait3A_34, %dma_wait3A_35] : memref<640x128xf32, #tpu.memory_space<hbm>> -> memref<40x128xf32, #tpu.memory_space<hbm>>
      tpu.wait_dma2 semaphore(%run_scoped3A : memref<!tpu.dma_semaphore, #tpu.memory_space<semaphore_mem>>) src(%dma_wait3A_36 : memref<40x128xf32, #tpu.memory_space<hbm>>) dst(%dma_wait3A_33 : memref<40x128xf32, #tpu.memory_space<vmem_shared>>)
      tpu.yield
    }) : () -> ()
    %lt3A = arith.constant 15 : i32
    %lt3A_7 = arith.cmpi slt, %arg1, %lt3A : i32
    %convert_element_type3A = arith.extui %lt3A_7 : i1 to i32
    %cond3A = arith.constant 0 : i32
    %cond3A_8 = arith.cmpi ne, %convert_element_type3A, %cond3A : i32
    scf.if %cond3A_8 {
      "tpu.region"() ({
        %run_scoped3A = tpu.sem_alloc : memref<!tpu.dma_semaphore, #tpu.memory_space<semaphore_mem>>
        %dma_start3A = arith.constant 0 : i32
        %dma_start3A_29 = tpu.memref_slice %arg22[%mul3A_4, %dma_start3A] : memref<10000x128xf32, #tpu.memory_space<vmem_shared>> -> memref<640x128xf32, #tpu.memory_space<vmem_shared>>
        tpu.enqueue_dma source(%arg7 : memref<640x128xf32, #tpu.memory_space<hbm>>) target(%dma_start3A_29 : memref<640x128xf32, #tpu.memory_space<vmem_shared>>) target_semaphore(%run_scoped3A : memref<!tpu.dma_semaphore, #tpu.memory_space<semaphore_mem>>)
        %dma_wait3A = arith.constant 0 : i32
        %dma_wait3A_30 = tpu.memref_slice %arg22[%mul3A_4, %dma_wait3A] : memref<10000x128xf32, #tpu.memory_space<vmem_shared>> -> memref<640x128xf32, #tpu.memory_space<vmem_shared>>
        tpu.wait_dma2 semaphore(%run_scoped3A : memref<!tpu.dma_semaphore, #tpu.memory_space<semaphore_mem>>) src(%arg7 : memref<640x128xf32, #tpu.memory_space<hbm>>) dst(%dma_wait3A_30 : memref<640x128xf32, #tpu.memory_space<vmem_shared>>)
        tpu.yield
      }) : () -> ()
    } else {
    }
    %eq3A = arith.constant 15 : i32
    %eq3A_9 = arith.cmpi eq, %arg1, %eq3A : i32
    %convert_element_type3A_10 = arith.extui %eq3A_9 : i1 to i32
    %cond3A_11 = arith.constant 0 : i32
    %cond3A_12 = arith.cmpi ne, %convert_element_type3A_10, %cond3A_11 : i32
    scf.if %cond3A_12 {
      "tpu.region"() ({
        %run_scoped3A = tpu.sem_alloc : memref<!tpu.dma_semaphore, #tpu.memory_space<semaphore_mem>>
        %dma_start3A = arith.constant 0 : i32
        %dma_start3A_29 = tpu.memref_slice %arg22[%mul3A_4, %dma_start3A] : memref<10000x128xf32, #tpu.memory_space<vmem_shared>> -> memref<400x128xf32, #tpu.memory_space<vmem_shared>>
        %dma_start3A_30 = arith.constant 0 : i32
        %dma_start3A_31 = arith.constant 0 : i32
        %dma_start3A_32 = tpu.memref_slice %arg7[%dma_start3A_30, %dma_start3A_31] : memref<640x128xf32, #tpu.memory_space<hbm>> -> memref<400x128xf32, #tpu.memory_space<hbm>>
        tpu.enqueue_dma source(%dma_start3A_32 : memref<400x128xf32, #tpu.memory_space<hbm>>) target(%dma_start3A_29 : memref<400x128xf32, #tpu.memory_space<vmem_shared>>) target_semaphore(%run_scoped3A : memref<!tpu.dma_semaphore, #tpu.memory_space<semaphore_mem>>)
        %dma_wait3A = arith.constant 0 : i32
        %dma_wait3A_33 = tpu.memref_slice %arg22[%mul3A_4, %dma_wait3A] : memref<10000x128xf32, #tpu.memory_space<vmem_shared>> -> memref<400x128xf32, #tpu.memory_space<vmem_shared>>
        %dma_wait3A_34 = arith.constant 0 : i32
        %dma_wait3A_35 = arith.constant 0 : i32
        %dma_wait3A_36 = tpu.memref_slice %arg7[%dma_wait3A_34, %dma_wait3A_35] : memref<640x128xf32, #tpu.memory_space<hbm>> -> memref<400x128xf32, #tpu.memory_space<hbm>>
        tpu.wait_dma2 semaphore(%run_scoped3A : memref<!tpu.dma_semaphore, #tpu.memory_space<semaphore_mem>>) src(%dma_wait3A_36 : memref<400x128xf32, #tpu.memory_space<hbm>>) dst(%dma_wait3A_33 : memref<400x128xf32, #tpu.memory_space<vmem_shared>>)
        tpu.yield
      }) : () -> ()
    } else {
    }
    %barrier3A = arith.constant 0 : index
    tpu.barrier barrier_id(%barrier3A)
    %scan3A = arith.constant 0 : i32
    %scan3A_13 = arith.constant 0 : i32
    %scan3A_14 = arith.constant 250 : i32
    %scan3A_15 = arith.addi %scan3A_13, %scan3A_14 : i32
    %scan3A_16 = arith.constant 1 : i32
    scf.for %scan3A_29 = %scan3A_13 to %scan3A_15 step %scan3A_16  : i32 {
      %mul3A_30 = arith.constant 40 : i32
      %mul3A_31 = arith.muli %scan3A_29, %mul3A_30 : i32
      %add3A_32 = arith.addi %mul3A_2, %mul3A_31 : i32
      "tpu.region"() ({
        %run_scoped3A = tpu.sem_alloc : memref<!tpu.dma_semaphore, #tpu.memory_space<semaphore_mem>>
        %dma_start3A_107 = tpu.memref_slice %arg5[%add3A_32] : memref<320000xi32, #tpu.memory_space<hbm>> -> memref<40xi32, #tpu.memory_space<hbm>>
        %dma_start3A_108 = tpu.memref_slice %arg5[%add3A_32] : memref<320000xi32, #tpu.memory_space<hbm>> -> memref<40xi32, #tpu.memory_space<hbm>>
        tpu.enqueue_dma source(%dma_start3A_108 : memref<40xi32, #tpu.memory_space<hbm>>) target(%arg11 : memref<40xi32, #tpu.memory_space<vmem>>) target_semaphore(%run_scoped3A : memref<!tpu.dma_semaphore, #tpu.memory_space<semaphore_mem>>)
        %dma_wait3A_109 = tpu.memref_slice %arg5[%add3A_32] : memref<320000xi32, #tpu.memory_space<hbm>> -> memref<40xi32, #tpu.memory_space<hbm>>
        %dma_wait3A_110 = tpu.memref_slice %arg5[%add3A_32] : memref<320000xi32, #tpu.memory_space<hbm>> -> memref<40xi32, #tpu.memory_space<hbm>>
        tpu.wait_dma2 semaphore(%run_scoped3A : memref<!tpu.dma_semaphore, #tpu.memory_space<semaphore_mem>>) src(%dma_wait3A_110 : memref<40xi32, #tpu.memory_space<hbm>>) dst(%arg11 : memref<40xi32, #tpu.memory_space<vmem>>)
        tpu.yield
      }) : () -> ()
      "tpu.region"() ({
        %run_scoped3A = tpu.sem_alloc : memref<!tpu.dma_semaphore, #tpu.memory_space<semaphore_mem>>
        %dma_start3A_107 = tpu.memref_slice %arg6[%add3A_32] : memref<320000xi32, #tpu.memory_space<hbm>> -> memref<40xi32, #tpu.memory_space<hbm>>
        %dma_start3A_108 = tpu.memref_slice %arg6[%add3A_32] : memref<320000xi32, #tpu.memory_space<hbm>> -> memref<40xi32, #tpu.memory_space<hbm>>
        tpu.enqueue_dma source(%dma_start3A_108 : memref<40xi32, #tpu.memory_space<hbm>>) target(%arg12 : memref<40xi32, #tpu.memory_space<vmem>>) target_semaphore(%run_scoped3A : memref<!tpu.dma_semaphore, #tpu.memory_space<semaphore_mem>>)
        %dma_wait3A_109 = tpu.memref_slice %arg6[%add3A_32] : memref<320000xi32, #tpu.memory_space<hbm>> -> memref<40xi32, #tpu.memory_space<hbm>>
        %dma_wait3A_110 = tpu.memref_slice %arg6[%add3A_32] : memref<320000xi32, #tpu.memory_space<hbm>> -> memref<40xi32, #tpu.memory_space<hbm>>
        tpu.wait_dma2 semaphore(%run_scoped3A : memref<!tpu.dma_semaphore, #tpu.memory_space<semaphore_mem>>) src(%dma_wait3A_110 : memref<40xi32, #tpu.memory_space<hbm>>) dst(%arg12 : memref<40xi32, #tpu.memory_space<vmem>>)
        tpu.yield
      }) : () -> ()
      %dma_start3A = arith.constant 0 : i32
      %dma_start3A_33 = arith.constant 0 : i32
      %dma_start3A_34 = tpu.memref_slice %arg3[%dma_start3A, %dma_start3A_33] : memref<10000x256xf32, #tpu.memory_space<hbm>> -> memref<10000x256xf32, #tpu.memory_space<hbm>>
      tpu.enqueue_indirect_dma source(%dma_start3A_34 : memref<10000x256xf32, #tpu.memory_space<hbm>>) target(%arg16 : memref<40x256xf32, #tpu.memory_space<vmem>>) offsets(%arg11 : memref<40xi32, #tpu.memory_space<vmem>>) semaphore(%arg24 : memref<!tpu.dma_semaphore, #tpu.memory_space<semaphore_mem>>)
      %dma_start3A_35 = arith.constant 0 : i32
      %dma_start3A_36 = arith.constant 0 : i32
      %dma_start3A_37 = tpu.memref_slice %arg2[%dma_start3A_35, %dma_start3A_36] : memref<10000x128xf32, #tpu.memory_space<hbm>> -> memref<10000x128xf32, #tpu.memory_space<hbm>>
      tpu.enqueue_indirect_dma source(%dma_start3A_37 : memref<10000x128xf32, #tpu.memory_space<hbm>>) target(%arg17 : memref<40x128xf32, #tpu.memory_space<vmem>>) offsets(%arg12 : memref<40xi32, #tpu.memory_space<vmem>>) semaphore(%arg25 : memref<!tpu.dma_semaphore, #tpu.memory_space<semaphore_mem>>)
      "tpu.region"() ({
        %run_scoped3A = tpu.sem_alloc : memref<!tpu.dma_semaphore, #tpu.memory_space<semaphore_mem>>
        %dma_start3A_107 = arith.constant 0 : i32
        %dma_start3A_108 = tpu.memref_slice %arg4[%add3A_32, %dma_start3A_107] : memref<320000x128xf32, #tpu.memory_space<hbm>> -> memref<40x128xf32, #tpu.memory_space<hbm>>
        %dma_start3A_109 = arith.constant 0 : i32
        %dma_start3A_110 = tpu.memref_slice %arg4[%add3A_32, %dma_start3A_109] : memref<320000x128xf32, #tpu.memory_space<hbm>> -> memref<40x128xf32, #tpu.memory_space<hbm>>
        tpu.enqueue_dma source(%dma_start3A_110 : memref<40x128xf32, #tpu.memory_space<hbm>>) target(%arg18 : memref<40x128xf32, #tpu.memory_space<vmem>>) target_semaphore(%run_scoped3A : memref<!tpu.dma_semaphore, #tpu.memory_space<semaphore_mem>>)
        %dma_wait3A_111 = arith.constant 0 : i32
        %dma_wait3A_112 = tpu.memref_slice %arg4[%add3A_32, %dma_wait3A_111] : memref<320000x128xf32, #tpu.memory_space<hbm>> -> memref<40x128xf32, #tpu.memory_space<hbm>>
        %dma_wait3A_113 = arith.constant 0 : i32
        %dma_wait3A_114 = tpu.memref_slice %arg4[%add3A_32, %dma_wait3A_113] : memref<320000x128xf32, #tpu.memory_space<hbm>> -> memref<40x128xf32, #tpu.memory_space<hbm>>
        tpu.wait_dma2 semaphore(%run_scoped3A : memref<!tpu.dma_semaphore, #tpu.memory_space<semaphore_mem>>) src(%dma_wait3A_114 : memref<40x128xf32, #tpu.memory_space<hbm>>) dst(%arg18 : memref<40x128xf32, #tpu.memory_space<vmem>>)
        tpu.yield
      }) : () -> ()
      %get3A = arith.constant 0 : index
      %get3A_38 = tpu.vector_load %arg12[%get3A] {strides = array<i32>} : memref<40xi32, #tpu.memory_space<vmem>>, vector<16xi32>,
      %shift_right_arithmetic3A = arith.constant 4 : i32
      %shift_right_arithmetic3A_39 = vector.broadcast %shift_right_arithmetic3A : i32 to vector<16xi32>
      %shift_right_arithmetic3A_40 = arith.shrsi %get3A_38, %shift_right_arithmetic3A_39 : vector<16xi32>
      %swap3A = arith.constant 0 : index
      %swap3A_41 = tpu.vector_load %arg13[%swap3A] {strides = array<i32>} : memref<40xi32, #tpu.memory_space<vmem>>, vector<16xi32>,
      tpu.vector_store %arg13[%swap3A], %shift_right_arithmetic3A_40 {strides = array<i32>} : memref<40xi32, #tpu.memory_space<vmem>>, vector<16xi32>,
      %and3A = arith.constant 15 : i32
      %and3A_42 = vector.broadcast %and3A : i32 to vector<16xi32>
      %and3A_43 = arith.andi %get3A_38, %and3A_42 : vector<16xi32>
      %shift_right_arithmetic3A_44 = arith.constant 1 : i32
      %shift_right_arithmetic3A_45 = vector.broadcast %shift_right_arithmetic3A_44 : i32 to vector<16xi32>
      %shift_right_arithmetic3A_46 = arith.shrsi %and3A_43, %shift_right_arithmetic3A_45 : vector<16xi32>
      %swap3A_47 = arith.constant 0 : index
      %swap3A_48 = tpu.vector_load %arg14[%swap3A_47] {strides = array<i32>} : memref<56xi32, #tpu.memory_space<vmem>>, vector<16xi32>,
      tpu.vector_store %arg14[%swap3A_47], %shift_right_arithmetic3A_46 {strides = array<i32>} : memref<56xi32, #tpu.memory_space<vmem>>, vector<16xi32>,
      %and3A_49 = arith.constant 1 : i32
      %and3A_50 = vector.broadcast %and3A_49 : i32 to vector<16xi32>
      %and3A_51 = arith.andi %get3A_38, %and3A_50 : vector<16xi32>
      %swap3A_52 = arith.constant 0 : index
      %swap3A_53 = tpu.vector_load %arg15[%swap3A_52] {strides = array<i32>} : memref<56xi32, #tpu.memory_space<vmem>>, vector<16xi32>,
      tpu.vector_store %arg15[%swap3A_52], %and3A_51 {strides = array<i32>} : memref<56xi32, #tpu.memory_space<vmem>>, vector<16xi32>,
      %get3A_54 = arith.constant 16 : index
      %get3A_55 = tpu.vector_load %arg12[%get3A_54] {strides = array<i32>} : memref<40xi32, #tpu.memory_space<vmem>>, vector<16xi32>,
      %shift_right_arithmetic3A_56 = arith.constant 4 : i32
      %shift_right_arithmetic3A_57 = vector.broadcast %shift_right_arithmetic3A_56 : i32 to vector<16xi32>
      %shift_right_arithmetic3A_58 = arith.shrsi %get3A_55, %shift_right_arithmetic3A_57 : vector<16xi32>
      %swap3A_59 = arith.constant 16 : index
      %swap3A_60 = tpu.vector_load %arg13[%swap3A_59] {strides = array<i32>} : memref<40xi32, #tpu.memory_space<vmem>>, vector<16xi32>,
      tpu.vector_store %arg13[%swap3A_59], %shift_right_arithmetic3A_58 {strides = array<i32>} : memref<40xi32, #tpu.memory_space<vmem>>, vector<16xi32>,
      %and3A_61 = arith.constant 15 : i32
      %and3A_62 = vector.broadcast %and3A_61 : i32 to vector<16xi32>
      %and3A_63 = arith.andi %get3A_55, %and3A_62 : vector<16xi32>
      %shift_right_arithmetic3A_64 = arith.constant 1 : i32
      %shift_right_arithmetic3A_65 = vector.broadcast %shift_right_arithmetic3A_64 : i32 to vector<16xi32>
      %shift_right_arithmetic3A_66 = arith.shrsi %and3A_63, %shift_right_arithmetic3A_65 : vector<16xi32>
      %swap3A_67 = arith.constant 16 : index
      %swap3A_68 = tpu.vector_load %arg14[%swap3A_67] {strides = array<i32>} : memref<56xi32, #tpu.memory_space<vmem>>, vector<16xi32>,
      tpu.vector_store %arg14[%swap3A_67], %shift_right_arithmetic3A_66 {strides = array<i32>} : memref<56xi32, #tpu.memory_space<vmem>>, vector<16xi32>,
      %and3A_69 = arith.constant 1 : i32
      %and3A_70 = vector.broadcast %and3A_69 : i32 to vector<16xi32>
      %and3A_71 = arith.andi %get3A_55, %and3A_70 : vector<16xi32>
      %swap3A_72 = arith.constant 16 : index
      %swap3A_73 = tpu.vector_load %arg15[%swap3A_72] {strides = array<i32>} : memref<56xi32, #tpu.memory_space<vmem>>, vector<16xi32>,
      tpu.vector_store %arg15[%swap3A_72], %and3A_71 {strides = array<i32>} : memref<56xi32, #tpu.memory_space<vmem>>, vector<16xi32>,
      %get3A_74 = arith.constant 24 : index
      %get3A_75 = tpu.vector_load %arg12[%get3A_74] {strides = array<i32>} : memref<40xi32, #tpu.memory_space<vmem>>, vector<16xi32>,
      %shift_right_arithmetic3A_76 = arith.constant 4 : i32
      %shift_right_arithmetic3A_77 = vector.broadcast %shift_right_arithmetic3A_76 : i32 to vector<16xi32>
      %shift_right_arithmetic3A_78 = arith.shrsi %get3A_75, %shift_right_arithmetic3A_77 : vector<16xi32>
      %swap3A_79 = arith.constant 24 : index
      %swap3A_80 = tpu.vector_load %arg13[%swap3A_79] {strides = array<i32>} : memref<40xi32, #tpu.memory_space<vmem>>, vector<16xi32>,
      tpu.vector_store %arg13[%swap3A_79], %shift_right_arithmetic3A_78 {strides = array<i32>} : memref<40xi32, #tpu.memory_space<vmem>>, vector<16xi32>,
      %and3A_81 = arith.constant 15 : i32
      %and3A_82 = vector.broadcast %and3A_81 : i32 to vector<16xi32>
      %and3A_83 = arith.andi %get3A_75, %and3A_82 : vector<16xi32>
      %shift_right_arithmetic3A_84 = arith.constant 1 : i32
      %shift_right_arithmetic3A_85 = vector.broadcast %shift_right_arithmetic3A_84 : i32 to vector<16xi32>
      %shift_right_arithmetic3A_86 = arith.shrsi %and3A_83, %shift_right_arithmetic3A_85 : vector<16xi32>
      %swap3A_87 = arith.constant 24 : index
      %swap3A_88 = tpu.vector_load %arg14[%swap3A_87] {strides = array<i32>} : memref<56xi32, #tpu.memory_space<vmem>>, vector<16xi32>,
      tpu.vector_store %arg14[%swap3A_87], %shift_right_arithmetic3A_86 {strides = array<i32>} : memref<56xi32, #tpu.memory_space<vmem>>, vector<16xi32>,
      %and3A_89 = arith.constant 1 : i32
      %and3A_90 = vector.broadcast %and3A_89 : i32 to vector<16xi32>
      %and3A_91 = arith.andi %get3A_75, %and3A_90 : vector<16xi32>
      %swap3A_92 = arith.constant 24 : index
      %swap3A_93 = tpu.vector_load %arg15[%swap3A_92] {strides = array<i32>} : memref<56xi32, #tpu.memory_space<vmem>>, vector<16xi32>,
      tpu.vector_store %arg15[%swap3A_92], %and3A_91 {strides = array<i32>} : memref<56xi32, #tpu.memory_space<vmem>>, vector<16xi32>,
      %dma_wait3A = arith.constant 0 : i32
      %dma_wait3A_94 = arith.constant 0 : i32
      %dma_wait3A_95 = tpu.memref_slice %arg3[%dma_wait3A, %dma_wait3A_94] : memref<10000x256xf32, #tpu.memory_space<hbm>> -> memref<10000x256xf32, #tpu.memory_space<hbm>>
      tpu.wait_indirect_dma semaphore(%arg24 : memref<!tpu.dma_semaphore, #tpu.memory_space<semaphore_mem>>) src(%dma_wait3A_95 : memref<10000x256xf32, #tpu.memory_space<hbm>>) dst(%arg16 : memref<40x256xf32, #tpu.memory_space<vmem>>)
      %dma_wait3A_96 = arith.constant 0 : i32
      %dma_wait3A_97 = arith.constant 0 : i32
      %dma_wait3A_98 = tpu.memref_slice %arg2[%dma_wait3A_96, %dma_wait3A_97] : memref<10000x128xf32, #tpu.memory_space<hbm>> -> memref<10000x128xf32, #tpu.memory_space<hbm>>
      tpu.wait_indirect_dma semaphore(%arg25 : memref<!tpu.dma_semaphore, #tpu.memory_space<semaphore_mem>>) src(%dma_wait3A_98 : memref<10000x128xf32, #tpu.memory_space<hbm>>) dst(%arg17 : memref<40x128xf32, #tpu.memory_space<vmem>>)
      %add3A_99 = arith.constant 8 : i32
      %add3A_100 = vector.broadcast %add3A_99 : i32 to vector<16xi32>
      %add3A_101 = arith.addi %iota3A, %add3A_100 : vector<16xi32>
      %and3A_102 = arith.constant 15 : i32
      %and3A_103 = vector.broadcast %and3A_102 : i32 to vector<16xi32>
      %and3A_104 = arith.andi %add3A_101, %and3A_103 : vector<16xi32>
      %parallel_loop3A = arith.constant 0 : i32
      %parallel_loop3A_105 = arith.constant 40 : i32
      %parallel_loop3A_106 = arith.constant 1 : i32
      scf.for %parallel_loop3A_107 = %parallel_loop3A to %parallel_loop3A_105 step %parallel_loop3A_106  : i32 {
        %parallel_loop3A_108 = arith.constant 0.000000e+00 : f32
        %parallel_loop3A_109 = vector.broadcast %parallel_loop3A_108 : f32 to vector<16xf32>
        %parallel_loop3A_110 = arith.index_cast %parallel_loop3A_107 : i32 to index
        %parallel_loop3A_111 = arith.constant 0 : index
        %parallel_loop3A_112 = tpu.vector_load %arg16[%parallel_loop3A_110, %parallel_loop3A_111] {strides = array<i32>} : memref<40x256xf32, #tpu.memory_space<vmem>>, vector<16xf32>,
        %parallel_loop3A_113 = arith.index_cast %parallel_loop3A_107 : i32 to index
        %parallel_loop3A_114 = arith.constant 0 : index
        %parallel_loop3A_115 = tpu.vector_load %arg17[%parallel_loop3A_113, %parallel_loop3A_114] {strides = array<i32>} : memref<40x128xf32, #tpu.memory_space<vmem>>, vector<16xf32>,
        %parallel_loop3A_116 = arith.index_cast %parallel_loop3A_107 : i32 to index
        %parallel_loop3A_117 = arith.constant 0 : index
        %parallel_loop3A_118 = tpu.vector_load %arg18[%parallel_loop3A_116, %parallel_loop3A_117] {strides = array<i32>} : memref<40x128xf32, #tpu.memory_space<vmem>>, vector<16xf32>,
        %parallel_loop3A_119 = arith.mulf %parallel_loop3A_112, %parallel_loop3A_115 : vector<16xf32>
        %parallel_loop3A_120 = arith.mulf %parallel_loop3A_119, %parallel_loop3A_118 : vector<16xf32>
        %parallel_loop3A_121 = arith.constant 2.500000e-01 : f32
        %parallel_loop3A_122 = vector.broadcast %parallel_loop3A_121 : f32 to vector<16xf32>
        %parallel_loop3A_123 = arith.mulf %parallel_loop3A_120, %parallel_loop3A_122 : vector<16xf32>
        %parallel_loop3A_124 = arith.index_cast %parallel_loop3A_107 : i32 to index
        %parallel_loop3A_125 = arith.constant 0 : index
        %parallel_loop3A_126 = tpu.vector_load %arg19[%parallel_loop3A_124, %parallel_loop3A_125] {strides = array<i32>} : memref<40x128xf32, #tpu.memory_space<vmem>>, vector<16xf32>,
        tpu.vector_store %arg19[%parallel_loop3A_124, %parallel_loop3A_125], %parallel_loop3A_123 {strides = array<i32>} : memref<40x128xf32, #tpu.memory_space<vmem>>, vector<16xf32>,
        %parallel_loop3A_127 = arith.constant true
        %parallel_loop3A_128 = vector.broadcast %parallel_loop3A_127 : i1 to vector<16xi1>
        %parallel_loop3A_129 = tpu.scan <sum>, %parallel_loop3A_123 masked %parallel_loop3A_128 : vector<16xf32>, vector<16xi1> -> vector<16xf32>
        %parallel_loop3A_130 = vector.extract_strided_slice %parallel_loop3A_129 {offsets = [15], sizes = [1], strides = [1]} : vector<16xf32> to vector<1xf32>
        %parallel_loop3A_131 = vector.extract %parallel_loop3A_130[0] : f32 from vector<1xf32>
        %parallel_loop3A_132 = vector.broadcast %parallel_loop3A_131 : f32 to vector<16xf32>
        %parallel_loop3A_133 = arith.constant -5.000000e+00 : f32
        %parallel_loop3A_134 = arith.constant 5.000000e+00 : f32
        %parallel_loop3A_135 = vector.broadcast %parallel_loop3A_133 : f32 to vector<16xf32>
        %parallel_loop3A_136 = arith.maximumf %parallel_loop3A_135, %parallel_loop3A_132 : vector<16xf32>
        %parallel_loop3A_137 = vector.broadcast %parallel_loop3A_134 : f32 to vector<16xf32>
        %parallel_loop3A_138 = arith.minimumf %parallel_loop3A_137, %parallel_loop3A_136 : vector<16xf32>
        %parallel_loop3A_139 = math.exp %parallel_loop3A_138 : vector<16xf32>
        %parallel_loop3A_140 = arith.index_cast %parallel_loop3A_107 : i32 to index
        %parallel_loop3A_141 = arith.constant 128 : index
        %parallel_loop3A_142 = tpu.vector_load %arg16[%parallel_loop3A_140, %parallel_loop3A_141] {strides = array<i32>} : memref<40x256xf32, #tpu.memory_space<vmem>>, vector<16xf32>,
        %parallel_loop3A_143 = arith.mulf %parallel_loop3A_142, %parallel_loop3A_139 : vector<16xf32>
        %parallel_loop3A_144 = arith.index_cast %parallel_loop3A_107 : i32 to index
        %parallel_loop3A_145 = arith.constant 0 : index
        %parallel_loop3A_146 = tpu.vector_load %arg20[%parallel_loop3A_144, %parallel_loop3A_145] {strides = array<i32>} : memref<40x128xf32, #tpu.memory_space<vmem>>, vector<16xf32>,
        tpu.vector_store %arg20[%parallel_loop3A_144, %parallel_loop3A_145], %parallel_loop3A_143 {strides = array<i32>} : memref<40x128xf32, #tpu.memory_space<vmem>>, vector<16xf32>,
        %parallel_loop3A_147 = arith.constant 0 : i32
        %parallel_loop3A_148 = vector.broadcast %parallel_loop3A_147 : i32 to vector<16xi32>
        %parallel_loop3A_149 = arith.cmpi eq, %iota3A, %parallel_loop3A_148 : vector<16xi32>
        %parallel_loop3A_150 = arith.select %parallel_loop3A_149, %parallel_loop3A_139, %parallel_loop3A_109 : vector<16xi1>, vector<16xf32>
        %parallel_loop3A_151 = arith.index_cast %parallel_loop3A_107 : i32 to index
        %parallel_loop3A_152 = arith.constant 16 : index
        %parallel_loop3A_153 = tpu.vector_load %arg16[%parallel_loop3A_151, %parallel_loop3A_152] {strides = array<i32>} : memref<40x256xf32, #tpu.memory_space<vmem>>, vector<16xf32>,
        %parallel_loop3A_154 = arith.index_cast %parallel_loop3A_107 : i32 to index
        %parallel_loop3A_155 = arith.constant 16 : index
        %parallel_loop3A_156 = tpu.vector_load %arg17[%parallel_loop3A_154, %parallel_loop3A_155] {strides = array<i32>} : memref<40x128xf32, #tpu.memory_space<vmem>>, vector<16xf32>,
        %parallel_loop3A_157 = arith.index_cast %parallel_loop3A_107 : i32 to index
        %parallel_loop3A_158 = arith.constant 16 : index
        %parallel_loop3A_159 = tpu.vector_load %arg18[%parallel_loop3A_157, %parallel_loop3A_158] {strides = array<i32>} : memref<40x128xf32, #tpu.memory_space<vmem>>, vector<16xf32>,
        %parallel_loop3A_160 = arith.mulf %parallel_loop3A_153, %parallel_loop3A_156 : vector<16xf32>
        %parallel_loop3A_161 = arith.mulf %parallel_loop3A_160, %parallel_loop3A_159 : vector<16xf32>
        %parallel_loop3A_162 = arith.constant 2.500000e-01 : f32
        %parallel_loop3A_163 = vector.broadcast %parallel_loop3A_162 : f32 to vector<16xf32>
        %parallel_loop3A_164 = arith.mulf %parallel_loop3A_161, %parallel_loop3A_163 : vector<16xf32>
        %parallel_loop3A_165 = arith.index_cast %parallel_loop3A_107 : i32 to index
        %parallel_loop3A_166 = arith.constant 16 : index
        %parallel_loop3A_167 = tpu.vector_load %arg19[%parallel_loop3A_165, %parallel_loop3A_166] {strides = array<i32>} : memref<40x128xf32, #tpu.memory_space<vmem>>, vector<16xf32>,
        tpu.vector_store %arg19[%parallel_loop3A_165, %parallel_loop3A_166], %parallel_loop3A_164 {strides = array<i32>} : memref<40x128xf32, #tpu.memory_space<vmem>>, vector<16xf32>,
        %parallel_loop3A_168 = arith.constant true
        %parallel_loop3A_169 = vector.broadcast %parallel_loop3A_168 : i1 to vector<16xi1>
        %parallel_loop3A_170 = tpu.scan <sum>, %parallel_loop3A_164 masked %parallel_loop3A_169 : vector<16xf32>, vector<16xi1> -> vector<16xf32>
        %parallel_loop3A_171 = vector.extract_strided_slice %parallel_loop3A_170 {offsets = [15], sizes = [1], strides = [1]} : vector<16xf32> to vector<1xf32>
        %parallel_loop3A_172 = vector.extract %parallel_loop3A_171[0] : f32 from vector<1xf32>
        %parallel_loop3A_173 = vector.broadcast %parallel_loop3A_172 : f32 to vector<16xf32>
        %parallel_loop3A_174 = arith.constant -5.000000e+00 : f32
        %parallel_loop3A_175 = arith.constant 5.000000e+00 : f32
        %parallel_loop3A_176 = vector.broadcast %parallel_loop3A_174 : f32 to vector<16xf32>
        %parallel_loop3A_177 = arith.maximumf %parallel_loop3A_176, %parallel_loop3A_173 : vector<16xf32>
        %parallel_loop3A_178 = vector.broadcast %parallel_loop3A_175 : f32 to vector<16xf32>
        %parallel_loop3A_179 = arith.minimumf %parallel_loop3A_178, %parallel_loop3A_177 : vector<16xf32>
        %parallel_loop3A_180 = math.exp %parallel_loop3A_179 : vector<16xf32>
        %parallel_loop3A_181 = arith.index_cast %parallel_loop3A_107 : i32 to index
        %parallel_loop3A_182 = arith.constant 144 : index
        %parallel_loop3A_183 = tpu.vector_load %arg16[%parallel_loop3A_181, %parallel_loop3A_182] {strides = array<i32>} : memref<40x256xf32, #tpu.memory_space<vmem>>, vector<16xf32>,
        %parallel_loop3A_184 = arith.mulf %parallel_loop3A_183, %parallel_loop3A_180 : vector<16xf32>
        %parallel_loop3A_185 = arith.index_cast %parallel_loop3A_107 : i32 to index
        %parallel_loop3A_186 = arith.constant 16 : index
        %parallel_loop3A_187 = tpu.vector_load %arg20[%parallel_loop3A_185, %parallel_loop3A_186] {strides = array<i32>} : memref<40x128xf32, #tpu.memory_space<vmem>>, vector<16xf32>,
        tpu.vector_store %arg20[%parallel_loop3A_185, %parallel_loop3A_186], %parallel_loop3A_184 {strides = array<i32>} : memref<40x128xf32, #tpu.memory_space<vmem>>, vector<16xf32>,
        %parallel_loop3A_188 = arith.constant 1 : i32
        %parallel_loop3A_189 = vector.broadcast %parallel_loop3A_188 : i32 to vector<16xi32>
        %parallel_loop3A_190 = arith.cmpi eq, %iota3A, %parallel_loop3A_189 : vector<16xi32>
        %parallel_loop3A_191 = arith.select %parallel_loop3A_190, %parallel_loop3A_180, %parallel_loop3A_150 : vector<16xi1>, vector<16xf32>
        %parallel_loop3A_192 = arith.index_cast %parallel_loop3A_107 : i32 to index
        %parallel_loop3A_193 = arith.constant 32 : index
        %parallel_loop3A_194 = tpu.vector_load %arg16[%parallel_loop3A_192, %parallel_loop3A_193] {strides = array<i32>} : memref<40x256xf32, #tpu.memory_space<vmem>>, vector<16xf32>,
        %parallel_loop3A_195 = arith.index_cast %parallel_loop3A_107 : i32 to index
        %parallel_loop3A_196 = arith.constant 32 : index
        %parallel_loop3A_197 = tpu.vector_load %arg17[%parallel_loop3A_195, %parallel_loop3A_196] {strides = array<i32>} : memref<40x128xf32, #tpu.memory_space<vmem>>, vector<16xf32>,
        %parallel_loop3A_198 = arith.index_cast %parallel_loop3A_107 : i32 to index
        %parallel_loop3A_199 = arith.constant 32 : index
        %parallel_loop3A_200 = tpu.vector_load %arg18[%parallel_loop3A_198, %parallel_loop3A_199] {strides = array<i32>} : memref<40x128xf32, #tpu.memory_space<vmem>>, vector<16xf32>,
        %parallel_loop3A_201 = arith.mulf %parallel_loop3A_194, %parallel_loop3A_197 : vector<16xf32>
        %parallel_loop3A_202 = arith.mulf %parallel_loop3A_201, %parallel_loop3A_200 : vector<16xf32>
        %parallel_loop3A_203 = arith.constant 2.500000e-01 : f32
        %parallel_loop3A_204 = vector.broadcast %parallel_loop3A_203 : f32 to vector<16xf32>
        %parallel_loop3A_205 = arith.mulf %parallel_loop3A_202, %parallel_loop3A_204 : vector<16xf32>
        %parallel_loop3A_206 = arith.index_cast %parallel_loop3A_107 : i32 to index
        %parallel_loop3A_207 = arith.constant 32 : index
        %parallel_loop3A_208 = tpu.vector_load %arg19[%parallel_loop3A_206, %parallel_loop3A_207] {strides = array<i32>} : memref<40x128xf32, #tpu.memory_space<vmem>>, vector<16xf32>,
        tpu.vector_store %arg19[%parallel_loop3A_206, %parallel_loop3A_207], %parallel_loop3A_205 {strides = array<i32>} : memref<40x128xf32, #tpu.memory_space<vmem>>, vector<16xf32>,
        %parallel_loop3A_209 = arith.constant true
        %parallel_loop3A_210 = vector.broadcast %parallel_loop3A_209 : i1 to vector<16xi1>
        %parallel_loop3A_211 = tpu.scan <sum>, %parallel_loop3A_205 masked %parallel_loop3A_210 : vector<16xf32>, vector<16xi1> -> vector<16xf32>
        %parallel_loop3A_212 = vector.extract_strided_slice %parallel_loop3A_211 {offsets = [15], sizes = [1], strides = [1]} : vector<16xf32> to vector<1xf32>
        %parallel_loop3A_213 = vector.extract %parallel_loop3A_212[0] : f32 from vector<1xf32>
        %parallel_loop3A_214 = vector.broadcast %parallel_loop3A_213 : f32 to vector<16xf32>
        %parallel_loop3A_215 = arith.constant -5.000000e+00 : f32
        %parallel_loop3A_216 = arith.constant 5.000000e+00 : f32
        %parallel_loop3A_217 = vector.broadcast %parallel_loop3A_215 : f32 to vector<16xf32>
        %parallel_loop3A_218 = arith.maximumf %parallel_loop3A_217, %parallel_loop3A_214 : vector<16xf32>
        %parallel_loop3A_219 = vector.broadcast %parallel_loop3A_216 : f32 to vector<16xf32>
        %parallel_loop3A_220 = arith.minimumf %parallel_loop3A_219, %parallel_loop3A_218 : vector<16xf32>
        %parallel_loop3A_221 = math.exp %parallel_loop3A_220 : vector<16xf32>
        %parallel_loop3A_222 = arith.index_cast %parallel_loop3A_107 : i32 to index
        %parallel_loop3A_223 = arith.constant 160 : index
        %parallel_loop3A_224 = tpu.vector_load %arg16[%parallel_loop3A_222, %parallel_loop3A_223] {strides = array<i32>} : memref<40x256xf32, #tpu.memory_space<vmem>>, vector<16xf32>,
        %parallel_loop3A_225 = arith.mulf %parallel_loop3A_224, %parallel_loop3A_221 : vector<16xf32>
        %parallel_loop3A_226 = arith.index_cast %parallel_loop3A_107 : i32 to index
        %parallel_loop3A_227 = arith.constant 32 : index
        %parallel_loop3A_228 = tpu.vector_load %arg20[%parallel_loop3A_226, %parallel_loop3A_227] {strides = array<i32>} : memref<40x128xf32, #tpu.memory_space<vmem>>, vector<16xf32>,
        tpu.vector_store %arg20[%parallel_loop3A_226, %parallel_loop3A_227], %parallel_loop3A_225 {strides = array<i32>} : memref<40x128xf32, #tpu.memory_space<vmem>>, vector<16xf32>,
        %parallel_loop3A_229 = arith.constant 2 : i32
        %parallel_loop3A_230 = vector.broadcast %parallel_loop3A_229 : i32 to vector<16xi32>
        %parallel_loop3A_231 = arith.cmpi eq, %iota3A, %parallel_loop3A_230 : vector<16xi32>
        %parallel_loop3A_232 = arith.select %parallel_loop3A_231, %parallel_loop3A_221, %parallel_loop3A_191 : vector<16xi1>, vector<16xf32>
        %parallel_loop3A_233 = arith.index_cast %parallel_loop3A_107 : i32 to index
        %parallel_loop3A_234 = arith.constant 48 : index
        %parallel_loop3A_235 = tpu.vector_load %arg16[%parallel_loop3A_233, %parallel_loop3A_234] {strides = array<i32>} : memref<40x256xf32, #tpu.memory_space<vmem>>, vector<16xf32>,
        %parallel_loop3A_236 = arith.index_cast %parallel_loop3A_107 : i32 to index
        %parallel_loop3A_237 = arith.constant 48 : index
        %parallel_loop3A_238 = tpu.vector_load %arg17[%parallel_loop3A_236, %parallel_loop3A_237] {strides = array<i32>} : memref<40x128xf32, #tpu.memory_space<vmem>>, vector<16xf32>,
        %parallel_loop3A_239 = arith.index_cast %parallel_loop3A_107 : i32 to index
        %parallel_loop3A_240 = arith.constant 48 : index
        %parallel_loop3A_241 = tpu.vector_load %arg18[%parallel_loop3A_239, %parallel_loop3A_240] {strides = array<i32>} : memref<40x128xf32, #tpu.memory_space<vmem>>, vector<16xf32>,
        %parallel_loop3A_242 = arith.mulf %parallel_loop3A_235, %parallel_loop3A_238 : vector<16xf32>
        %parallel_loop3A_243 = arith.mulf %parallel_loop3A_242, %parallel_loop3A_241 : vector<16xf32>
        %parallel_loop3A_244 = arith.constant 2.500000e-01 : f32
        %parallel_loop3A_245 = vector.broadcast %parallel_loop3A_244 : f32 to vector<16xf32>
        %parallel_loop3A_246 = arith.mulf %parallel_loop3A_243, %parallel_loop3A_245 : vector<16xf32>
        %parallel_loop3A_247 = arith.index_cast %parallel_loop3A_107 : i32 to index
        %parallel_loop3A_248 = arith.constant 48 : index
        %parallel_loop3A_249 = tpu.vector_load %arg19[%parallel_loop3A_247, %parallel_loop3A_248] {strides = array<i32>} : memref<40x128xf32, #tpu.memory_space<vmem>>, vector<16xf32>,
        tpu.vector_store %arg19[%parallel_loop3A_247, %parallel_loop3A_248], %parallel_loop3A_246 {strides = array<i32>} : memref<40x128xf32, #tpu.memory_space<vmem>>, vector<16xf32>,
        %parallel_loop3A_250 = arith.constant true
        %parallel_loop3A_251 = vector.broadcast %parallel_loop3A_250 : i1 to vector<16xi1>
        %parallel_loop3A_252 = tpu.scan <sum>, %parallel_loop3A_246 masked %parallel_loop3A_251 : vector<16xf32>, vector<16xi1> -> vector<16xf32>
        %parallel_loop3A_253 = vector.extract_strided_slice %parallel_loop3A_252 {offsets = [15], sizes = [1], strides = [1]} : vector<16xf32> to vector<1xf32>
        %parallel_loop3A_254 = vector.extract %parallel_loop3A_253[0] : f32 from vector<1xf32>
        %parallel_loop3A_255 = vector.broadcast %parallel_loop3A_254 : f32 to vector<16xf32>
        %parallel_loop3A_256 = arith.constant -5.000000e+00 : f32
        %parallel_loop3A_257 = arith.constant 5.000000e+00 : f32
        %parallel_loop3A_258 = vector.broadcast %parallel_loop3A_256 : f32 to vector<16xf32>
        %parallel_loop3A_259 = arith.maximumf %parallel_loop3A_258, %parallel_loop3A_255 : vector<16xf32>
        %parallel_loop3A_260 = vector.broadcast %parallel_loop3A_257 : f32 to vector<16xf32>
        %parallel_loop3A_261 = arith.minimumf %parallel_loop3A_260, %parallel_loop3A_259 : vector<16xf32>
        %parallel_loop3A_262 = math.exp %parallel_loop3A_261 : vector<16xf32>
        %parallel_loop3A_263 = arith.index_cast %parallel_loop3A_107 : i32 to index
        %parallel_loop3A_264 = arith.constant 176 : index
        %parallel_loop3A_265 = tpu.vector_load %arg16[%parallel_loop3A_263, %parallel_loop3A_264] {strides = array<i32>} : memref<40x256xf32, #tpu.memory_space<vmem>>, vector<16xf32>,
        %parallel_loop3A_266 = arith.mulf %parallel_loop3A_265, %parallel_loop3A_262 : vector<16xf32>
        %parallel_loop3A_267 = arith.index_cast %parallel_loop3A_107 : i32 to index
        %parallel_loop3A_268 = arith.constant 48 : index
        %parallel_loop3A_269 = tpu.vector_load %arg20[%parallel_loop3A_267, %parallel_loop3A_268] {strides = array<i32>} : memref<40x128xf32, #tpu.memory_space<vmem>>, vector<16xf32>,
        tpu.vector_store %arg20[%parallel_loop3A_267, %parallel_loop3A_268], %parallel_loop3A_266 {strides = array<i32>} : memref<40x128xf32, #tpu.memory_space<vmem>>, vector<16xf32>,
        %parallel_loop3A_270 = arith.constant 3 : i32
        %parallel_loop3A_271 = vector.broadcast %parallel_loop3A_270 : i32 to vector<16xi32>
        %parallel_loop3A_272 = arith.cmpi eq, %iota3A, %parallel_loop3A_271 : vector<16xi32>
        %parallel_loop3A_273 = arith.select %parallel_loop3A_272, %parallel_loop3A_262, %parallel_loop3A_232 : vector<16xi1>, vector<16xf32>
        %parallel_loop3A_274 = arith.index_cast %parallel_loop3A_107 : i32 to index
        %parallel_loop3A_275 = arith.constant 64 : index
        %parallel_loop3A_276 = tpu.vector_load %arg16[%parallel_loop3A_274, %parallel_loop3A_275] {strides = array<i32>} : memref<40x256xf32, #tpu.memory_space<vmem>>, vector<16xf32>,
        %parallel_loop3A_277 = arith.index_cast %parallel_loop3A_107 : i32 to index
        %parallel_loop3A_278 = arith.constant 64 : index
        %parallel_loop3A_279 = tpu.vector_load %arg17[%parallel_loop3A_277, %parallel_loop3A_278] {strides = array<i32>} : memref<40x128xf32, #tpu.memory_space<vmem>>, vector<16xf32>,
        %parallel_loop3A_280 = arith.index_cast %parallel_loop3A_107 : i32 to index
        %parallel_loop3A_281 = arith.constant 64 : index
        %parallel_loop3A_282 = tpu.vector_load %arg18[%parallel_loop3A_280, %parallel_loop3A_281] {strides = array<i32>} : memref<40x128xf32, #tpu.memory_space<vmem>>, vector<16xf32>,
        %parallel_loop3A_283 = arith.mulf %parallel_loop3A_276, %parallel_loop3A_279 : vector<16xf32>
        %parallel_loop3A_284 = arith.mulf %parallel_loop3A_283, %parallel_loop3A_282 : vector<16xf32>
        %parallel_loop3A_285 = arith.constant 2.500000e-01 : f32
        %parallel_loop3A_286 = vector.broadcast %parallel_loop3A_285 : f32 to vector<16xf32>
        %parallel_loop3A_287 = arith.mulf %parallel_loop3A_284, %parallel_loop3A_286 : vector<16xf32>
        %parallel_loop3A_288 = arith.index_cast %parallel_loop3A_107 : i32 to index
        %parallel_loop3A_289 = arith.constant 64 : index
        %parallel_loop3A_290 = tpu.vector_load %arg19[%parallel_loop3A_288, %parallel_loop3A_289] {strides = array<i32>} : memref<40x128xf32, #tpu.memory_space<vmem>>, vector<16xf32>,
        tpu.vector_store %arg19[%parallel_loop3A_288, %parallel_loop3A_289], %parallel_loop3A_287 {strides = array<i32>} : memref<40x128xf32, #tpu.memory_space<vmem>>, vector<16xf32>,
        %parallel_loop3A_291 = arith.constant true
        %parallel_loop3A_292 = vector.broadcast %parallel_loop3A_291 : i1 to vector<16xi1>
        %parallel_loop3A_293 = tpu.scan <sum>, %parallel_loop3A_287 masked %parallel_loop3A_292 : vector<16xf32>, vector<16xi1> -> vector<16xf32>
        %parallel_loop3A_294 = vector.extract_strided_slice %parallel_loop3A_293 {offsets = [15], sizes = [1], strides = [1]} : vector<16xf32> to vector<1xf32>
        %parallel_loop3A_295 = vector.extract %parallel_loop3A_294[0] : f32 from vector<1xf32>
        %parallel_loop3A_296 = vector.broadcast %parallel_loop3A_295 : f32 to vector<16xf32>
        %parallel_loop3A_297 = arith.constant -5.000000e+00 : f32
        %parallel_loop3A_298 = arith.constant 5.000000e+00 : f32
        %parallel_loop3A_299 = vector.broadcast %parallel_loop3A_297 : f32 to vector<16xf32>
        %parallel_loop3A_300 = arith.maximumf %parallel_loop3A_299, %parallel_loop3A_296 : vector<16xf32>
        %parallel_loop3A_301 = vector.broadcast %parallel_loop3A_298 : f32 to vector<16xf32>
        %parallel_loop3A_302 = arith.minimumf %parallel_loop3A_301, %parallel_loop3A_300 : vector<16xf32>
        %parallel_loop3A_303 = math.exp %parallel_loop3A_302 : vector<16xf32>
        %parallel_loop3A_304 = arith.index_cast %parallel_loop3A_107 : i32 to index
        %parallel_loop3A_305 = arith.constant 192 : index
        %parallel_loop3A_306 = tpu.vector_load %arg16[%parallel_loop3A_304, %parallel_loop3A_305] {strides = array<i32>} : memref<40x256xf32, #tpu.memory_space<vmem>>, vector<16xf32>,
        %parallel_loop3A_307 = arith.mulf %parallel_loop3A_306, %parallel_loop3A_303 : vector<16xf32>
        %parallel_loop3A_308 = arith.index_cast %parallel_loop3A_107 : i32 to index
        %parallel_loop3A_309 = arith.constant 64 : index
        %parallel_loop3A_310 = tpu.vector_load %arg20[%parallel_loop3A_308, %parallel_loop3A_309] {strides = array<i32>} : memref<40x128xf32, #tpu.memory_space<vmem>>, vector<16xf32>,
        tpu.vector_store %arg20[%parallel_loop3A_308, %parallel_loop3A_309], %parallel_loop3A_307 {strides = array<i32>} : memref<40x128xf32, #tpu.memory_space<vmem>>, vector<16xf32>,
        %parallel_loop3A_311 = arith.constant 4 : i32
        %parallel_loop3A_312 = vector.broadcast %parallel_loop3A_311 : i32 to vector<16xi32>
        %parallel_loop3A_313 = arith.cmpi eq, %iota3A, %parallel_loop3A_312 : vector<16xi32>
        %parallel_loop3A_314 = arith.select %parallel_loop3A_313, %parallel_loop3A_303, %parallel_loop3A_273 : vector<16xi1>, vector<16xf32>
        %parallel_loop3A_315 = arith.index_cast %parallel_loop3A_107 : i32 to index
        %parallel_loop3A_316 = arith.constant 80 : index
        %parallel_loop3A_317 = tpu.vector_load %arg16[%parallel_loop3A_315, %parallel_loop3A_316] {strides = array<i32>} : memref<40x256xf32, #tpu.memory_space<vmem>>, vector<16xf32>,
        %parallel_loop3A_318 = arith.index_cast %parallel_loop3A_107 : i32 to index
        %parallel_loop3A_319 = arith.constant 80 : index
        %parallel_loop3A_320 = tpu.vector_load %arg17[%parallel_loop3A_318, %parallel_loop3A_319] {strides = array<i32>} : memref<40x128xf32, #tpu.memory_space<vmem>>, vector<16xf32>,
        %parallel_loop3A_321 = arith.index_cast %parallel_loop3A_107 : i32 to index
        %parallel_loop3A_322 = arith.constant 80 : index
        %parallel_loop3A_323 = tpu.vector_load %arg18[%parallel_loop3A_321, %parallel_loop3A_322] {strides = array<i32>} : memref<40x128xf32, #tpu.memory_space<vmem>>, vector<16xf32>,
        %parallel_loop3A_324 = arith.mulf %parallel_loop3A_317, %parallel_loop3A_320 : vector<16xf32>
        %parallel_loop3A_325 = arith.mulf %parallel_loop3A_324, %parallel_loop3A_323 : vector<16xf32>
        %parallel_loop3A_326 = arith.constant 2.500000e-01 : f32
        %parallel_loop3A_327 = vector.broadcast %parallel_loop3A_326 : f32 to vector<16xf32>
        %parallel_loop3A_328 = arith.mulf %parallel_loop3A_325, %parallel_loop3A_327 : vector<16xf32>
        %parallel_loop3A_329 = arith.index_cast %parallel_loop3A_107 : i32 to index
        %parallel_loop3A_330 = arith.constant 80 : index
        %parallel_loop3A_331 = tpu.vector_load %arg19[%parallel_loop3A_329, %parallel_loop3A_330] {strides = array<i32>} : memref<40x128xf32, #tpu.memory_space<vmem>>, vector<16xf32>,
        tpu.vector_store %arg19[%parallel_loop3A_329, %parallel_loop3A_330], %parallel_loop3A_328 {strides = array<i32>} : memref<40x128xf32, #tpu.memory_space<vmem>>, vector<16xf32>,
        %parallel_loop3A_332 = arith.constant true
        %parallel_loop3A_333 = vector.broadcast %parallel_loop3A_332 : i1 to vector<16xi1>
        %parallel_loop3A_334 = tpu.scan <sum>, %parallel_loop3A_328 masked %parallel_loop3A_333 : vector<16xf32>, vector<16xi1> -> vector<16xf32>
        %parallel_loop3A_335 = vector.extract_strided_slice %parallel_loop3A_334 {offsets = [15], sizes = [1], strides = [1]} : vector<16xf32> to vector<1xf32>
        %parallel_loop3A_336 = vector.extract %parallel_loop3A_335[0] : f32 from vector<1xf32>
        %parallel_loop3A_337 = vector.broadcast %parallel_loop3A_336 : f32 to vector<16xf32>
        %parallel_loop3A_338 = arith.constant -5.000000e+00 : f32
        %parallel_loop3A_339 = arith.constant 5.000000e+00 : f32
        %parallel_loop3A_340 = vector.broadcast %parallel_loop3A_338 : f32 to vector<16xf32>
        %parallel_loop3A_341 = arith.maximumf %parallel_loop3A_340, %parallel_loop3A_337 : vector<16xf32>
        %parallel_loop3A_342 = vector.broadcast %parallel_loop3A_339 : f32 to vector<16xf32>
        %parallel_loop3A_343 = arith.minimumf %parallel_loop3A_342, %parallel_loop3A_341 : vector<16xf32>
        %parallel_loop3A_344 = math.exp %parallel_loop3A_343 : vector<16xf32>
        %parallel_loop3A_345 = arith.index_cast %parallel_loop3A_107 : i32 to index
        %parallel_loop3A_346 = arith.constant 208 : index
        %parallel_loop3A_347 = tpu.vector_load %arg16[%parallel_loop3A_345, %parallel_loop3A_346] {strides = array<i32>} : memref<40x256xf32, #tpu.memory_space<vmem>>, vector<16xf32>,
        %parallel_loop3A_348 = arith.mulf %parallel_loop3A_347, %parallel_loop3A_344 : vector<16xf32>
        %parallel_loop3A_349 = arith.index_cast %parallel_loop3A_107 : i32 to index
        %parallel_loop3A_350 = arith.constant 80 : index
        %parallel_loop3A_351 = tpu.vector_load %arg20[%parallel_loop3A_349, %parallel_loop3A_350] {strides = array<i32>} : memref<40x128xf32, #tpu.memory_space<vmem>>, vector<16xf32>,
        tpu.vector_store %arg20[%parallel_loop3A_349, %parallel_loop3A_350], %parallel_loop3A_348 {strides = array<i32>} : memref<40x128xf32, #tpu.memory_space<vmem>>, vector<16xf32>,
        %parallel_loop3A_352 = arith.constant 5 : i32
        %parallel_loop3A_353 = vector.broadcast %parallel_loop3A_352 : i32 to vector<16xi32>
        %parallel_loop3A_354 = arith.cmpi eq, %iota3A, %parallel_loop3A_353 : vector<16xi32>
        %parallel_loop3A_355 = arith.select %parallel_loop3A_354, %parallel_loop3A_344, %parallel_loop3A_314 : vector<16xi1>, vector<16xf32>
        %parallel_loop3A_356 = arith.index_cast %parallel_loop3A_107 : i32 to index
        %parallel_loop3A_357 = arith.constant 96 : index
        %parallel_loop3A_358 = tpu.vector_load %arg16[%parallel_loop3A_356, %parallel_loop3A_357] {strides = array<i32>} : memref<40x256xf32, #tpu.memory_space<vmem>>, vector<16xf32>,
        %parallel_loop3A_359 = arith.index_cast %parallel_loop3A_107 : i32 to index
        %parallel_loop3A_360 = arith.constant 96 : index
        %parallel_loop3A_361 = tpu.vector_load %arg17[%parallel_loop3A_359, %parallel_loop3A_360] {strides = array<i32>} : memref<40x128xf32, #tpu.memory_space<vmem>>, vector<16xf32>,
        %parallel_loop3A_362 = arith.index_cast %parallel_loop3A_107 : i32 to index
        %parallel_loop3A_363 = arith.constant 96 : index
        %parallel_loop3A_364 = tpu.vector_load %arg18[%parallel_loop3A_362, %parallel_loop3A_363] {strides = array<i32>} : memref<40x128xf32, #tpu.memory_space<vmem>>, vector<16xf32>,
        %parallel_loop3A_365 = arith.mulf %parallel_loop3A_358, %parallel_loop3A_361 : vector<16xf32>
        %parallel_loop3A_366 = arith.mulf %parallel_loop3A_365, %parallel_loop3A_364 : vector<16xf32>
        %parallel_loop3A_367 = arith.constant 2.500000e-01 : f32
        %parallel_loop3A_368 = vector.broadcast %parallel_loop3A_367 : f32 to vector<16xf32>
        %parallel_loop3A_369 = arith.mulf %parallel_loop3A_366, %parallel_loop3A_368 : vector<16xf32>
        %parallel_loop3A_370 = arith.index_cast %parallel_loop3A_107 : i32 to index
        %parallel_loop3A_371 = arith.constant 96 : index
        %parallel_loop3A_372 = tpu.vector_load %arg19[%parallel_loop3A_370, %parallel_loop3A_371] {strides = array<i32>} : memref<40x128xf32, #tpu.memory_space<vmem>>, vector<16xf32>,
        tpu.vector_store %arg19[%parallel_loop3A_370, %parallel_loop3A_371], %parallel_loop3A_369 {strides = array<i32>} : memref<40x128xf32, #tpu.memory_space<vmem>>, vector<16xf32>,
        %parallel_loop3A_373 = arith.constant true
        %parallel_loop3A_374 = vector.broadcast %parallel_loop3A_373 : i1 to vector<16xi1>
        %parallel_loop3A_375 = tpu.scan <sum>, %parallel_loop3A_369 masked %parallel_loop3A_374 : vector<16xf32>, vector<16xi1> -> vector<16xf32>
        %parallel_loop3A_376 = vector.extract_strided_slice %parallel_loop3A_375 {offsets = [15], sizes = [1], strides = [1]} : vector<16xf32> to vector<1xf32>
        %parallel_loop3A_377 = vector.extract %parallel_loop3A_376[0] : f32 from vector<1xf32>
        %parallel_loop3A_378 = vector.broadcast %parallel_loop3A_377 : f32 to vector<16xf32>
        %parallel_loop3A_379 = arith.constant -5.000000e+00 : f32
        %parallel_loop3A_380 = arith.constant 5.000000e+00 : f32
        %parallel_loop3A_381 = vector.broadcast %parallel_loop3A_379 : f32 to vector<16xf32>
        %parallel_loop3A_382 = arith.maximumf %parallel_loop3A_381, %parallel_loop3A_378 : vector<16xf32>
        %parallel_loop3A_383 = vector.broadcast %parallel_loop3A_380 : f32 to vector<16xf32>
        %parallel_loop3A_384 = arith.minimumf %parallel_loop3A_383, %parallel_loop3A_382 : vector<16xf32>
        %parallel_loop3A_385 = math.exp %parallel_loop3A_384 : vector<16xf32>
        %parallel_loop3A_386 = arith.index_cast %parallel_loop3A_107 : i32 to index
        %parallel_loop3A_387 = arith.constant 224 : index
        %parallel_loop3A_388 = tpu.vector_load %arg16[%parallel_loop3A_386, %parallel_loop3A_387] {strides = array<i32>} : memref<40x256xf32, #tpu.memory_space<vmem>>, vector<16xf32>,
        %parallel_loop3A_389 = arith.mulf %parallel_loop3A_388, %parallel_loop3A_385 : vector<16xf32>
        %parallel_loop3A_390 = arith.index_cast %parallel_loop3A_107 : i32 to index
        %parallel_loop3A_391 = arith.constant 96 : index
        %parallel_loop3A_392 = tpu.vector_load %arg20[%parallel_loop3A_390, %parallel_loop3A_391] {strides = array<i32>} : memref<40x128xf32, #tpu.memory_space<vmem>>, vector<16xf32>,
        tpu.vector_store %arg20[%parallel_loop3A_390, %parallel_loop3A_391], %parallel_loop3A_389 {strides = array<i32>} : memref<40x128xf32, #tpu.memory_space<vmem>>, vector<16xf32>,
        %parallel_loop3A_393 = arith.constant 6 : i32
        %parallel_loop3A_394 = vector.broadcast %parallel_loop3A_393 : i32 to vector<16xi32>
        %parallel_loop3A_395 = arith.cmpi eq, %iota3A, %parallel_loop3A_394 : vector<16xi32>
        %parallel_loop3A_396 = arith.select %parallel_loop3A_395, %parallel_loop3A_385, %parallel_loop3A_355 : vector<16xi1>, vector<16xf32>
        %parallel_loop3A_397 = arith.index_cast %parallel_loop3A_107 : i32 to index
        %parallel_loop3A_398 = arith.constant 112 : index
        %parallel_loop3A_399 = tpu.vector_load %arg16[%parallel_loop3A_397, %parallel_loop3A_398] {strides = array<i32>} : memref<40x256xf32, #tpu.memory_space<vmem>>, vector<16xf32>,
        %parallel_loop3A_400 = arith.index_cast %parallel_loop3A_107 : i32 to index
        %parallel_loop3A_401 = arith.constant 112 : index
        %parallel_loop3A_402 = tpu.vector_load %arg17[%parallel_loop3A_400, %parallel_loop3A_401] {strides = array<i32>} : memref<40x128xf32, #tpu.memory_space<vmem>>, vector<16xf32>,
        %parallel_loop3A_403 = arith.index_cast %parallel_loop3A_107 : i32 to index
        %parallel_loop3A_404 = arith.constant 112 : index
        %parallel_loop3A_405 = tpu.vector_load %arg18[%parallel_loop3A_403, %parallel_loop3A_404] {strides = array<i32>} : memref<40x128xf32, #tpu.memory_space<vmem>>, vector<16xf32>,
        %parallel_loop3A_406 = arith.mulf %parallel_loop3A_399, %parallel_loop3A_402 : vector<16xf32>
        %parallel_loop3A_407 = arith.mulf %parallel_loop3A_406, %parallel_loop3A_405 : vector<16xf32>
        %parallel_loop3A_408 = arith.constant 2.500000e-01 : f32
        %parallel_loop3A_409 = vector.broadcast %parallel_loop3A_408 : f32 to vector<16xf32>
        %parallel_loop3A_410 = arith.mulf %parallel_loop3A_407, %parallel_loop3A_409 : vector<16xf32>
        %parallel_loop3A_411 = arith.index_cast %parallel_loop3A_107 : i32 to index
        %parallel_loop3A_412 = arith.constant 112 : index
        %parallel_loop3A_413 = tpu.vector_load %arg19[%parallel_loop3A_411, %parallel_loop3A_412] {strides = array<i32>} : memref<40x128xf32, #tpu.memory_space<vmem>>, vector<16xf32>,
        tpu.vector_store %arg19[%parallel_loop3A_411, %parallel_loop3A_412], %parallel_loop3A_410 {strides = array<i32>} : memref<40x128xf32, #tpu.memory_space<vmem>>, vector<16xf32>,
        %parallel_loop3A_414 = arith.constant true
        %parallel_loop3A_415 = vector.broadcast %parallel_loop3A_414 : i1 to vector<16xi1>
        %parallel_loop3A_416 = tpu.scan <sum>, %parallel_loop3A_410 masked %parallel_loop3A_415 : vector<16xf32>, vector<16xi1> -> vector<16xf32>
        %parallel_loop3A_417 = vector.extract_strided_slice %parallel_loop3A_416 {offsets = [15], sizes = [1], strides = [1]} : vector<16xf32> to vector<1xf32>
        %parallel_loop3A_418 = vector.extract %parallel_loop3A_417[0] : f32 from vector<1xf32>
        %parallel_loop3A_419 = vector.broadcast %parallel_loop3A_418 : f32 to vector<16xf32>
        %parallel_loop3A_420 = arith.constant -5.000000e+00 : f32
        %parallel_loop3A_421 = arith.constant 5.000000e+00 : f32
        %parallel_loop3A_422 = vector.broadcast %parallel_loop3A_420 : f32 to vector<16xf32>
        %parallel_loop3A_423 = arith.maximumf %parallel_loop3A_422, %parallel_loop3A_419 : vector<16xf32>
        %parallel_loop3A_424 = vector.broadcast %parallel_loop3A_421 : f32 to vector<16xf32>
        %parallel_loop3A_425 = arith.minimumf %parallel_loop3A_424, %parallel_loop3A_423 : vector<16xf32>
        %parallel_loop3A_426 = math.exp %parallel_loop3A_425 : vector<16xf32>
        %parallel_loop3A_427 = arith.index_cast %parallel_loop3A_107 : i32 to index
        %parallel_loop3A_428 = arith.constant 240 : index
        %parallel_loop3A_429 = tpu.vector_load %arg16[%parallel_loop3A_427, %parallel_loop3A_428] {strides = array<i32>} : memref<40x256xf32, #tpu.memory_space<vmem>>, vector<16xf32>,
        %parallel_loop3A_430 = arith.mulf %parallel_loop3A_429, %parallel_loop3A_426 : vector<16xf32>
        %parallel_loop3A_431 = arith.index_cast %parallel_loop3A_107 : i32 to index
        %parallel_loop3A_432 = arith.constant 112 : index
        %parallel_loop3A_433 = tpu.vector_load %arg20[%parallel_loop3A_431, %parallel_loop3A_432] {strides = array<i32>} : memref<40x128xf32, #tpu.memory_space<vmem>>, vector<16xf32>,
        tpu.vector_store %arg20[%parallel_loop3A_431, %parallel_loop3A_432], %parallel_loop3A_430 {strides = array<i32>} : memref<40x128xf32, #tpu.memory_space<vmem>>, vector<16xf32>,
        %parallel_loop3A_434 = arith.constant 7 : i32
        %parallel_loop3A_435 = vector.broadcast %parallel_loop3A_434 : i32 to vector<16xi32>
        %parallel_loop3A_436 = arith.cmpi eq, %iota3A, %parallel_loop3A_435 : vector<16xi32>
        %parallel_loop3A_437 = arith.select %parallel_loop3A_436, %parallel_loop3A_426, %parallel_loop3A_396 : vector<16xi1>, vector<16xf32>
        %parallel_loop3A_438 = arith.index_cast %parallel_loop3A_107 : i32 to index
        %parallel_loop3A_439 = tpu.vector_load %arg14[%parallel_loop3A_438] {strides = array<i32>} : memref<56xi32, #tpu.memory_space<vmem>>, vector<16xi32>,
        %parallel_loop3A_440 = vector.extract_strided_slice %parallel_loop3A_439 {offsets = [0], sizes = [1], strides = [1]} : vector<16xi32> to vector<1xi32>
        %parallel_loop3A_441 = vector.extract %parallel_loop3A_440[0] : i32 from vector<1xi32>
        %parallel_loop3A_442 = vector.broadcast %parallel_loop3A_441 : i32 to vector<16xi32>
        %parallel_loop3A_443 = arith.index_cast %parallel_loop3A_107 : i32 to index
        %parallel_loop3A_444 = tpu.vector_load %arg15[%parallel_loop3A_443] {strides = array<i32>} : memref<56xi32, #tpu.memory_space<vmem>>, vector<16xi32>,
        %parallel_loop3A_445 = vector.extract_strided_slice %parallel_loop3A_444 {offsets = [0], sizes = [1], strides = [1]} : vector<16xi32> to vector<1xi32>
        %parallel_loop3A_446 = vector.extract %parallel_loop3A_445[0] : i32 from vector<1xi32>
        %parallel_loop3A_447 = vector.broadcast %parallel_loop3A_446 : i32 to vector<16xi32>
        %parallel_loop3A_448 = arith.constant 0 : i32
        %parallel_loop3A_449 = vector.broadcast %parallel_loop3A_448 : i32 to vector<16xi32>
        %parallel_loop3A_450 = arith.cmpi slt, %and3A_104, %parallel_loop3A_449 : vector<16xi32>
        %parallel_loop3A_451 = arith.constant 16 : i32
        %parallel_loop3A_452 = vector.broadcast %parallel_loop3A_451 : i32 to vector<16xi32>
        %parallel_loop3A_453 = arith.addi %and3A_104, %parallel_loop3A_452 : vector<16xi32>
        %parallel_loop3A_454 = arith.select %parallel_loop3A_450, %parallel_loop3A_453, %and3A_104 : vector<16xi1>, vector<16xi32>
        %parallel_loop3A_455 = vector.shape_cast %parallel_loop3A_454 : vector<16xi32> to vector<16x1xi32>
        %parallel_loop3A_456 = vector.shape_cast %parallel_loop3A_455 : vector<16x1xi32> to vector<16xi32>
        %parallel_loop3A_457 = tpu.dynamic_gather %parallel_loop3A_437[%parallel_loop3A_456] in [0] : vector<16xf32>, vector<16xi32> -> vector<16xf32>
        %parallel_loop3A_458 = arith.constant 1 : i32
        %parallel_loop3A_459 = vector.broadcast %parallel_loop3A_458 : i32 to vector<16xi32>
        %parallel_loop3A_460 = arith.cmpi eq, %parallel_loop3A_447, %parallel_loop3A_459 : vector<16xi32>
        %parallel_loop3A_461 = arith.select %parallel_loop3A_460, %parallel_loop3A_457, %parallel_loop3A_437 : vector<16xi1>, vector<16xf32>
        %parallel_loop3A_462 = arith.constant 0 : i32
        %parallel_loop3A_463 = vector.broadcast %parallel_loop3A_462 : i32 to vector<16xi32>
        %parallel_loop3A_464 = arith.cmpi eq, %parallel_loop3A_442, %parallel_loop3A_463 : vector<16xi32>
        %parallel_loop3A_465 = arith.constant 0.000000e+00 : f32
        %parallel_loop3A_466 = vector.broadcast %parallel_loop3A_465 : f32 to vector<16xf32>
        %parallel_loop3A_467 = arith.select %parallel_loop3A_464, %parallel_loop3A_461, %parallel_loop3A_466 : vector<16xi1>, vector<16xf32>
        %parallel_loop3A_468 = arith.index_cast %parallel_loop3A_107 : i32 to index
        %parallel_loop3A_469 = arith.constant 0 : index
        %parallel_loop3A_470 = tpu.vector_load %arg21[%parallel_loop3A_468, %parallel_loop3A_469] {strides = array<i32>} : memref<40x128xf32, #tpu.memory_space<vmem>>, vector<16xf32>,
        tpu.vector_store %arg21[%parallel_loop3A_468, %parallel_loop3A_469], %parallel_loop3A_467 {strides = array<i32>} : memref<40x128xf32, #tpu.memory_space<vmem>>, vector<16xf32>,
        %parallel_loop3A_471 = arith.constant 1 : i32
        %parallel_loop3A_472 = vector.broadcast %parallel_loop3A_471 : i32 to vector<16xi32>
        %parallel_loop3A_473 = arith.cmpi eq, %parallel_loop3A_442, %parallel_loop3A_472 : vector<16xi32>
        %parallel_loop3A_474 = arith.constant 0.000000e+00 : f32
        %parallel_loop3A_475 = vector.broadcast %parallel_loop3A_474 : f32 to vector<16xf32>
        %parallel_loop3A_476 = arith.select %parallel_loop3A_473, %parallel_loop3A_461, %parallel_loop3A_475 : vector<16xi1>, vector<16xf32>
        %parallel_loop3A_477 = arith.index_cast %parallel_loop3A_107 : i32 to index
        %parallel_loop3A_478 = arith.constant 16 : index
        %parallel_loop3A_479 = tpu.vector_load %arg21[%parallel_loop3A_477, %parallel_loop3A_478] {strides = array<i32>} : memref<40x128xf32, #tpu.memory_space<vmem>>, vector<16xf32>,
        tpu.vector_store %arg21[%parallel_loop3A_477, %parallel_loop3A_478], %parallel_loop3A_476 {strides = array<i32>} : memref<40x128xf32, #tpu.memory_space<vmem>>, vector<16xf32>,
        %parallel_loop3A_480 = arith.constant 2 : i32
        %parallel_loop3A_481 = vector.broadcast %parallel_loop3A_480 : i32 to vector<16xi32>
        %parallel_loop3A_482 = arith.cmpi eq, %parallel_loop3A_442, %parallel_loop3A_481 : vector<16xi32>
        %parallel_loop3A_483 = arith.constant 0.000000e+00 : f32
        %parallel_loop3A_484 = vector.broadcast %parallel_loop3A_483 : f32 to vector<16xf32>
        %parallel_loop3A_485 = arith.select %parallel_loop3A_482, %parallel_loop3A_461, %parallel_loop3A_484 : vector<16xi1>, vector<16xf32>
        %parallel_loop3A_486 = arith.index_cast %parallel_loop3A_107 : i32 to index
        %parallel_loop3A_487 = arith.constant 32 : index
        %parallel_loop3A_488 = tpu.vector_load %arg21[%parallel_loop3A_486, %parallel_loop3A_487] {strides = array<i32>} : memref<40x128xf32, #tpu.memory_space<vmem>>, vector<16xf32>,
        tpu.vector_store %arg21[%parallel_loop3A_486, %parallel_loop3A_487], %parallel_loop3A_485 {strides = array<i32>} : memref<40x128xf32, #tpu.memory_space<vmem>>, vector<16xf32>,
        %parallel_loop3A_489 = arith.constant 3 : i32
        %parallel_loop3A_490 = vector.broadcast %parallel_loop3A_489 : i32 to vector<16xi32>
        %parallel_loop3A_491 = arith.cmpi eq, %parallel_loop3A_442, %parallel_loop3A_490 : vector<16xi32>
        %parallel_loop3A_492 = arith.constant 0.000000e+00 : f32
        %parallel_loop3A_493 = vector.broadcast %parallel_loop3A_492 : f32 to vector<16xf32>
        %parallel_loop3A_494 = arith.select %parallel_loop3A_491, %parallel_loop3A_461, %parallel_loop3A_493 : vector<16xi1>, vector<16xf32>
        %parallel_loop3A_495 = arith.index_cast %parallel_loop3A_107 : i32 to index
        %parallel_loop3A_496 = arith.constant 48 : index
        %parallel_loop3A_497 = tpu.vector_load %arg21[%parallel_loop3A_495, %parallel_loop3A_496] {strides = array<i32>} : memref<40x128xf32, #tpu.memory_space<vmem>>, vector<16xf32>,
        tpu.vector_store %arg21[%parallel_loop3A_495, %parallel_loop3A_496], %parallel_loop3A_494 {strides = array<i32>} : memref<40x128xf32, #tpu.memory_space<vmem>>, vector<16xf32>,
        %parallel_loop3A_498 = arith.constant 4 : i32
        %parallel_loop3A_499 = vector.broadcast %parallel_loop3A_498 : i32 to vector<16xi32>
        %parallel_loop3A_500 = arith.cmpi eq, %parallel_loop3A_442, %parallel_loop3A_499 : vector<16xi32>
        %parallel_loop3A_501 = arith.constant 0.000000e+00 : f32
        %parallel_loop3A_502 = vector.broadcast %parallel_loop3A_501 : f32 to vector<16xf32>
        %parallel_loop3A_503 = arith.select %parallel_loop3A_500, %parallel_loop3A_461, %parallel_loop3A_502 : vector<16xi1>, vector<16xf32>
        %parallel_loop3A_504 = arith.index_cast %parallel_loop3A_107 : i32 to index
        %parallel_loop3A_505 = arith.constant 64 : index
        %parallel_loop3A_506 = tpu.vector_load %arg21[%parallel_loop3A_504, %parallel_loop3A_505] {strides = array<i32>} : memref<40x128xf32, #tpu.memory_space<vmem>>, vector<16xf32>,
        tpu.vector_store %arg21[%parallel_loop3A_504, %parallel_loop3A_505], %parallel_loop3A_503 {strides = array<i32>} : memref<40x128xf32, #tpu.memory_space<vmem>>, vector<16xf32>,
        %parallel_loop3A_507 = arith.constant 5 : i32
        %parallel_loop3A_508 = vector.broadcast %parallel_loop3A_507 : i32 to vector<16xi32>
        %parallel_loop3A_509 = arith.cmpi eq, %parallel_loop3A_442, %parallel_loop3A_508 : vector<16xi32>
        %parallel_loop3A_510 = arith.constant 0.000000e+00 : f32
        %parallel_loop3A_511 = vector.broadcast %parallel_loop3A_510 : f32 to vector<16xf32>
        %parallel_loop3A_512 = arith.select %parallel_loop3A_509, %parallel_loop3A_461, %parallel_loop3A_511 : vector<16xi1>, vector<16xf32>
        %parallel_loop3A_513 = arith.index_cast %parallel_loop3A_107 : i32 to index
        %parallel_loop3A_514 = arith.constant 80 : index
        %parallel_loop3A_515 = tpu.vector_load %arg21[%parallel_loop3A_513, %parallel_loop3A_514] {strides = array<i32>} : memref<40x128xf32, #tpu.memory_space<vmem>>, vector<16xf32>,
        tpu.vector_store %arg21[%parallel_loop3A_513, %parallel_loop3A_514], %parallel_loop3A_512 {strides = array<i32>} : memref<40x128xf32, #tpu.memory_space<vmem>>, vector<16xf32>,
        %parallel_loop3A_516 = arith.constant 6 : i32
        %parallel_loop3A_517 = vector.broadcast %parallel_loop3A_516 : i32 to vector<16xi32>
        %parallel_loop3A_518 = arith.cmpi eq, %parallel_loop3A_442, %parallel_loop3A_517 : vector<16xi32>
        %parallel_loop3A_519 = arith.constant 0.000000e+00 : f32
        %parallel_loop3A_520 = vector.broadcast %parallel_loop3A_519 : f32 to vector<16xf32>
        %parallel_loop3A_521 = arith.select %parallel_loop3A_518, %parallel_loop3A_461, %parallel_loop3A_520 : vector<16xi1>, vector<16xf32>
        %parallel_loop3A_522 = arith.index_cast %parallel_loop3A_107 : i32 to index
        %parallel_loop3A_523 = arith.constant 96 : index
        %parallel_loop3A_524 = tpu.vector_load %arg21[%parallel_loop3A_522, %parallel_loop3A_523] {strides = array<i32>} : memref<40x128xf32, #tpu.memory_space<vmem>>, vector<16xf32>,
        tpu.vector_store %arg21[%parallel_loop3A_522, %parallel_loop3A_523], %parallel_loop3A_521 {strides = array<i32>} : memref<40x128xf32, #tpu.memory_space<vmem>>, vector<16xf32>,
        %parallel_loop3A_525 = arith.constant 7 : i32
        %parallel_loop3A_526 = vector.broadcast %parallel_loop3A_525 : i32 to vector<16xi32>
        %parallel_loop3A_527 = arith.cmpi eq, %parallel_loop3A_442, %parallel_loop3A_526 : vector<16xi32>
        %parallel_loop3A_528 = arith.constant 0.000000e+00 : f32
        %parallel_loop3A_529 = vector.broadcast %parallel_loop3A_528 : f32 to vector<16xf32>
        %parallel_loop3A_530 = arith.select %parallel_loop3A_527, %parallel_loop3A_461, %parallel_loop3A_529 : vector<16xi1>, vector<16xf32>
        %parallel_loop3A_531 = arith.index_cast %parallel_loop3A_107 : i32 to index
        %parallel_loop3A_532 = arith.constant 112 : index
        %parallel_loop3A_533 = tpu.vector_load %arg21[%parallel_loop3A_531, %parallel_loop3A_532] {strides = array<i32>} : memref<40x128xf32, #tpu.memory_space<vmem>>, vector<16xf32>,
        tpu.vector_store %arg21[%parallel_loop3A_531, %parallel_loop3A_532], %parallel_loop3A_530 {strides = array<i32>} : memref<40x128xf32, #tpu.memory_space<vmem>>, vector<16xf32>,
      } {sc.loop_unroll_factor = 2 : i64, sc.parallel_access}
      "tpu.region"() ({
        %run_scoped3A = tpu.sem_alloc : memref<!tpu.dma_semaphore, #tpu.memory_space<semaphore_mem>>
        %dma_start3A_107 = arith.constant 0 : i32
        %dma_start3A_108 = tpu.memref_slice %arg8[%add3A_32, %dma_start3A_107] : memref<320000x128xf32, #tpu.memory_space<hbm>> -> memref<40x128xf32, #tpu.memory_space<hbm>>
        %dma_start3A_109 = arith.constant 0 : i32
        %dma_start3A_110 = tpu.memref_slice %arg8[%add3A_32, %dma_start3A_109] : memref<320000x128xf32, #tpu.memory_space<hbm>> -> memref<40x128xf32, #tpu.memory_space<hbm>>
        tpu.enqueue_dma source(%arg19 : memref<40x128xf32, #tpu.memory_space<vmem>>) target(%dma_start3A_110 : memref<40x128xf32, #tpu.memory_space<hbm>>) target_semaphore(%run_scoped3A : memref<!tpu.dma_semaphore, #tpu.memory_space<semaphore_mem>>)
        %dma_wait3A_111 = arith.constant 0 : i32
        %dma_wait3A_112 = tpu.memref_slice %arg8[%add3A_32, %dma_wait3A_111] : memref<320000x128xf32, #tpu.memory_space<hbm>> -> memref<40x128xf32, #tpu.memory_space<hbm>>
        %dma_wait3A_113 = arith.constant 0 : i32
        %dma_wait3A_114 = tpu.memref_slice %arg8[%add3A_32, %dma_wait3A_113] : memref<320000x128xf32, #tpu.memory_space<hbm>> -> memref<40x128xf32, #tpu.memory_space<hbm>>
        tpu.wait_dma2 semaphore(%run_scoped3A : memref<!tpu.dma_semaphore, #tpu.memory_space<semaphore_mem>>) src(%arg19 : memref<40x128xf32, #tpu.memory_space<vmem>>) dst(%dma_wait3A_114 : memref<40x128xf32, #tpu.memory_space<hbm>>)
        tpu.yield
      }) : () -> ()
      "tpu.region"() ({
        %run_scoped3A = tpu.sem_alloc : memref<!tpu.dma_semaphore, #tpu.memory_space<semaphore_mem>>
        %dma_start3A_107 = arith.constant 0 : i32
        %dma_start3A_108 = arith.constant 0 : i32
        %dma_start3A_109 = tpu.memref_slice %arg22[%dma_start3A_107, %dma_start3A_108] : memref<10000x128xf32, #tpu.memory_space<vmem_shared>> -> memref<10000x128xf32, #tpu.memory_space<vmem_shared>>
        tpu.enqueue_indirect_dma source(%arg20 : memref<40x128xf32, #tpu.memory_space<vmem>>) target(%dma_start3A_109 : memref<10000x128xf32, #tpu.memory_space<vmem_shared>>) offsets(%arg12 : memref<40xi32, #tpu.memory_space<vmem>>) semaphore(%run_scoped3A : memref<!tpu.dma_semaphore, #tpu.memory_space<semaphore_mem>>) {add = true}
        %dma_wait3A_110 = arith.constant 0 : i32
        %dma_wait3A_111 = arith.constant 0 : i32
        %dma_wait3A_112 = tpu.memref_slice %arg22[%dma_wait3A_110, %dma_wait3A_111] : memref<10000x128xf32, #tpu.memory_space<vmem_shared>> -> memref<10000x128xf32, #tpu.memory_space<vmem_shared>>
        tpu.wait_indirect_dma semaphore(%run_scoped3A : memref<!tpu.dma_semaphore, #tpu.memory_space<semaphore_mem>>) src(%arg20 : memref<40x128xf32, #tpu.memory_space<vmem>>) dst(%dma_wait3A_112 : memref<10000x128xf32, #tpu.memory_space<vmem_shared>>)
        tpu.yield
      }) : () -> ()
      "tpu.region"() ({
        %run_scoped3A = tpu.sem_alloc : memref<!tpu.dma_semaphore, #tpu.memory_space<semaphore_mem>>
        %dma_start3A_107 = arith.constant 0 : i32
        %dma_start3A_108 = arith.constant 0 : i32
        %dma_start3A_109 = tpu.memref_slice %arg23[%dma_start3A_107, %dma_start3A_108] : memref<640x128xf32, #tpu.memory_space<vmem_shared>> -> memref<640x128xf32, #tpu.memory_space<vmem_shared>>
        tpu.enqueue_indirect_dma source(%arg21 : memref<40x128xf32, #tpu.memory_space<vmem>>) target(%dma_start3A_109 : memref<640x128xf32, #tpu.memory_space<vmem_shared>>) offsets(%arg13 : memref<40xi32, #tpu.memory_space<vmem>>) semaphore(%run_scoped3A : memref<!tpu.dma_semaphore, #tpu.memory_space<semaphore_mem>>) {add = true}
        %dma_wait3A_110 = arith.constant 0 : i32
        %dma_wait3A_111 = arith.constant 0 : i32
        %dma_wait3A_112 = tpu.memref_slice %arg23[%dma_wait3A_110, %dma_wait3A_111] : memref<640x128xf32, #tpu.memory_space<vmem_shared>> -> memref<640x128xf32, #tpu.memory_space<vmem_shared>>
        tpu.wait_indirect_dma semaphore(%run_scoped3A : memref<!tpu.dma_semaphore, #tpu.memory_space<semaphore_mem>>) src(%arg21 : memref<40x128xf32, #tpu.memory_space<vmem>>) dst(%dma_wait3A_112 : memref<640x128xf32, #tpu.memory_space<vmem_shared>>)
        tpu.yield
      }) : () -> ()
    }
    %scan3A_17 = arith.constant 250 : i32
    %barrier3A_18 = arith.constant 0 : index
    tpu.barrier barrier_id(%barrier3A_18)
    "tpu.region"() ({
      %run_scoped3A = tpu.sem_alloc : memref<!tpu.dma_semaphore, #tpu.memory_space<semaphore_mem>>
      %dma_start3A = arith.constant 0 : i32
      %dma_start3A_29 = tpu.memref_slice %arg10[%arg0, %mul3A_6, %dma_start3A] : memref<2x640x128xf32, #tpu.memory_space<hbm>> -> memref<1x40x128xf32, #tpu.memory_space<hbm>>
      %dma_start3A_30 = tpu.memref_squeeze %dma_start3A_29 : memref<1x40x128xf32, #tpu.memory_space<hbm>> -> memref<40x128xf32, #tpu.memory_space<hbm>>
      %dma_start3A_31 = arith.constant 0 : i32
      %dma_start3A_32 = tpu.memref_slice %arg23[%mul3A_6, %dma_start3A_31] : memref<640x128xf32, #tpu.memory_space<vmem_shared>> -> memref<40x128xf32, #tpu.memory_space<vmem_shared>>
      tpu.enqueue_dma source(%dma_start3A_32 : memref<40x128xf32, #tpu.memory_space<vmem_shared>>) target(%dma_start3A_30 : memref<40x128xf32, #tpu.memory_space<hbm>>) target_semaphore(%run_scoped3A : memref<!tpu.dma_semaphore, #tpu.memory_space<semaphore_mem>>)
      %dma_wait3A = arith.constant 0 : i32
      %dma_wait3A_33 = tpu.memref_slice %arg10[%arg0, %mul3A_6, %dma_wait3A] : memref<2x640x128xf32, #tpu.memory_space<hbm>> -> memref<1x40x128xf32, #tpu.memory_space<hbm>>
      %dma_wait3A_34 = tpu.memref_squeeze %dma_wait3A_33 : memref<1x40x128xf32, #tpu.memory_space<hbm>> -> memref<40x128xf32, #tpu.memory_space<hbm>>
      %dma_wait3A_35 = arith.constant 0 : i32
      %dma_wait3A_36 = tpu.memref_slice %arg23[%mul3A_6, %dma_wait3A_35] : memref<640x128xf32, #tpu.memory_space<vmem_shared>> -> memref<40x128xf32, #tpu.memory_space<vmem_shared>>
      tpu.wait_dma2 semaphore(%run_scoped3A : memref<!tpu.dma_semaphore, #tpu.memory_space<semaphore_mem>>) src(%dma_wait3A_36 : memref<40x128xf32, #tpu.memory_space<vmem_shared>>) dst(%dma_wait3A_34 : memref<40x128xf32, #tpu.memory_space<hbm>>)
      tpu.yield
    }) : () -> ()
    %lt3A_19 = arith.constant 15 : i32
    %lt3A_20 = arith.cmpi slt, %arg1, %lt3A_19 : i32
    %convert_element_type3A_21 = arith.extui %lt3A_20 : i1 to i32
    %cond3A_22 = arith.constant 0 : i32
    %cond3A_23 = arith.cmpi ne, %convert_element_type3A_21, %cond3A_22 : i32
    scf.if %cond3A_23 {
      "tpu.region"() ({
        %run_scoped3A = tpu.sem_alloc : memref<!tpu.dma_semaphore, #tpu.memory_space<semaphore_mem>>
        %dma_start3A = arith.constant 0 : i32
        %dma_start3A_29 = tpu.memref_slice %arg9[%arg0, %mul3A_4, %dma_start3A] : memref<2x10000x128xf32, #tpu.memory_space<hbm>> -> memref<1x640x128xf32, #tpu.memory_space<hbm>>
        %dma_start3A_30 = tpu.memref_squeeze %dma_start3A_29 : memref<1x640x128xf32, #tpu.memory_space<hbm>> -> memref<640x128xf32, #tpu.memory_space<hbm>>
        %dma_start3A_31 = arith.constant 0 : i32
        %dma_start3A_32 = tpu.memref_slice %arg22[%mul3A_4, %dma_start3A_31] : memref<10000x128xf32, #tpu.memory_space<vmem_shared>> -> memref<640x128xf32, #tpu.memory_space<vmem_shared>>
        tpu.enqueue_dma source(%dma_start3A_32 : memref<640x128xf32, #tpu.memory_space<vmem_shared>>) target(%dma_start3A_30 : memref<640x128xf32, #tpu.memory_space<hbm>>) target_semaphore(%run_scoped3A : memref<!tpu.dma_semaphore, #tpu.memory_space<semaphore_mem>>)
        %dma_wait3A = arith.constant 0 : i32
        %dma_wait3A_33 = tpu.memref_slice %arg9[%arg0, %mul3A_4, %dma_wait3A] : memref<2x10000x128xf32, #tpu.memory_space<hbm>> -> memref<1x640x128xf32, #tpu.memory_space<hbm>>
        %dma_wait3A_34 = tpu.memref_squeeze %dma_wait3A_33 : memref<1x640x128xf32, #tpu.memory_space<hbm>> -> memref<640x128xf32, #tpu.memory_space<hbm>>
        %dma_wait3A_35 = arith.constant 0 : i32
        %dma_wait3A_36 = tpu.memref_slice %arg22[%mul3A_4, %dma_wait3A_35] : memref<10000x128xf32, #tpu.memory_space<vmem_shared>> -> memref<640x128xf32, #tpu.memory_space<vmem_shared>>
        tpu.wait_dma2 semaphore(%run_scoped3A : memref<!tpu.dma_semaphore, #tpu.memory_space<semaphore_mem>>) src(%dma_wait3A_36 : memref<640x128xf32, #tpu.memory_space<vmem_shared>>) dst(%dma_wait3A_34 : memref<640x128xf32, #tpu.memory_space<hbm>>)
        tpu.yield
      }) : () -> ()
    } else {
    }
    %eq3A_24 = arith.constant 15 : i32
    %eq3A_25 = arith.cmpi eq, %arg1, %eq3A_24 : i32
    %convert_element_type3A_26 = arith.extui %eq3A_25 : i1 to i32
    %cond3A_27 = arith.constant 0 : i32
    %cond3A_28 = arith.cmpi ne, %convert_element_type3A_26, %cond3A_27 : i32
    scf.if %cond3A_28 {
      "tpu.region"() ({
        %run_scoped3A = tpu.sem_alloc : memref<!tpu.dma_semaphore, #tpu.memory_space<semaphore_mem>>
        %dma_start3A = arith.constant 0 : i32
        %dma_start3A_29 = tpu.memref_slice %arg9[%arg0, %mul3A_4, %dma_start3A] : memref<2x10000x128xf32, #tpu.memory_space<hbm>> -> memref<1x400x128xf32, #tpu.memory_space<hbm>>
        %dma_start3A_30 = tpu.memref_squeeze %dma_start3A_29 : memref<1x400x128xf32, #tpu.memory_space<hbm>> -> memref<400x128xf32, #tpu.memory_space<hbm>>
        %dma_start3A_31 = arith.constant 0 : i32
        %dma_start3A_32 = tpu.memref_slice %arg22[%mul3A_4, %dma_start3A_31] : memref<10000x128xf32, #tpu.memory_space<vmem_shared>> -> memref<400x128xf32, #tpu.memory_space<vmem_shared>>
        tpu.enqueue_dma source(%dma_start3A_32 : memref<400x128xf32, #tpu.memory_space<vmem_shared>>) target(%dma_start3A_30 : memref<400x128xf32, #tpu.memory_space<hbm>>) target_semaphore(%run_scoped3A : memref<!tpu.dma_semaphore, #tpu.memory_space<semaphore_mem>>)
        %dma_wait3A = arith.constant 0 : i32
        %dma_wait3A_33 = tpu.memref_slice %arg9[%arg0, %mul3A_4, %dma_wait3A] : memref<2x10000x128xf32, #tpu.memory_space<hbm>> -> memref<1x400x128xf32, #tpu.memory_space<hbm>>
        %dma_wait3A_34 = tpu.memref_squeeze %dma_wait3A_33 : memref<1x400x128xf32, #tpu.memory_space<hbm>> -> memref<400x128xf32, #tpu.memory_space<hbm>>
        %dma_wait3A_35 = arith.constant 0 : i32
        %dma_wait3A_36 = tpu.memref_slice %arg22[%mul3A_4, %dma_wait3A_35] : memref<10000x128xf32, #tpu.memory_space<vmem_shared>> -> memref<400x128xf32, #tpu.memory_space<vmem_shared>>
        tpu.wait_dma2 semaphore(%run_scoped3A : memref<!tpu.dma_semaphore, #tpu.memory_space<semaphore_mem>>) src(%dma_wait3A_36 : memref<400x128xf32, #tpu.memory_space<vmem_shared>>) dst(%dma_wait3A_34 : memref<400x128xf32, #tpu.memory_space<hbm>>)
        tpu.yield
      }) : () -> ()
    } else {
    }
    return
  }
}

module attributes {stable_mosaic.version = 14 : i64} {
  func.func @_proj_edges_body(%arg0: i32, %arg1: memref<4000x128xf32, #tpu.memory_space<vmem>>, %arg2: memref<128x128xf32, #tpu.memory_space<vmem>>, %arg3: memref<1x128xf32, #tpu.memory_space<vmem>>, %arg4: memref<4000x128xf32, #tpu.memory_space<vmem>>) attributes {dimension_semantics = [#tpu.dimension_semantics<arbitrary>], iteration_bounds = array<i64: 80>, scalar_prefetch = 0 : i64, scratch_operands = 0 : i64, tpu.core_type = #tpu.core_type<tc>, window_params = [{transform_indices = @transform_0, window_bounds = array<i64: 4000, 128>}, {pipeline_mode = #tpu.pipeline_mode<synchronous>, transform_indices = @transform_1, window_bounds = array<i64: 128, 128>}, {pipeline_mode = #tpu.pipeline_mode<synchronous>, transform_indices = @transform_2, window_bounds = array<i64: 1, 128>}, {transform_indices = @transform_3, window_bounds = array<i64: 4000, 128>}]} {
    %get3A = arith.constant 0 : index
    %get3A_0 = arith.constant 0 : index
    %get3A_1 = vector.load %arg1[%get3A, %get3A_0] : memref<4000x128xf32, #tpu.memory_space<vmem>>, vector<4000x128xf32>
    %get3A_2 = arith.constant 0 : index
    %get3A_3 = arith.constant 0 : index
    %get3A_4 = vector.load %arg2[%get3A_2, %get3A_3] : memref<128x128xf32, #tpu.memory_space<vmem>>, vector<128x128xf32>
    %dot_general3A = arith.constant dense<0.000000e+00> : vector<4000x128xf32>
    %dot_general3A_5 = tpu.matmul %get3A_1, %get3A_4, %dot_general3A {dimension_numbers = #tpu.dot_dimension_numbers<[1], [0], [0], [1], [0, 0, 1, 1], [], []>, transpose_lhs_hint = false} : vector<4000x128xf32>, vector<128x128xf32>, vector<4000x128xf32> -> vector<4000x128xf32>
    %get3A_6 = arith.constant 0 : index
    %get3A_7 = arith.constant 0 : index
    %get3A_8 = vector.load %arg3[%get3A_6, %get3A_7] : memref<1x128xf32, #tpu.memory_space<vmem>>, vector<1x128xf32>
    %add3A = vector.broadcast %get3A_8 : vector<1x128xf32> to vector<4000x128xf32>
    %add3A_9 = arith.addf %dot_general3A_5, %add3A : vector<4000x128xf32>
    %swap3A = arith.constant 0 : index
    %swap3A_10 = arith.constant 0 : index
    %swap3A_11 = vector.load %arg4[%swap3A, %swap3A_10] : memref<4000x128xf32, #tpu.memory_space<vmem>>, vector<4000x128xf32>
    tpu.vector_store %arg4[%swap3A, %swap3A_10], %add3A_9 {strides = array<i32>} : memref<4000x128xf32, #tpu.memory_space<vmem>>, vector<4000x128xf32>,
    return
  }
  func.func @transform_0(%arg0: i32) -> (i32, i32) {
    %c0_i32 = arith.constant 0 : i32
    %c0_i32_0 = arith.constant 0 : i32
    return %arg0, %c0_i32 : i32, i32
  }
  func.func @transform_1(%arg0: i32) -> (i32, i32) {
    %c0_i32 = arith.constant 0 : i32
    %c0_i32_0 = arith.constant 0 : i32
    %c0_i32_1 = arith.constant 0 : i32
    return %c0_i32, %c0_i32_0 : i32, i32
  }
  func.func @transform_2(%arg0: i32) -> (i32, i32) {
    %c0_i32 = arith.constant 0 : i32
    %c0_i32_0 = arith.constant 0 : i32
    %c0_i32_1 = arith.constant 0 : i32
    return %c0_i32, %c0_i32_0 : i32, i32
  }
  func.func @transform_3(%arg0: i32) -> (i32, i32) {
    %c0_i32 = arith.constant 0 : i32
    %c0_i32_0 = arith.constant 0 : i32
    return %arg0, %c0_i32 : i32, i32
  }
}

module attributes {stable_mosaic.version = 14 : i64} {
  func.func @_proj_nodes_body(%arg0: i32, %arg1: memref<2000x128xf32, #tpu.memory_space<vmem>>, %arg2: memref<128x128xf32, #tpu.memory_space<vmem>>, %arg3: memref<1x128xf32, #tpu.memory_space<vmem>>, %arg4: memref<128x128xf32, #tpu.memory_space<vmem>>, %arg5: memref<1x128xf32, #tpu.memory_space<vmem>>, %arg6: memref<128x128xf32, #tpu.memory_space<vmem>>, %arg7: memref<1x128xf32, #tpu.memory_space<vmem>>, %arg8: memref<2000x128xf32, #tpu.memory_space<vmem>>, %arg9: memref<2000x256xf32, #tpu.memory_space<vmem>>) attributes {dimension_semantics = [#tpu.dimension_semantics<arbitrary>], iteration_bounds = array<i64: 5>, scalar_prefetch = 0 : i64, scratch_operands = 0 : i64, tpu.core_type = #tpu.core_type<tc>, window_params = [{transform_indices = @transform_0, window_bounds = array<i64: 2000, 128>}, {pipeline_mode = #tpu.pipeline_mode<synchronous>, transform_indices = @transform_1, window_bounds = array<i64: 128, 128>}, {pipeline_mode = #tpu.pipeline_mode<synchronous>, transform_indices = @transform_2, window_bounds = array<i64: 1, 128>}, {pipeline_mode = #tpu.pipeline_mode<synchronous>, transform_indices = @transform_3, window_bounds = array<i64: 128, 128>}, {pipeline_mode = #tpu.pipeline_mode<synchronous>, transform_indices = @transform_4, window_bounds = array<i64: 1, 128>}, {pipeline_mode = #tpu.pipeline_mode<synchronous>, transform_indices = @transform_5, window_bounds = array<i64: 128, 128>}, {pipeline_mode = #tpu.pipeline_mode<synchronous>, transform_indices = @transform_6, window_bounds = array<i64: 1, 128>}, {transform_indices = @transform_7, window_bounds = array<i64: 2000, 128>}, {transform_indices = @transform_8, window_bounds = array<i64: 2000, 256>}]} {
    %get3A = arith.constant 0 : index
    %get3A_0 = arith.constant 0 : index
    %get3A_1 = vector.load %arg1[%get3A, %get3A_0] : memref<2000x128xf32, #tpu.memory_space<vmem>>, vector<2000x128xf32>
    %get3A_2 = arith.constant 0 : index
    %get3A_3 = arith.constant 0 : index
    %get3A_4 = vector.load %arg2[%get3A_2, %get3A_3] : memref<128x128xf32, #tpu.memory_space<vmem>>, vector<128x128xf32>
    %dot_general3A = arith.constant dense<0.000000e+00> : vector<2000x128xf32>
    %dot_general3A_5 = tpu.matmul %get3A_1, %get3A_4, %dot_general3A {dimension_numbers = #tpu.dot_dimension_numbers<[1], [0], [0], [1], [0, 0, 1, 1], [], []>, transpose_lhs_hint = false} : vector<2000x128xf32>, vector<128x128xf32>, vector<2000x128xf32> -> vector<2000x128xf32>
    %get3A_6 = arith.constant 0 : index
    %get3A_7 = arith.constant 0 : index
    %get3A_8 = vector.load %arg3[%get3A_6, %get3A_7] : memref<1x128xf32, #tpu.memory_space<vmem>>, vector<1x128xf32>
    %add3A = vector.broadcast %get3A_8 : vector<1x128xf32> to vector<2000x128xf32>
    %add3A_9 = arith.addf %dot_general3A_5, %add3A : vector<2000x128xf32>
    %swap3A = arith.constant 0 : index
    %swap3A_10 = arith.constant 0 : index
    %swap3A_11 = vector.load %arg8[%swap3A, %swap3A_10] : memref<2000x128xf32, #tpu.memory_space<vmem>>, vector<2000x128xf32>
    tpu.vector_store %arg8[%swap3A, %swap3A_10], %add3A_9 {strides = array<i32>} : memref<2000x128xf32, #tpu.memory_space<vmem>>, vector<2000x128xf32>,
    %get3A_12 = arith.constant 0 : index
    %get3A_13 = arith.constant 0 : index
    %get3A_14 = vector.load %arg4[%get3A_12, %get3A_13] : memref<128x128xf32, #tpu.memory_space<vmem>>, vector<128x128xf32>
    %dot_general3A_15 = arith.constant dense<0.000000e+00> : vector<2000x128xf32>
    %dot_general3A_16 = tpu.matmul %get3A_1, %get3A_14, %dot_general3A_15 {dimension_numbers = #tpu.dot_dimension_numbers<[1], [0], [0], [1], [0, 0, 1, 1], [], []>, transpose_lhs_hint = false} : vector<2000x128xf32>, vector<128x128xf32>, vector<2000x128xf32> -> vector<2000x128xf32>
    %get3A_17 = arith.constant 0 : index
    %get3A_18 = arith.constant 0 : index
    %get3A_19 = vector.load %arg5[%get3A_17, %get3A_18] : memref<1x128xf32, #tpu.memory_space<vmem>>, vector<1x128xf32>
    %add3A_20 = vector.broadcast %get3A_19 : vector<1x128xf32> to vector<2000x128xf32>
    %add3A_21 = arith.addf %dot_general3A_16, %add3A_20 : vector<2000x128xf32>
    %get3A_22 = arith.constant 0 : index
    %get3A_23 = arith.constant 0 : index
    %get3A_24 = vector.load %arg6[%get3A_22, %get3A_23] : memref<128x128xf32, #tpu.memory_space<vmem>>, vector<128x128xf32>
    %dot_general3A_25 = arith.constant dense<0.000000e+00> : vector<2000x128xf32>
    %dot_general3A_26 = tpu.matmul %get3A_1, %get3A_24, %dot_general3A_25 {dimension_numbers = #tpu.dot_dimension_numbers<[1], [0], [0], [1], [0, 0, 1, 1], [], []>, transpose_lhs_hint = false} : vector<2000x128xf32>, vector<128x128xf32>, vector<2000x128xf32> -> vector<2000x128xf32>
    %get3A_27 = arith.constant 0 : index
    %get3A_28 = arith.constant 0 : index
    %get3A_29 = vector.load %arg7[%get3A_27, %get3A_28] : memref<1x128xf32, #tpu.memory_space<vmem>>, vector<1x128xf32>
    %add3A_30 = vector.broadcast %get3A_29 : vector<1x128xf32> to vector<2000x128xf32>
    %add3A_31 = arith.addf %dot_general3A_26, %add3A_30 : vector<2000x128xf32>
    %concatenate3A = tpu.concatenate %add3A_21, %add3A_31 in 1 : vector<2000x128xf32>, vector<2000x128xf32> -> vector<2000x256xf32>
    %swap3A_32 = arith.constant 0 : index
    %swap3A_33 = arith.constant 0 : index
    %swap3A_34 = vector.load %arg9[%swap3A_32, %swap3A_33] : memref<2000x256xf32, #tpu.memory_space<vmem>>, vector<2000x256xf32>
    tpu.vector_store %arg9[%swap3A_32, %swap3A_33], %concatenate3A {strides = array<i32>} : memref<2000x256xf32, #tpu.memory_space<vmem>>, vector<2000x256xf32>,
    return
  }
  func.func @transform_0(%arg0: i32) -> (i32, i32) {
    %c0_i32 = arith.constant 0 : i32
    %c0_i32_0 = arith.constant 0 : i32
    return %arg0, %c0_i32 : i32, i32
  }
  func.func @transform_1(%arg0: i32) -> (i32, i32) {
    %c0_i32 = arith.constant 0 : i32
    %c0_i32_0 = arith.constant 0 : i32
    %c0_i32_1 = arith.constant 0 : i32
    return %c0_i32, %c0_i32_0 : i32, i32
  }
  func.func @transform_2(%arg0: i32) -> (i32, i32) {
    %c0_i32 = arith.constant 0 : i32
    %c0_i32_0 = arith.constant 0 : i32
    %c0_i32_1 = arith.constant 0 : i32
    return %c0_i32, %c0_i32_0 : i32, i32
  }
  func.func @transform_3(%arg0: i32) -> (i32, i32) {
    %c0_i32 = arith.constant 0 : i32
    %c0_i32_0 = arith.constant 0 : i32
    %c0_i32_1 = arith.constant 0 : i32
    return %c0_i32, %c0_i32_0 : i32, i32
  }
  func.func @transform_4(%arg0: i32) -> (i32, i32) {
    %c0_i32 = arith.constant 0 : i32
    %c0_i32_0 = arith.constant 0 : i32
    %c0_i32_1 = arith.constant 0 : i32
    return %c0_i32, %c0_i32_0 : i32, i32
  }
  func.func @transform_5(%arg0: i32) -> (i32, i32) {
    %c0_i32 = arith.constant 0 : i32
    %c0_i32_0 = arith.constant 0 : i32
    %c0_i32_1 = arith.constant 0 : i32
    return %c0_i32, %c0_i32_0 : i32, i32
  }
  func.func @transform_6(%arg0: i32) -> (i32, i32) {
    %c0_i32 = arith.constant 0 : i32
    %c0_i32_0 = arith.constant 0 : i32
    %c0_i32_1 = arith.constant 0 : i32
    return %c0_i32, %c0_i32_0 : i32, i32
  }
  func.func @transform_7(%arg0: i32) -> (i32, i32) {
    %c0_i32 = arith.constant 0 : i32
    %c0_i32_0 = arith.constant 0 : i32
    return %arg0, %c0_i32 : i32, i32
  }
  func.func @transform_8(%arg0: i32) -> (i32, i32) {
    %c0_i32 = arith.constant 0 : i32
    %c0_i32_0 = arith.constant 0 : i32
    return %arg0, %c0_i32 : i32, i32
  }
}

module attributes {stable_mosaic.version = 14 : i64} {
  func.func @_final_body(%arg0: i32, %arg1: memref<2x2000x128xf32, #tpu.memory_space<vmem>>, %arg2: memref<2x2000x8xf32, #tpu.memory_space<vmem>>, %arg3: memref<8x128xf32, #tpu.memory_space<vmem>>, %arg4: memref<2000x128xf32, #tpu.memory_space<vmem>>) attributes {dimension_semantics = [#tpu.dimension_semantics<arbitrary>], iteration_bounds = array<i64: 5>, scalar_prefetch = 0 : i64, scratch_operands = 0 : i64, tpu.core_type = #tpu.core_type<tc>, window_params = [{transform_indices = @transform_0, window_bounds = array<i64: 2, 2000, 128>}, {transform_indices = @transform_1, window_bounds = array<i64: 2, 2000, 8>}, {pipeline_mode = #tpu.pipeline_mode<synchronous>, transform_indices = @transform_2, window_bounds = array<i64: 8, 128>}, {transform_indices = @transform_3, window_bounds = array<i64: 2000, 128>}]} {
    %get3A = arith.constant 0 : index
    %get3A_0 = arith.constant 0 : index
    %get3A_1 = arith.constant 0 : index
    %get3A_2 = vector.load %arg1[%get3A, %get3A_0, %get3A_1] : memref<2x2000x128xf32, #tpu.memory_space<vmem>>, vector<1x2000x128xf32>
    %get3A_3 = vector.shape_cast %get3A_2 : vector<1x2000x128xf32> to vector<2000x128xf32>
    %get3A_4 = arith.constant 1 : index
    %get3A_5 = arith.constant 0 : index
    %get3A_6 = arith.constant 0 : index
    %get3A_7 = vector.load %arg1[%get3A_4, %get3A_5, %get3A_6] : memref<2x2000x128xf32, #tpu.memory_space<vmem>>, vector<1x2000x128xf32>
    %get3A_8 = vector.shape_cast %get3A_7 : vector<1x2000x128xf32> to vector<2000x128xf32>
    %add3A = arith.addf %get3A_3, %get3A_8 : vector<2000x128xf32>
    %get3A_9 = arith.constant 0 : index
    %get3A_10 = arith.constant 0 : index
    %get3A_11 = arith.constant 0 : index
    %get3A_12 = vector.load %arg2[%get3A_9, %get3A_10, %get3A_11] : memref<2x2000x8xf32, #tpu.memory_space<vmem>>, vector<1x2000x8xf32>
    %get3A_13 = vector.shape_cast %get3A_12 : vector<1x2000x8xf32> to vector<2000x8xf32>
    %get3A_14 = arith.constant 1 : index
    %get3A_15 = arith.constant 0 : index
    %get3A_16 = arith.constant 0 : index
    %get3A_17 = vector.load %arg2[%get3A_14, %get3A_15, %get3A_16] : memref<2x2000x8xf32, #tpu.memory_space<vmem>>, vector<1x2000x8xf32>
    %get3A_18 = vector.shape_cast %get3A_17 : vector<1x2000x8xf32> to vector<2000x8xf32>
    %add3A_19 = arith.addf %get3A_13, %get3A_18 : vector<2000x8xf32>
    %get3A_20 = arith.constant 0 : index
    %get3A_21 = arith.constant 0 : index
    %get3A_22 = vector.load %arg3[%get3A_20, %get3A_21] : memref<8x128xf32, #tpu.memory_space<vmem>>, vector<8x128xf32>
    %dot_general3A = arith.constant dense<0.000000e+00> : vector<2000x128xf32>
    %dot_general3A_23 = tpu.matmul %add3A_19, %get3A_22, %dot_general3A {dimension_numbers = #tpu.dot_dimension_numbers<[1], [0], [0], [1], [0, 0, 1, 1], [], []>, transpose_lhs_hint = false} : vector<2000x8xf32>, vector<8x128xf32>, vector<2000x128xf32> -> vector<2000x128xf32>
    %add3A_24 = arith.constant 9.99999997E-7 : f32
    %add3A_25 = vector.broadcast %add3A_24 : f32 to vector<2000x128xf32>
    %add3A_26 = arith.addf %dot_general3A_23, %add3A_25 : vector<2000x128xf32>
    %div3A = arith.divf %add3A, %add3A_26 : vector<2000x128xf32>
    %swap3A = arith.constant 0 : index
    %swap3A_27 = arith.constant 0 : index
    %swap3A_28 = vector.load %arg4[%swap3A, %swap3A_27] : memref<2000x128xf32, #tpu.memory_space<vmem>>, vector<2000x128xf32>
    tpu.vector_store %arg4[%swap3A, %swap3A_27], %div3A {strides = array<i32>} : memref<2000x128xf32, #tpu.memory_space<vmem>>, vector<2000x128xf32>,
    return
  }
  func.func @transform_0(%arg0: i32) -> (i32, i32, i32) {
    %c0_i32 = arith.constant 0 : i32
    %c0_i32_0 = arith.constant 0 : i32
    %c0_i32_1 = arith.constant 0 : i32
    return %c0_i32, %arg0, %c0_i32_0 : i32, i32, i32
  }
  func.func @transform_1(%arg0: i32) -> (i32, i32, i32) {
    %c0_i32 = arith.constant 0 : i32
    %c0_i32_0 = arith.constant 0 : i32
    %c0_i32_1 = arith.constant 0 : i32
    return %c0_i32, %arg0, %c0_i32_0 : i32, i32, i32
  }
  func.func @transform_2(%arg0: i32) -> (i32, i32) {
    %c0_i32 = arith.constant 0 : i32
    %c0_i32_0 = arith.constant 0 : i32
    %c0_i32_1 = arith.constant 0 : i32
    return %c0_i32, %c0_i32_0 : i32, i32
  }
  func.func @transform_3(%arg0: i32) -> (i32, i32) {
    %c0_i32 = arith.constant 0 : i32
    %c0_i32_0 = arith.constant 0 : i32
    return %arg0, %c0_i32 : i32, i32
  }
}

</mosaic_0001>

<sc_bundles>
// kernel: kernel.6.cloned.1.call-start
scs
__scs_entry_jumppad:
0x0: {  	(pc) =	sbr.rel $0x88, $3  }
0x1: {  	(tag) =	ssettag $0x0;
	lr =	simm.s32 $0x1  }
0x2: {  	[smem:$0x3F96] =	sst lr;
	_ =	strace $0xD0000000  }
0x3: {  	_ = 	snop  }
0x4: {  	_ = 	snop  }
0x5: {  	_ = 	snop  }
0x6: {  	_ = 	snop  }
0x7: {  	_ = 	snop  }
__scs_overlays_trampoline_lowered:
0x8: {  	[smem:$0x3FA5] =	sst s0  }
0x9: {  	[smem:$0x3FA6] =	sst s1  }
0xa: {  	[smem:$0x3FA7] =	sst s2  }
0xb: {  	[smem:$0x3FA8] =	sst s3  }
0xc: {  	[smem:$0x3FA9] =	sst s4  }
0xd: {  	[smem:$0x3FAA] =	sst s5  }
0xe: {  	[smem:$0x3FAB] =	sst s6  }
0xf: {  	[smem:$0x3FAC] =	sst s7  }
0x10: {  	[smem:$0x3FAD] =	sst s8  }
0x11: {  	[smem:$0x3FAE] =	sst s9;
	s0 =	simm.s32 @!p0 $0x0  }
0x12: {  	s1 =	sld [smem:$0x3F94];
	s0 =	simm.s32 @p0 $0x1  }
0x13: {  	[smem:$0x3FAF] =	sst s0;
	s0 =	simm.s32 @!p1 $0x0  }
0x14: {  	s2 =	sld [smem:$0x3F93];
	s0 =	simm.s32 @p1 $0x1  }
0x15: {  	[smem:$0x3FB0] =	sst s0;
	s0 =	simm.s32 @!p2 $0x0  }
0x16: {  	s3 =	sld [smem:$0x3FDB];
	s0 =	simm.s32 @p2 $0x1  }
0x17: {  	s4 =	simm.s32 $0x1BF5;
	[smem:$0x3FB2] =	sst s0  }
0x18: {  	s0 =	sld [smem:$0x3F95];
	_ =	swait.ge [sflag:s4], $0x0  }
0x19: {  	s7 =	sld [smem:$0x3F96]  }
0x1a: {  	s8 =	sadd.s32 $0xFFFFE003, lr  }
0x1b: {  	s9 =	sadd.s32 $0xFFFFFEF7, lr;
	s5 =	simm.s32 $0xFFFFFFFF;
	p2 =	slt.u32 s8, $0xFFFFF086  }
0x1c: {  	p1 =	slt.u32 s9, $0xF7A;
	s5 =	simm.s32 @!p2 $0x0  }
0x1d: {  	s5 =	simm.s32 @p1 $0x1;
	p0 =	seq.s32 s7, s2  }
0x1e: {  	s7 =	smul.u32 @!p0 $0xF7A, s2;
	p2 =	seq.s32 @!p0 s5, $0x0  }
0x1f: {  	s9 =	smul.u32 $0xF7A, s1;
	s8 =	simm.s32 @!p0 $0x1BF5;
	p2 =	por !p2, p0  }
0x20: {  	[sflag:s8] =	ssyncset.s32 @!p0 $0xFFFFF086;
	s6 =	sadd.s32 @!p0 s3, s7;
	s7 =	simm.s32 @!p0 $0x108  }
0x21: {  	s3 =	sadd.s32 s3, s9;
	s6 =	sadd.s32 @!p0 $0x88, s6;
	s7 =	simm.s32 @p2 $0x1082  }
0x22: {  	[simem:s7], [sflag:s8] =	dma.local @!p0 [hbm:s6], $0xF7A  }
0x23: {  	s9 =	sor.u32 $0xD0000000, s2;
	s6 =	simm.s32 $0x108;
	_ =	swait.ge @!p0 [sflag:s8], $0x0  }
0x24: {  	s3 =	sadd.s32 $0x88, s3;
	s6 =	simm.s32 @!p1 $0x1082;
	[sflag:s4] =	ssyncset.s32 $0xFFFFF086  }
0x25: {  	[simem:s6], [sflag:s4] =	dma.local [hbm:s3], $0xF7A  }
0x26: {  	[smem:$0x3F96] =	sst s1;
	(tag) =	ssettag s2;
	_ =	strace s9  }
0x27: {  	s1 =	sld [smem:$0x3FA6]  }
0x28: {  	s2 =	sld [smem:$0x3FA7]  }
0x29: {  	s4 =	sld [smem:$0x3FA9]  }
0x2a: {  	p0 =	seq.s32 s5, $0x0;
	s5 =	sld [smem:$0x3FAA]  }
0x2b: {  	s6 =	sld [smem:$0x3FAB]  }
0x2c: {  	s7 =	sld [smem:$0x3FAC]  }
0x2d: {  	s3 =	simm.s32 $0x108;
	s8 =	sld [smem:$0x3FAD]  }
0x2e: {  	s3 =	simm.s32 @!p0 $0x1082;
	s9 =	sld [smem:$0x3FAE]  }
0x2f: {  	lr =	sadd.s32 s0, s3;
	s0 =	sld [smem:$0x3FA5]  }
0x30: {  	s3 =	sld [smem:$0x3FA8]  }
0x31: {  	[smem:$0x3FB1] =	sst s10  }
0x32: {  	s10 =	sld [smem:$0x3FAF];
	_ =	sdelay $0x3  }
0x33: {  	p0 =	seq.s32 s10, $0x1;
	s10 =	sld [smem:$0x3FB1];
	_ =	sdelay $0x3  }
0x34: {  	[smem:$0x3FB1] =	sst s10  }
0x35: {  	s10 =	sld [smem:$0x3FB0];
	_ =	sdelay $0x3  }
0x36: {  	p1 =	seq.s32 s10, $0x1;
	s10 =	sld [smem:$0x3FB1];
	_ =	sdelay $0x3  }
0x37: {  	[smem:$0x3FB1] =	sst s10  }
0x38: {  	s10 =	sld [smem:$0x3FB2]  }
0x39: {  	_ = 	snop;
	(pc) =	sbr.ind lr, $3  }
0x3a: {  	_ = 	snop  }
0x3b: {  	_ = 	snop  }
0x3c: {  	p2 =	seq.s32 s10, $0x1;
	s10 =	sld [smem:$0x3FB1]  }
0x3d: {  	_ =	shalt  }
0x3e: {  	_ =	shalt  }
0x3f: {  	_ =	shalt  }
0x40: {  	_ =	shalt  }
0x41: {  	_ =	shalt  }
0x42: {  	_ =	shalt  }
0x43: {  	_ =	shalt  }
0x44: {  	_ =	shalt  }
0x45: {  	_ =	shalt  }
0x46: {  	_ =	shalt  }
0x47: {  	_ =	shalt  }
0x48: {  	_ =	shalt  }
0x49: {  	_ =	shalt  }
0x4a: {  	_ =	shalt  }
0x4b: {  	_ =	shalt  }
0x4c: {  	_ =	shalt  }
0x4d: {  	_ =	shalt  }
0x4e: {  	_ =	shalt  }
0x4f: {  	_ =	shalt  }
0x50: {  	_ =	shalt  }
0x51: {  	_ =	shalt  }
0x52: {  	_ =	shalt  }
0x53: {  	_ =	shalt  }
0x54: {  	_ =	shalt  }
0x55: {  	_ =	shalt  }
0x56: {  	_ =	shalt  }
0x57: {  	_ =	shalt  }
0x58: {  	_ =	shalt  }
0x59: {  	_ =	shalt  }
0x5a: {  	_ =	shalt  }
0x5b: {  	_ =	shalt  }
0x5c: {  	_ =	shalt  }
0x5d: {  	_ =	shalt  }
0x5e: {  	_ =	shalt  }
0x5f: {  	_ =	shalt  }
0x60: {  	_ =	shalt  }
0x61: {  	_ =	shalt  }
0x62: {  	_ =	shalt  }
0x63: {  	_ =	shalt  }
0x64: {  	_ =	shalt  }
0x65: {  	_ =	shalt  }
0x66: {  	_ =	shalt  }
0x67: {  	_ =	shalt  }
0x68: {  	_ =	shalt  }
0x69: {  	_ =	shalt  }
0x6a: {  	_ =	shalt  }
0x6b: {  	_ =	shalt  }
0x6c: {  	_ =	shalt  }
0x6d: {  	_ =	shalt  }
0x6e: {  	_ =	shalt  }
0x6f: {  	_ =	shalt  }
0x70: {  	_ =	shalt  }
0x71: {  	_ =	shalt  }
0x72: {  	_ =	shalt  }
0x73: {  	_ =	shalt  }
0x74: {  	_ =	shalt  }
0x75: {  	_ =	shalt  }
0x76: {  	_ =	shalt  }
0x77: {  	_ =	shalt  }
0x78: {  	_ =	shalt  }
0x79: {  	_ =	shalt  }
0x7a: {  	_ =	shalt  }
0x7b: {  	_ =	shalt  }
0x7c: {  	_ =	shalt  }
0x7d: {  	_ =	shalt  }
0x7e: {  	_ =	shalt  }
0x7f: {  	_ =	shalt  }
0x80: {  	_ =	shalt  }
0x81: {  	_ =	shalt  }
0x82: {  	_ =	shalt  }
0x83: {  	_ =	shalt  }
0x84: {  	_ =	shalt  }
0x85: {  	_ =	shalt  }
0x86: {  	_ =	shalt  }
0x87: {  	_ =	shalt  }
.Lfunc_end0:
.L_simem_size_0:
called_computation_lowered:
.L_overlay_start_0:
0x88: {  	s2 =	sld [smem:$0x3FD9]  }
0x89: {  	s3 =	sld [smem:$0x3FFE];
	_ =	sdelay $0x1  }
0x8a: {  	s1 =	srdreg.scid  }
0x8b: {  	s0 =	sand.u32 $0x1, s1  }
0x8c: {  	s14 =	sshll.u32 s0, $0xA;
	s2 =	sadd.s32 s3, s2  }
0x8d: {  	s2 =	sadd.s32 s2, s14  }
0x8e: {  	[smem:$0x3FBD] =	sst s2  }
0x8f: {  	_ = 	snop  }
0x90: {  	s2 =	sld [smem:$0x3FD0];
	_ =	sdelay $0x2  }
0x91: {  	s15 =	simm.s32 $0xA;
	s4 =	simm.s32 $0x10  }
0x92: {  	[smem:s4], [sflag:s15] =	dma.local [hbm:s2], $0x1  }
0x93: {  	_ =	swait.eq [sflag:s15], $0x1  }
0x94: {  	[sflag:s15] =	ssyncset.done $0x0  }
0x95: {  	s16 =	sld [smem:$0x10];
	[sflag:s15] =	ssyncadd.s32 $0xFFFFFFFF  }
0x96: {  	s17 =	sld [smem:$0x11];
	(tm) =	ssettm $0x1  }
0x97: {  	s18 =	sld [smem:$0x3FFB];
	_ =	sdelay $0x3  }
0x98: {  	_ =	strace s18  }
0x99: {  	s4 =	sld [smem:$0x3FFC];
	_ =	sdelay $0x3  }
0x9a: {  	_ =	strace s4  }
0x9b: {  	s4 =	sld [smem:$0x3FFD];
	_ =	sdelay $0x3  }
0x9c: {  	_ =	strace s4  }
0x9d: {  	_ =	strace $0x8FFFFFFF  }
0x9e: {  	s19 =	sld [smem:$0x3FDB];
	_ =	sdelay $0x1  }
0x9f: {  	s5 =	simm.s32 $_scs_section_size  }
0xa0: {  	s6 =	simm.s32 $_size__tile_overlayer_lowered;
	s7 =	simm.s32 $_tile_overlayer_lowered  }
0xa1: {  	s22 =	simm.s32 $0x1BFF;
	s21 =	sshll.u32 s7, $0x1;
	s4 =	sadd.s32 s5, s19  }
0xa2: {  	s8 =	simm.s32 $0x0;
	s20 =	sshll.u32 s6, $0x1;
	s6 =	sadd.s32 s21, s4  }
0xa3: {  	[timem:s8], [sflag:s22] =	dma.local [hbm:s6], s20  }
0xa4: {  	_ =	swait.ge [sflag:s22], s20  }
0xa5: {  	s5 =	ssub.s32 $0x0, s20;
	[sflag:s22] =	ssyncset.done $0x0  }
0xa6: {  	[sflag:s22] =	ssyncadd.s32 s5;
	_ =	sdelay $0x1  }
0xa7: {  	s23 =	simm.s32 $0x1B8B  }
0xa8: {  	_ =	swait.ge [sflag:s23], $0x1  }
0xa9: {  	[sflag:s23] =	ssyncset.done $0x0  }
0xaa: {  	s25 =	simm.s32 $0x1B8E;
	s24 =	sld [smem:$0x3FFE];
	[sflag:s23] =	ssyncadd.s32 $0xFFFFFFFF  }
0xab: {  	s26 =	simm.s32 $execute0_lowered;
	[smem:$0x3FD2] =	sst s25  }
0xac: {  	s6 =	sshll.u32 s26, $0x1;
	_ =	strace $0x80000046;
	[dreg:$0x1] =	wrdreg $0xFFFFFFFF  }
0xad: {  	s28 =	simm.s32 $_size_execute0_lowered;
	s4 =	sadd.s32 s4, s6;
	[dreg:$0x0] =	wrdreg $0x0  }
0xae: {  	s6 =	sshll.u32 s28, $0x1;
	[dreg:$0x2] =	wrdreg s4  }
0xaf: {  	[dreg:$0x3] =	wrdreg s6  }
0xb0: {  	[dreg:$0x4] =	wrdreg $0xC0  }
0xb1: {  	_ =	task [dreg:s8], $0x5FFFF  }
0xb2: {  	[dreg:$0x1] =	wrdreg $0xFFFFFFFF  }
0xb3: {  	[dreg:$0x0] =	wrdreg $0x60  }
0xb4: {  	[dreg:$0x2] =	wrdreg s16  }
0xb5: {  	[dreg:$0x3] =	wrdreg s24  }
0xb6: {  	[dreg:$0x4] =	wrdreg s17  }
0xb7: {  	[dreg:$0x5] =	wrdreg $0x8E800  }
0xb8: {  	[dreg:$0x6] =	wrdreg $0x1C7000  }
0xb9: {  	[dreg:$0x7] =	wrdreg $0x9  }
0xba: {  	_ =	task.clear_ibuf [dreg:s8], $0x8FFFF;
	_ =	strace $0x90000046  }
0xbb: {  	s29 =	simm.s32 $0x9;
	_ =	strace $0x80000048  }
0xbc: {  	_ =	swait.ge [sflag:s29], $0x1  }
0xbd: {  	[sflag:s29] =	ssyncadd.s32 $0xFFFFFFFF  }
0xbe: {  	_ =	strace $0x90000048  }
0xbf: {  	_ =	sfence  }
0xc0: {  	s30 =	sld [smem:$0x0];
	_ =	sdelay $0x2  }
0xc1: {  	s31 =	sshll.u32 s1, $0xD;
	s1 =	sshrl.u32 s1, $0x2  }
0xc2: {  	s3 =	sand.u32 $0x4000, s31;
	s1 =	sadd.s32 s1, s30  }
0xc3: {  	s0 =	sor.u32 s3, s0;
	s1 =	sshll.u32 s1, $0x11  }
0xc4: {  	s0 =	sor.u32 s1, s0  }
0xc5: {  	s0 =	sadd.s32 $0x8F2B, s0  }
0xc6: {  	[sflag:s0] =	ssyncadd.remote.s32 $0x1  }
0xc7: {  	_ =	sfence.sel $0xFFFF  }
0xc8: {  	[dreg:$0x0] =	wrdreg $0xFFFFFFFF;
	(pc) =	sbr.abs _section_cstart, $3  }
0xc9: {  	[dreg:$0x1] =	wrdreg $0xFFFFFFFF  }
0xca: {  	_ =	task.clear_ibuf [dreg:s8], $0x2FFFF;
	_ =	strace $0x9FFFFFFF  }
0xcb: {  	(tm) =	ssettm $0x7FFFFFFF  }
tec
execute0_lowered:
.L_overlay_start_1:
0x0: {  	(tag) =	ssettag $0x1  }
0x1: {  	s0 =	rddreg [dreg:$0x1]  }
0x2: {  	s8 =	rddreg [dreg:$0x3]  }
0x3: {  	s9 =	rddreg [dreg:$0x4];
	s1 =	simm.s32 $0x0;
	s16 =	srdreg.scid  }
0x4: {  	s10 =	stileid.u32;
	[smem:$0x7FF] =	sst s1  }
0x5: {  	s2 =	sadd.s32 $0x16800, s0;
	s1 =	sand.u32 $0x1, s16;
	s17 =	sadd.s32 $0xCA00, s0  }
0x6: {  	s3 =	sadd.s32 $0x2C00, s0;
	s19 =	smul.u32 $0x1400, s10;
	s5 =	sadd.s32 $0x64A00, s0  }
0x7: {  	s20 =	sadd.s32 $0xBA400, s0;
	_ =	strace $0x80000047;
	[smem:$0x7F0] =	sst s2  }
0x8: {  	s21 =	sadd.s32 $0x6C200, s0;
	s24 =	smul.u32 $0x5000, s10;
	[smem:$0x7F1] =	sst s17  }
0x9: {  	s6 =	smul.u32 $0x50000, s10;
	s28 =	sshll.u32 s10, $0x6;
	[smem:$0x7F2] =	sst s3  }
0xa: {  	s7 =	smul.u32 $0x14000, s10;
	p0 =	seq.s32 s10, $0xF;
	[smem:$0x7F3] =	sst s5  }
0xb: {  	s18 =	smul.u32 $0x14000, s1;
	s4 =	sshll.u32 s1, $0x4;
	[smem:$0x7F4] =	sst s20  }
0xc: {  	s23 =	ssub.s32 $0x2, s1;
	s1 =	smul.u32 $0x138800, s1;
	s4 =	sor.u32 s10, s4  }
0xd: {  	v0 =	vlaneseq.u32;
	s25 =	sshrl.u32 s23, $0x1;
	s26 =	sshrl.u32 s24, $0x2;
	s6 =	sshrl.u32 s6, $0x2  }
0xe: {  	v1 =	vshrl.u32 v0, $0x3;
	s2 =	sadd.s32 s19, s18;
	s22 =	smul.u32 $0x2710, s4;
	s3 =	sadd.s32 s26, s9  }
0xf: {  	v2 =	vand.u32 $0x7, v0;
	v1 =	vmul.u32 $0x8, v1;
	s9 =	sor.u32 $0x1C03, s28;
	s4 =	sadd.s32 s6, s8;
	s7 =	sadd.s32 s7, s1  }
0x10: {  	vm0 =	vmmov $0xffff;
	[tilespmem:$0x1FFC0] =	vst v2;
	v2 =	vimm.s32 $0x0;
	s1 =	sshrl.u32 s1, $0x3;
	s2 =	sshrl.u32 s2, $0x3;
	[smem:$0x7FA] =	sst s9  }
0x11: {  	v2 =	vsel vm0, $0xFFFFFFFF, v2;
	[tilespmem:$0x1FFD0] =	vst v1;
	v1 =	vimm.s32 $0xFEDCBA98;
	s1 =	sadd.s32 s21, s1;
	s4 =	sshrl.u32 @!p0 s4, $0x3;
	[smem:$0x7F5] =	sst s22  }
0x12: {  	v0 =	vor.u32 $0x8, v0;
	[tilespmem:$0x1FFE0] =	vst v2;
	v2 =	vimm.s32 $0x76543210;
	v1 =	vunpack.c.l.s4.s8 v1;
	s0 =	sadd.s32 s2, s0;
	s30 =	sadd.s32 $0x25800, s1;
	[smem:$0x7FD] =	sst s4  }
0x13: {  	[tilespmem:$0x1FFF0] =	vst v0;
	v0 =	vunpack.c.l.s4.s8 v2;
	s2 =	ssub.s32 s23, s25;
	s0 =	sadd.s32 $0x67200, s0;
	[smem:$0x7F8] =	sst s30  }
0x14: {  	s5 =	simm.s32 $0x3;
	s31 =	smax.u32 s2, $0x1;
	v1 =	vunpack.c.0.s8.s32 v1;
	[smem:$0x7F6] =	sst s0  }
0x15: {  	vm1 =	vmmov $0x1;
	vm8 =	vcmask $0x320;
	s6 =	sadd.s32 $0x12C000, s8;
	s2 =	sshrl.u32 s3, $0x3;
	v0 =	vunpack.c.0.s8.s32 v0;
	[smem:$0x7F9] =	sst s31  }
0x16: {  	vm9 =	vcmask $0x720;
	vm10 =	vcmask $0xB20;
	s29 =	sshrl.u32 s7, $0x3;
	s3 =	sshrl.u32 @p0 s6, $0x3;
	[smem:$0x7FB] =	sst s2;
	v1 =	vand.u32 $0xF, v1  }
0x17: {  	vm15 =	vcmask $0xF20;
	vm11 =	vcmask $0x1320;
	s8 =	simm.s32 $0x0;
	s0 =	sadd.s32 s21, s29;
	[smem:$0x7FC] =	sst s3;
	v3 =	vcombine.low v1, v0  }
0x18: {  	vm12 =	vcmask $0x1720;
	vm13 =	vcmask $0x1B20;
	v4 =	vimm.s32 $0x0;
	s7 =	simm.s32 $0x28;
	s6 =	simm.s32 $0x80;
	[smem:$0x7F7] =	sst s0  }
.LBB2_1:
0x19: {  	s1 =	sld [smem:$0x7F3];
	_ =	sdelay $0x1  }
0x1a: {  	[smem:$0x7EF] =	sst s8  }
0x1b: {  	[spmem:s2], [sflag:s9] =	dma.local [hbm:s1], $0x280  }
0x1c: {  	_ =	swait.ge [sflag:s5], $0x280  }
0x1d: {  	[sflag:s5] =	ssyncset.done $0x0  }
0x1e: {  	s0 =	simm.s32 @p0 $0x3;
	[sflag:s5] =	ssyncadd.s32 $0xFFFFFD80  }
0x1f: {  	[spmem:s3], [sflag:s9] =	dma.local @p0 [hbm:s1], $0x1900  }
0x20: {  	_ =	swait.ge @p0 [sflag:s0], $0x1900  }
0x21: {  	[sflag:s0] =	ssyncset.done @p0 $0x0  }
0x22: {  	[sflag:s0] =	ssyncadd.s32 @p0 $0xFFFFE700;
	s0 =	simm.s32 @!p0 $0x3  }
0x23: {  	[spmem:s4], [sflag:s9] =	dma.local @!p0 [hbm:s1], $0x2800  }
0x24: {  	_ =	swait.ge @!p0 [sflag:s0], $0x2800  }
0x25: {  	[sflag:s0] =	ssyncset.done @!p0 $0x0  }
0x26: {  	[sflag:s0] =	ssyncadd.s32 @!p0 $0xFFFFD800  }
0x27: {  	s0 =	simm.s32 $0x0;
	[bflag:$0x0] =	sbarrier.arrive $0xFFFF  }
.LBB2_2:
0x28: {  	s1 =	sld [smem:$0x7F5]  }
0x29: {  	s9 =	smul.u32 $0x28, s0  }
0x2a: {  	s10 =	sld [smem:$0x7F1]  }
0x2b: {  	[smem:$0x7ED] =	sst s0;
	s0 =	sadd.s32 s1, s9  }
0x2c: {  	s2 =	sshrl.u32 s0, $0x3  }
0x2d: {  	s11 =	simm.s32 $0x0;
	s3 =	sadd.s32 s10, s2  }
0x2e: {  	[tilespmem:s11], [sflag:$0x3] =	stream.linear.gather [hbm4b:s3+s11], $0x28, $0x38;
	[tilespmem:$0x1DB00] =	vst v63  }
0x2f: {  	_ =	swait.ge [sflag:s5], $0x28  }
0x30: {  	s12 =	sld [smem:$0x7F2];
	_ =	sdelay $0x1  }
0x31: {  	[sflag:s5] =	ssyncset.done $0x0  }
0x32: {  	[sflag:s5] =	ssyncadd.s32 $0xFFFFFFD8;
	s2 =	sadd.s32 s12, s2  }
0x33: {  	[tilespmem:s6], [sflag:$0x3] =	stream.linear.gather [hbm4b:s2+s11], $0x28, $0x38;
	[tilespmem:$0x1DB00] =	vst v63  }
0x34: {  	_ =	swait.ge [sflag:s5], $0x28  }
0x35: {  	[sflag:s5] =	ssyncset.done $0x0  }
0x36: {  	[sflag:s5] =	ssyncadd.s32 $0xFFFFFFD8  }
0x37: {  	v0 =	vld [tilespmem:$0x0];
	_ =	sdelay $0x2  }
0x38: {  	v2 =	vld [tilespmem:$0x1FFC0]  }
0x39: {  	v5 =	vld [tilespmem:$0x1FFD0]  }
0x3a: {  	v6 =	vld [tilespmem:$0x1FFF0];
	v1 =	vshll.u32 v0, $0x1  }
0x3b: {  	v0 =	vand.u32 $0x7, v0;
	v1 =	vand.u32 $0xFFFFFFF0, v1  }
0x3c: {  	v0 =	vor.u32 v0, v1  }
0x3d: {  	v1 =	vperm.xlane v0, v2  }
0x3e: {  	v7 =	vld [tilespmem:$0x1FFE0]  }
0x3f: {  	v0 =	vperm.xlane v0, v6;
	v1 =	vadd.s32 v5, v1;
	_ =	sdelay $0x1  }
0x40: {  	s13 =	sld [smem:$0x7F0];
	v0 =	vadd.s32 v5, v0;
	_ =	sdelay $0x1  }
0x41: {  	s14 =	simm.s32 $0x280;
	vm0 =	vnez.u8 v7  }
0x42: {  	[tilespmem:s14], [sflag:$0x1] =	stream.indirect_vreg.gather [hbm4b:s13+s11], $0x80, v1, vm0, $0xb8;
	[tilespmem:$0x1DB00] =	vst v63  }
0x43: {  	s15 =	simm.s32 $0xA80  }
0x44: {  	[tilespmem:s15], [sflag:$0x1] =	stream.indirect_vreg.gather [hbm4b:s13+s11], $0x80, v0, vm0, $0xb8;
	[tilespmem:$0x1DB00] =	vst v63  }
0x45: {  	v0 =	vld [tilespmem:$0x10];
	_ =	sdelay $0x4  }
0x46: {  	v1 =	vshll.u32 v0, $0x1  }
0x47: {  	v0 =	vand.u32 $0x7, v0;
	v1 =	vand.u32 $0xFFFFFFF0, v1  }
0x48: {  	v0 =	vor.u32 v0, v1  }
0x49: {  	v1 =	vperm.xlane v0, v2;
	_ =	sdelay $0x1  }
0x4a: {  	v0 =	vperm.xlane v0, v6;
	v1 =	vadd.s32 v5, v1;
	_ =	sdelay $0x1  }
0x4b: {  	v0 =	vadd.s32 v5, v0;
	_ =	sdelay $0x1  }
0x4c: {  	s16 =	simm.s32 $0x1280  }
0x4d: {  	[tilespmem:s16], [sflag:$0x1] =	stream.indirect_vreg.gather [hbm4b:s13+s11], $0x80, v1, vm0, $0xb8;
	[tilespmem:$0x1DB00] =	vst v63  }
0x4e: {  	s17 =	simm.s32 $0x1A80  }
0x4f: {  	[tilespmem:s17], [sflag:$0x1] =	stream.indirect_vreg.gather [hbm4b:s13+s11], $0x80, v0, vm0, $0xb8;
	[tilespmem:$0x1DB00] =	vst v63  }
0x50: {  	v0 =	vld.msk [tilespmem:$0x20], $0xff;
	_ =	sdelay $0x4  }
0x51: {  	v1 =	vshll.u32 v0, $0x1  }
0x52: {  	v0 =	vand.u32 $0x7, v0;
	v1 =	vand.u32 $0xFFFFFFF0, v1  }
0x53: {  	v0 =	vor.u32 v0, v1  }
0x54: {  	v0 =	vperm.xlane v0, v2;
	_ =	sdelay $0x1  }
0x55: {  	v0 =	vadd.s32 v5, v0;
	_ =	sdelay $0x3  }
0x56: {  	s18 =	simm.s32 $0x2280;
	s19 =	rddreg [dreg:$0x0]  }
0x57: {  	[tilespmem:s18], [sflag:$0x1] =	stream.indirect_vreg.gather [hbm4b:s13+s11], $0x80, v0, vm0, $0xb8;
	[tilespmem:$0x1DB00] =	vst v63  }
0x58: {  	s20 =	simm.s32 $0x2A80;
	s21 =	sshll.u32 s0, $0x4;
	s22 =	rddreg [dreg:$0x2]  }
0x59: {  	[tilespmem:s20], [sflag:$0x2] =	stream.indirect.gather [hbm4b:s19+s7], $0x80, s6, s7, $0xb8;
	[tilespmem:$0x1DB00] =	vst v63  }
0x5a: {  	s23 =	simm.s32 $0x3E80;
	[smem:$0x7EE] =	sst s21;
	s0 =	sadd.s32 s22, s21  }
0x5b: {  	[tilespmem:s23], [sflag:$0x3] =	stream.linear.gather [hbm4b:s0+s11], $0x1400, $0x38;
	[tilespmem:$0x1DB00] =	vst v63  }
0x5c: {  	_ =	swait.ge [sflag:s5], $0x1400  }
0x5d: {  	[sflag:s5] =	ssyncset.done $0x0  }
0x5e: {  	[sflag:s5] =	ssyncadd.s32 $0xFFFFEC00  }
0x5f: {  	v0 =	vld [tilespmem:$0x80];
	_ =	sdelay $0x2  }
0x60: {  	v1 =	vld [tilespmem:$0x90];
	_ =	sdelay $0x1  }
0x61: {  	v2 =	vshra.s32 v0, $0x4;
	v5 =	vshrl.u32 v0, $0x1  }
0x62: {  	v0 =	vand.u32 $0x1, v0;
	[tilespmem:$0x100] =	vst v2;
	v2 =	vand.u32 $0x7, v5;
	v5 =	vld [tilespmem:$0x98]  }
0x63: {  	[tilespmem:$0x200] =	vst v0  }
0x64: {  	v0 =	vshra.s32 v1, $0x4;
	[tilespmem:$0x180] =	vst v2;
	v2 =	vshrl.u32 v1, $0x1  }
0x65: {  	[tilespmem:$0x110] =	vst v0;
	v0 =	vand.u32 $0x7, v2  }
0x66: {  	[tilespmem:$0x190] =	vst v0;
	v0 =	vand.u32 $0x1, v1  }
0x67: {  	[tilespmem:$0x210] =	vst v0;
	v0 =	vshra.s32 v5, $0x4;
	v1 =	vshrl.u32 v5, $0x1  }
0x68: {  	[tilespmem:$0x118] =	vst v0;
	v0 =	vand.u32 $0x7, v1  }
0x69: {  	[tilespmem:$0x198] =	vst v0;
	v0 =	vand.u32 $0x1, v5  }
0x6a: {  	s24 =	simm.s32 $0x1;
	[tilespmem:$0x218] =	vst v0  }
0x6b: {  	_ =	swait.ge [sflag:s24], $0x2800  }
0x6c: {  	[sflag:s24] =	ssyncset.done $0x0  }
0x6d: {  	s25 =	simm.s32 $0x2;
	[sflag:s24] =	ssyncadd.s32 $0xFFFFD800  }
0x6e: {  	s26 =	sand.u32 $0x3800, s11;
	_ =	swait.ge [sflag:s25], $0x1400  }
0x6f: {  	s10 =	simm.s32 $0x2B00;
	s0 =	simm.s32 $0x80;
	[sflag:s25] =	ssyncset.done $0x0  }
0x70: {  	s2 =	sor.u32 $0x280, s26;
	s3 =	sand.u32 $0x380, s0;
	[sflag:s25] =	ssyncadd.s32 $0xFFFFEC00  }
0x71: {  	s9 =	sadd.s32 s3, s2;
	v0 =	vld [tilespmem:s10+$0x0]  }
0x72: {  	v1 =	vld [tilespmem:s9+$0x0]  }
0x73: {  	s26 =	simm.s32 $0x3F00  }
0x74: {  	v2 =	vld [tilespmem:s26+$0x0];
	_ =	sdelay $0x2  }
0x75: {  	v0 =	vmul.f32 v0, v1;
	_ =	sdelay $0x1  }
0x76: {  	v0 =	vmul.f32 v2, v0;
	_ =	sdelay $0x1  }
0x77: {  	v0 =	vmul.f32 $2.500000000e-01, v0;
	_ =	sdelay $0x1  }
0x78: {  	(xrf2) =	vadd.scan.msk.f32 $0xffff, v0;
	_ =	sdelay $0x9  }
0x79: {  	v1, _, _ =	vpop (xrf2)  }
0x7a: {  	v1 =	vmax.f32 v1, $-5.000000000e+00  }
0x7b: {  	v1 =	vmin.f32 v1, $5.000000000e+00  }
0x7c: {  	v1 =	vmul.f32 $1.442695020e+00, v1  }
0x7d: {  	s1 =	sand.u32 $0x300, s11  }
0x7e: {  	s18 =	sadd.s32 s1, s2;
	v5 =	vld [tilespmem:s10+$0xFFFFFF80];
	v1 =	vbroadcast v1, $0xF  }
0x7f: {  	v2 =	vld [tilespmem:s18+$0x0]  }
0x80: {  	(erf) = vpow2.f32 v1  }
0x81: {  	v1 =	vld [tilespmem:s26+$0xFFFFFF80];
	_ =	sdelay $0x1  }
0x82: {  	s2 =	simm.s32 $0x5300  }
0x83: {  	[tilespmem:s2+$0x0] =	vst v0;
	v2 =	vmul.f32 v5, v2  }
0x84: {  	v0 =	vld [tilespmem:s9+$0x400]  }
0x85: {  	v1 =	vmul.f32 v1, v2;
	_ =	sdelay $0x1  }
0x86: {  	v1 =	vmul.f32 $2.500000000e-01, v1  }
0x87: {  	v2 =	vpop (erf)  }
0x88: {  	(xrf2) =	vadd.scan.msk.f32 $0xffff, v1;
	v0 =	vmul.f32 v2, v0  }
0x89: {  	s3 =	simm.s32 $0x6700;
	[tilespmem:$0x1FEE0] =	vst v2  }
0x8a: {  	[tilespmem:s3+$0x0] =	vst v0  }
0x8b: {  	v0 =	vld [tilespmem:s9+$0x10]  }
0x8c: {  	v2 =	vld [tilespmem:s10+$0x10];
	_ =	sdelay $0x1  }
0x8d: {  	v5 =	vld [tilespmem:s26+$0x10];
	_ =	sdelay $0x2  }
0x8e: {  	v0 =	vmul.f32 v2, v0  }
0x8f: {  	v2, _, _ =	vpop (xrf2)  }
0x90: {  	v2 =	vmax.f32 v2, $-5.000000000e+00;
	v0 =	vmul.f32 v5, v0  }
0x91: {  	v2 =	vmin.f32 v2, $5.000000000e+00  }
0x92: {  	v2 =	vmul.f32 $1.442695020e+00, v2;
	v0 =	vmul.f32 $2.500000000e-01, v0;
	_ =	sdelay $0x1  }
0x93: {  	v2 =	vbroadcast v2, $0xF;
	(xrf2) =	vadd.scan.msk.f32 $0xffff, v0;
	_ =	sdelay $0x1  }
0x94: {  	(erf) = vpow2.f32 v2;
	_ =	sdelay $0x2  }
0x95: {  	s4 =	simm.s32 $0x5300  }
0x96: {  	[tilespmem:s4+$0xFFFFFF80] =	vst v1  }
0x97: {  	v1 =	vld [tilespmem:s18+$0x400];
	_ =	sdelay $0x2  }
0x98: {  	v2, _, _ =	vpop (xrf2)  }
0x99: {  	v18 =	vpop (erf);
	v2 =	vmax.f32 v2, $-5.000000000e+00  }
0x9a: {  	v1 =	vmul.f32 v18, v1;
	v2 =	vmin.f32 v2, $5.000000000e+00  }
0x9b: {  	s15 =	simm.s32 $0x6700;
	v2 =	vmul.f32 $1.442695020e+00, v2  }
0x9c: {  	[tilespmem:s15+$0xFFFFFF80] =	vst v1  }
0x9d: {  	v1 =	vld [tilespmem:s18+$0x10];
	v2 =	vbroadcast v2, $0xF  }
0x9e: {  	s5 =	simm.s32 $0x200;
	v5 =	vld [tilespmem:s10+$0xFFFFFF90]  }
0x9f: {  	s6 =	simm.s32 $0x180;
	s1 =	sand.u32 $0x3800, s5;
	(erf) = vpow2.f32 v2  }
0xa0: {  	s8 =	sand.u32 $0x380, s6;
	s7 =	sor.u32 $0x280, s1;
	s24 =	simm.s32 $0x2C00;
	v2 =	vld [tilespmem:s26+$0xFFFFFF90]  }
0xa1: {  	s19 =	sadd.s32 s8, s7;
	v6 =	vld [tilespmem:s24+$0x0]  }
0xa2: {  	v7 =	vld [tilespmem:s19+$0x0]  }
0xa3: {  	s29 =	simm.s32 $0x4000;
	v1 =	vmul.f32 v5, v1  }
0xa4: {  	[tilespmem:s4+$0x10] =	vst v0;
	v5 =	vld [tilespmem:s29+$0x0]  }
0xa5: {  	v0 =	vld [tilespmem:s9+$0x410];
	v1 =	vmul.f32 v2, v1;
	_ =	sdelay $0x1  }
0xa6: {  	s11 =	simm.s32 $0x100;
	v2 =	vmul.f32 v6, v7;
	v1 =	vmul.f32 $2.500000000e-01, v1  }
0xa7: {  	s2 =	sand.u32 $0x300, s11;
	v7 =	vpop (erf)  }
0xa8: {  	s6 =	sadd.s32 s2, s7;
	v2 =	vmul.f32 v5, v2;
	(xrf2) =	vadd.scan.msk.f32 $0xffff, v1;
	[tilespmem:$0x1FEF0] =	vst v7  }
0xa9: {  	v0 =	vmul.f32 v7, v0;
	v6 =	vld [tilespmem:s6+$0x0]  }
0xaa: {  	v2 =	vmul.f32 $2.500000000e-01, v2;
	v5 =	vld [tilespmem:s24+$0xFFFFFF80]  }
0xab: {  	v7 =	vld [tilespmem:s29+$0xFFFFFF80];
	[tilespmem:s15+$0x10] =	vst v0  }
0xac: {  	(xrf2) =	vadd.scan.msk.f32 $0xffff, v2;
	v0 =	vld [tilespmem:s9+$0x20]  }
0xad: {  	v8 =	vld [tilespmem:s10+$0x20];
	_ =	sdelay $0x1  }
0xae: {  	v5 =	vmul.f32 v5, v6;
	v6 =	vld [tilespmem:s26+$0x20];
	_ =	sdelay $0x1  }
0xaf: {  	v5 =	vmul.f32 v7, v5  }
0xb0: {  	v0 =	vmul.f32 v8, v0;
	v7, _, _ =	vpop (xrf2)  }
0xb1: {  	v5 =	vmul.f32 $2.500000000e-01, v5;
	v7 =	vmax.f32 v7, $-5.000000000e+00  }
0xb2: {  	v0 =	vmul.f32 v6, v0;
	v6 =	vmin.f32 v7, $5.000000000e+00  }
0xb3: {  	(xrf2) =	vadd.scan.msk.f32 $0xffff, v5;
	v6 =	vmul.f32 $1.442695020e+00, v6  }
0xb4: {  	v7, _, _ =	vpop (xrf2)  }
0xb5: {  	v6 =	vbroadcast v6, $0xF;
	v7 =	vmax.f32 v7, $-5.000000000e+00  }
0xb6: {  	v0 =	vmul.f32 $2.500000000e-01, v0;
	v7 =	vmin.f32 v7, $5.000000000e+00  }
0xb7: {  	(erf) = vpow2.f32 v6;
	v6 =	vmul.f32 $1.442695020e+00, v7  }
0xb8: {  	(xrf2) =	vadd.scan.msk.f32 $0xffff, v0  }
0xb9: {  	v6 =	vbroadcast v6, $0xF;
	_ =	sdelay $0x3  }
0xba: {  	(erf) = vpow2.f32 v6;
	v6, _, _ =	vpop (xrf2)  }
0xbb: {  	[tilespmem:s4+$0xFFFFFF90] =	vst v1;
	v6 =	vmax.f32 v6, $-5.000000000e+00  }
0xbc: {  	v1 =	vld [tilespmem:s18+$0x410];
	v6 =	vmin.f32 v6, $5.000000000e+00  }
0xbd: {  	s12 =	simm.s32 $0x5400  }
0xbe: {  	[tilespmem:s12+$0x0] =	vst v2;
	v8 =	vpop (erf)  }
0xbf: {  	v2 =	vmul.f32 $1.442695020e+00, v6;
	[tilespmem:$0x1FE70] =	vst v8;
	v6, _, _ =	vpop (xrf2)  }
0xc0: {  	v7 =	vld [tilespmem:s19+$0x400];
	v6 =	vmax.f32 v6, $-5.000000000e+00  }
0xc1: {  	v1 =	vmul.f32 v8, v1;
	v2 =	vbroadcast v2, $0xF;
	v6 =	vmin.f32 v6, $5.000000000e+00  }
0xc2: {  	v6 =	vmul.f32 $1.442695020e+00, v6  }
0xc3: {  	[tilespmem:s15+$0xFFFFFF90] =	vst v1;
	(erf) = vpow2.f32 v2;
	v8 =	vpop (erf)  }
0xc4: {  	v1 =	vld [tilespmem:s18+$0x20];
	[tilespmem:$0x1FF30] =	vst v8;
	v2 =	vbroadcast v6, $0xF  }
0xc5: {  	s13 =	simm.s32 $0x5400;
	v6 =	vld [tilespmem:s10+$0xFFFFFFA0];
	v7 =	vmul.f32 v8, v7  }
0xc6: {  	s17 =	simm.s32 $0x6800;
	[tilespmem:s13+$0xFFFFFF80] =	vst v5;
	v8 =	vld [tilespmem:s26+$0xFFFFFFA0];
	(erf) = vpow2.f32 v2  }
0xc7: {  	v2 =	vld [tilespmem:s6+$0x400];
	[tilespmem:s17+$0x0] =	vst v7  }
0xc8: {  	v5 =	vld [tilespmem:s19+$0x10]  }
0xc9: {  	v7 =	vld [tilespmem:s24+$0x10]  }
0xca: {  	v1 =	vmul.f32 v6, v1  }
0xcb: {  	[tilespmem:s4+$0x20] =	vst v0;
	v6 =	vld [tilespmem:s29+$0x10]  }
0xcc: {  	v0 =	vld [tilespmem:s9+$0x420];
	v1 =	vmul.f32 v8, v1;
	v8 =	vpop (erf)  }
0xcd: {  	v2 =	vmul.f32 v8, v2  }
0xce: {  	[tilespmem:$0x1FE90] =	vst v8;
	v5 =	vmul.f32 v7, v5;
	v1 =	vmul.f32 $2.500000000e-01, v1  }
0xcf: {  	[tilespmem:s17+$0xFFFFFF80] =	vst v2;
	v7 =	vpop (erf)  }
0xd0: {  	v2 =	vmul.f32 v6, v5;
	(xrf2) =	vadd.scan.msk.f32 $0xffff, v1;
	[tilespmem:$0x1FF00] =	vst v7  }
0xd1: {  	v0 =	vmul.f32 v7, v0;
	v5 =	vld [tilespmem:s6+$0x10]  }
0xd2: {  	v2 =	vmul.f32 $2.500000000e-01, v2;
	v6 =	vld [tilespmem:s24+$0xFFFFFF90]  }
0xd3: {  	v7 =	vld [tilespmem:s29+$0xFFFFFF90];
	[tilespmem:s15+$0x20] =	vst v0  }
0xd4: {  	(xrf2) =	vadd.scan.msk.f32 $0xffff, v2;
	v0 =	vld [tilespmem:s9+$0x30]  }
0xd5: {  	v8 =	vld [tilespmem:s10+$0x30];
	_ =	sdelay $0x1  }
0xd6: {  	v5 =	vmul.f32 v6, v5;
	v6 =	vld [tilespmem:s26+$0x30];
	_ =	sdelay $0x1  }
0xd7: {  	v5 =	vmul.f32 v7, v5  }
0xd8: {  	v0 =	vmul.f32 v8, v0;
	v7, _, _ =	vpop (xrf2)  }
0xd9: {  	v5 =	vmul.f32 $2.500000000e-01, v5;
	v7 =	vmax.f32 v7, $-5.000000000e+00  }
0xda: {  	v0 =	vmul.f32 v6, v0;
	v6 =	vmin.f32 v7, $5.000000000e+00  }
0xdb: {  	(xrf2) =	vadd.scan.msk.f32 $0xffff, v5;
	v6 =	vmul.f32 $1.442695020e+00, v6  }
0xdc: {  	v7, _, _ =	vpop (xrf2)  }
0xdd: {  	s14 =	simm.s32 $0x400;
	v6 =	vbroadcast v6, $0xF;
	v7 =	vmax.f32 v7, $-5.000000000e+00  }
0xde: {  	s16 =	simm.s32 $0x280;
	s2 =	sand.u32 $0x3800, s14;
	v0 =	vmul.f32 $2.500000000e-01, v0;
	v7 =	vmin.f32 v7, $5.000000000e+00  }
0xdf: {  	s2 =	sor.u32 $0x280, s2;
	s3 =	sand.u32 $0x380, s16;
	(erf) = vpow2.f32 v6;
	v6 =	vmul.f32 $1.442695020e+00, v7  }
0xe0: {  	s13 =	sadd.s32 s3, s2;
	(xrf2) =	vadd.scan.msk.f32 $0xffff, v0  }
0xe1: {  	s20 =	simm.s32 $0x2D00;
	v8 =	vld [tilespmem:s13+$0x0];
	v6 =	vbroadcast v6, $0xF  }
0xe2: {  	v7 =	vld [tilespmem:s20+$0x0]  }
0xe3: {  	s22 =	simm.s32 $0x4100;
	s23 =	simm.s32 $0x200;
	(erf) = vpow2.f32 v6  }
0xe4: {  	s3 =	sand.u32 $0x300, s23;
	[tilespmem:s4+$0xFFFFFFA0] =	vst v1;
	v1 =	vld [tilespmem:s22+$0x0]  }
0xe5: {  	s14 =	sadd.s32 s3, s2;
	v6 =	vld [tilespmem:s18+$0x420];
	v9, _, _ =	vpop (xrf2)  }
0xe6: {  	s21 =	simm.s32 $0x2D00;
	v10 =	vld [tilespmem:s14+$0x0];
	v9 =	vmax.f32 v9, $-5.000000000e+00  }
0xe7: {  	v7 =	vmul.f32 v7, v8;
	v8 =	vld [tilespmem:s21+$0xFFFFFF80];
	v9 =	vmin.f32 v9, $5.000000000e+00  }
0xe8: {  	s5 =	simm.s32 $0x5400;
	v9 =	vmul.f32 $1.442695020e+00, v9  }
0xe9: {  	[tilespmem:s5+$0x10] =	vst v2;
	v1 =	vmul.f32 v1, v7;
	v12 =	vpop (erf)  }
0xea: {  	v2, _, _ =	vpop (xrf2);
	[tilespmem:$0x1FE80] =	vst v12;
	v6 =	vmul.f32 v12, v6;
	v7 =	vbroadcast v9, $0xF  }
0xeb: {  	s25 =	simm.s32 $0x4100;
	v2 =	vmax.f32 v2, $-5.000000000e+00;
	v11 =	vld [tilespmem:s19+$0x410]  }
0xec: {  	v9 =	vld [tilespmem:s25+$0xFFFFFF80];
	v2 =	vmin.f32 v2, $5.000000000e+00;
	[tilespmem:s15+$0xFFFFFFA0] =	vst v6;
	(erf) = vpow2.f32 v7;
	v7 =	vmul.f32 v8, v10;
	v8 =	vpop (erf)  }
0xed: {  	v2 =	vmul.f32 $1.442695020e+00, v2;
	v6 =	vld [tilespmem:s18+$0x30];
	[tilespmem:$0x1FF40] =	vst v8  }
0xee: {  	[tilespmem:s5+$0xFFFFFF90] =	vst v5;
	v5 =	vld [tilespmem:s10+$0xFFFFFFB0]  }
0xef: {  	v1 =	vmul.f32 $2.500000000e-01, v1;
	v2 =	vbroadcast v2, $0xF;
	_ =	sdelay $0x1  }
0xf0: {  	(xrf2) =	vadd.scan.msk.f32 $0xffff, v1;
	(erf) = vpow2.f32 v2  }
0xf1: {  	v8 =	vmul.f32 v8, v11;
	v2 =	vld [tilespmem:s26+$0xFFFFFFB0]  }
0xf2: {  	v10 =	vld [tilespmem:s6+$0x410];
	v5 =	vmul.f32 v5, v6  }
0xf3: {  	v7 =	vmul.f32 v9, v7;
	[tilespmem:s17+$0x10] =	vst v8  }
0xf4: {  	v8 =	vld [tilespmem:s19+$0x20]  }
0xf5: {  	[tilespmem:s4+$0x30] =	vst v0;
	v7 =	vmul.f32 $2.500000000e-01, v7;
	v9 =	vld [tilespmem:s24+$0x20]  }
0xf6: {  	v0 =	vld [tilespmem:s9+$0x430];
	v2 =	vmul.f32 v2, v5;
	v5 =	vpop (erf)  }
0xf7: {  	v6 =	vld [tilespmem:s29+$0x20];
	(xrf2) =	vadd.scan.msk.f32 $0xffff, v7;
	[tilespmem:$0x1FEA0] =	vst v5;
	v5 =	vmul.f32 v5, v10;
	_ =	sdelay $0x1  }
0xf8: {  	v10 =	vpop (erf);
	[tilespmem:s17+$0xFFFFFF90] =	vst v5  }
0xf9: {  	v8 =	vmul.f32 v9, v8;
	v9, _, _ =	vpop (xrf2);
	[tilespmem:$0x1FF10] =	vst v10  }
0xfa: {  	v2 =	vmul.f32 $2.500000000e-01, v2;
	v5 =	vmax.f32 v9, $-5.000000000e+00;
	v9 =	vld [tilespmem:s6+$0x20]  }
0xfb: {  	v6 =	vmul.f32 v6, v8;
	v5 =	vmin.f32 v5, $5.000000000e+00;
	v8 =	vld [tilespmem:s24+$0xFFFFFFA0]  }
0xfc: {  	(xrf2) =	vadd.scan.msk.f32 $0xffff, v2;
	v0 =	vmul.f32 v10, v0;
	v5 =	vmul.f32 $1.442695020e+00, v5  }
0xfd: {  	v10 =	vld [tilespmem:s29+$0xFFFFFFA0]  }
0xfe: {  	[tilespmem:s15+$0x30] =	vst v0;
	v5 =	vbroadcast v5, $0xF  }
0xff: {  	v6 =	vmul.f32 $2.500000000e-01, v6;
	v0 =	vld [tilespmem:s9+$0x40]  }
0x100: {  	v11, _, _ =	vpop (xrf2);
	v12 =	vld [tilespmem:s10+$0x40];
	(erf) = vpow2.f32 v5;
	v5 =	vmul.f32 v8, v9  }
0x101: {  	(xrf2) =	vadd.scan.msk.f32 $0xffff, v6;
	v11 =	vmax.f32 v11, $-5.000000000e+00  }
0x102: {  	v8 =	vmin.f32 v11, $5.000000000e+00;
	v9 =	vld [tilespmem:s26+$0x40];
	v5 =	vmul.f32 v10, v5  }
0x103: {  	v8 =	vmul.f32 $1.442695020e+00, v8;
	_ =	sdelay $0x1  }
0x104: {  	s31 =	simm.s32 $0x5500;
	v0 =	vmul.f32 v12, v0;
	v8 =	vbroadcast v8, $0xF  }
0x105: {  	[tilespmem:s31+$0x0] =	vst v1;
	v1 =	vmul.f32 $2.500000000e-01, v5;
	v5, _, _ =	vpop (xrf2)  }
0x106: {  	v10 =	vld [tilespmem:s13+$0x400];
	(erf) = vpow2.f32 v8;
	v0 =	vmul.f32 v9, v0;
	v5 =	vmax.f32 v5, $-5.000000000e+00  }
0x107: {  	(xrf2) =	vadd.scan.msk.f32 $0xffff, v1;
	v5 =	vmin.f32 v5, $5.000000000e+00  }
0x108: {  	v0 =	vmul.f32 $2.500000000e-01, v0;
	v5 =	vmul.f32 $1.442695020e+00, v5  }
0x109: {  	[tilespmem:s31+$0xFFFFFF80] =	vst v7;
	v9 =	vpop (erf)  }
0x10a: {  	v8, _, _ =	vpop (xrf2);
	[tilespmem:$0x1FF80] =	vst v9;
	(xrf2) =	vadd.scan.msk.f32 $0xffff, v0;
	v5 =	vbroadcast v5, $0xF  }
0x10b: {  	v7 =	vmax.f32 v8, $-5.000000000e+00;
	v9 =	vmul.f32 v9, v10;
	v8 =	vld [tilespmem:s14+$0x400]  }
0x10c: {  	s7 =	simm.s32 $0x6900;
	v7 =	vmin.f32 v7, $5.000000000e+00;
	(erf) = vpow2.f32 v5  }
0x10d: {  	[tilespmem:s7+$0x0] =	vst v9;
	v5 =	vmul.f32 $1.442695020e+00, v7  }
0x10e: {  	[tilespmem:s4+$0xFFFFFFB0] =	vst v2;
	v2 =	vld [tilespmem:s21+$0x10]  }
0x10f: {  	v7 =	vld [tilespmem:s13+$0x10];
	v10 =	vpop (erf);
	v5 =	vbroadcast v5, $0xF  }
0x110: {  	[tilespmem:$0x1FEB0] =	vst v10;
	v8 =	vmul.f32 v10, v8  }
0x111: {  	v10, _, _ =	vpop (xrf2);
	(erf) = vpow2.f32 v5;
	v5 =	vld [tilespmem:s25+$0x10]  }
0x112: {  	v9 =	vld [tilespmem:s18+$0x430];
	[tilespmem:s7+$0xFFFFFF80] =	vst v8;
	v8 =	vmax.f32 v10, $-5.000000000e+00  }
0x113: {  	s16 =	simm.s32 $0x5400;
	v8 =	vmin.f32 v8, $5.000000000e+00  }
0x114: {  	[tilespmem:s16+$0x20] =	vst v6;
	v2 =	vmul.f32 v2, v7;
	v6, _, _ =	vpop (xrf2);
	v8 =	vmul.f32 $1.442695020e+00, v8  }
0x115: {  	v10 =	vld [tilespmem:s14+$0x10];
	v6 =	vmax.f32 v6, $-5.000000000e+00;
	v12 =	vpop (erf)  }
0x116: {  	v7 =	vld [tilespmem:s21+$0xFFFFFF90];
	v6 =	vmin.f32 v6, $5.000000000e+00;
	v8 =	vbroadcast v8, $0xF;
	v2 =	vmul.f32 v5, v2;
	[tilespmem:$0x1FEC0] =	vst v12  }
0x117: {  	v6 =	vmul.f32 $1.442695020e+00, v6;
	v5 =	vmul.f32 v12, v9;
	v11 =	vld [tilespmem:s19+$0x420]  }
0x118: {  	v9 =	vld [tilespmem:s25+$0xFFFFFF90]  }
0x119: {  	[tilespmem:s15+$0xFFFFFFB0] =	vst v5;
	v5 =	vbroadcast v6, $0xF  }
0x11a: {  	(erf) = vpow2.f32 v8;
	v2 =	vmul.f32 $2.500000000e-01, v2;
	v8 =	vpop (erf)  }
0x11b: {  	v7 =	vmul.f32 v7, v10;
	[tilespmem:$0x1FF50] =	vst v8;
	(erf) = vpow2.f32 v5  }
0x11c: {  	(xrf2) =	vadd.scan.msk.f32 $0xffff, v2;
	v6 =	vld [tilespmem:s18+$0x40];
	v8 =	vmul.f32 v8, v11  }
0x11d: {  	v10 =	vld [tilespmem:s10+$0xFFFFFFC0];
	v7 =	vmul.f32 v9, v7  }
0x11e: {  	v5 =	vld [tilespmem:s26+$0xFFFFFFC0];
	[tilespmem:s17+$0x20] =	vst v8  }
0x11f: {  	v7 =	vmul.f32 $2.500000000e-01, v7;
	v8 =	vld [tilespmem:s19+$0x30]  }
0x120: {  	[tilespmem:s4+$0x40] =	vst v0;
	v9 =	vld [tilespmem:s24+$0x30]  }
0x121: {  	v0 =	vld [tilespmem:s9+$0x440];
	(xrf2) =	vadd.scan.msk.f32 $0xffff, v7  }
0x122: {  	v11 =	vld [tilespmem:s29+$0x30];
	v6 =	vmul.f32 v10, v6  }
0x123: {  	s8 =	simm.s32 $0x600;
	[tilespmem:s16+$0xFFFFFFA0] =	vst v1;
	v13 =	vpop (erf)  }
0x124: {  	s11 =	simm.s32 $0x380;
	s2 =	sand.u32 $0x3800, s8;
	[tilespmem:$0x1FED0] =	vst v13;
	v10 =	vpop (erf)  }
0x125: {  	s30 =	simm.s32 $0x2E00;
	s3 =	sand.u32 $0x380, s11;
	s2 =	sor.u32 $0x280, s2;
	v5 =	vmul.f32 v5, v6;
	v1 =	vmul.f32 v9, v8;
	v8 =	vld [tilespmem:s6+$0x420];
	[tilespmem:$0x1FF20] =	vst v10  }
0x126: {  	s22 =	sadd.s32 s3, s2;
	v6, _, _ =	vpop (xrf2);
	v0 =	vmul.f32 v10, v0;
	v9 =	vld [tilespmem:s30+$0x0]  }
0x127: {  	s12 =	simm.s32 $0x4200;
	v5 =	vmul.f32 $2.500000000e-01, v5;
	v6 =	vmax.f32 v6, $-5.000000000e+00;
	v10 =	vld [tilespmem:s22+$0x0];
	v1 =	vmul.f32 v11, v1  }
0x128: {  	v6 =	vmin.f32 v6, $5.000000000e+00;
	v11 =	vld [tilespmem:s12+$0x0];
	[tilespmem:s15+$0x40] =	vst v0  }
0x129: {  	(xrf2) =	vadd.scan.msk.f32 $0xffff, v5;
	v0 =	vmul.f32 $1.442695020e+00, v6;
	v6 =	vld [tilespmem:s9+$0x50];
	v1 =	vmul.f32 $2.500000000e-01, v1  }
0x12a: {  	v12 =	vld [tilespmem:s10+$0x50]  }
0x12b: {  	v0 =	vbroadcast v0, $0xF;
	(xrf2) =	vadd.scan.msk.f32 $0xffff, v1;
	v22, _, _ =	vpop (xrf2)  }
0x12c: {  	v9 =	vmul.f32 v9, v10;
	v22 =	vmax.f32 v22, $-5.000000000e+00  }
0x12d: {  	v8 =	vmul.f32 v13, v8;
	v10 =	vld [tilespmem:s26+$0x50];
	(erf) = vpow2.f32 v0;
	v0 =	vmin.f32 v22, $5.000000000e+00  }
0x12e: {  	s20 =	simm.s32 $0x300;
	v9 =	vmul.f32 v11, v9;
	v0 =	vmul.f32 $1.442695020e+00, v0  }
0x12f: {  	s3 =	sand.u32 $0x300, s20;
	[tilespmem:s17+$0xFFFFFFA0] =	vst v8;
	v6 =	vmul.f32 v12, v6  }
0x130: {  	s28 =	sadd.s32 s3, s2;
	v8 =	vld [tilespmem:s6+$0x30];
	v9 =	vmul.f32 $2.500000000e-01, v9;
	v0 =	vbroadcast v0, $0xF  }
0x131: {  	v11 =	vld [tilespmem:s28+$0x0]  }
0x132: {  	s8 =	simm.s32 $0x4200;
	v6 =	vmul.f32 v10, v6;
	v10 =	vld [tilespmem:s30+$0xFFFFFF80];
	(xrf2) =	vadd.scan.msk.f32 $0xffff, v9;
	(erf) = vpow2.f32 v0  }
0x133: {  	[tilespmem:s31+$0x10] =	vst v2;
	v12 =	vld [tilespmem:s8+$0xFFFFFF80];
	v2, _, _ =	vpop (xrf2)  }
0x134: {  	v0 =	vld [tilespmem:s13+$0x410];
	v2 =	vmax.f32 v2, $-5.000000000e+00  }
0x135: {  	v27 =	vld [tilespmem:s24+$0xFFFFFFB0];
	v6 =	vmul.f32 $2.500000000e-01, v6;
	v2 =	vmin.f32 v2, $5.000000000e+00;
	v22, _, _ =	vpop (xrf2)  }
0x136: {  	[tilespmem:s31+$0xFFFFFF90] =	vst v7;
	v2 =	vmul.f32 $1.442695020e+00, v2;
	v13 =	vpop (erf);
	v22 =	vmax.f32 v22, $-5.000000000e+00  }
0x137: {  	v28 =	vld [tilespmem:s14+$0x410];
	(xrf2) =	vadd.scan.msk.f32 $0xffff, v6;
	v10 =	vmul.f32 v10, v11;
	[tilespmem:$0x1FF90] =	vst v13;
	v7 =	vmin.f32 v22, $5.000000000e+00  }
0x138: {  	v2 =	vbroadcast v2, $0xF;
	v11 =	vld [tilespmem:s29+$0xFFFFFFB0];
	v7 =	vmul.f32 $1.442695020e+00, v7  }
0x139: {  	v0 =	vmul.f32 v13, v0;
	v10 =	vmul.f32 v12, v10  }
0x13a: {  	s5 =	simm.s32 $0x6900;
	v8 =	vmul.f32 v27, v8;
	v7 =	vbroadcast v7, $0xF  }
0x13b: {  	(erf) = vpow2.f32 v2;
	[tilespmem:s5+$0x10] =	vst v0;
	v2 =	vmul.f32 $2.500000000e-01, v10;
	v29 =	vpop (erf)  }
0x13c: {  	s21 =	simm.s32 $0x2D00;
	v0 =	vld [tilespmem:s13+$0x20];
	v12, _, _ =	vpop (xrf2);
	(erf) = vpow2.f32 v7;
	v10 =	vmul.f32 v29, v28  }
0x13d: {  	v7 =	vld [tilespmem:s21+$0x20];
	v8 =	vmul.f32 v11, v8;
	v11 =	vmax.f32 v12, $-5.000000000e+00  }
0x13e: {  	s23 =	simm.s32 $0x4100;
	[tilespmem:s5+$0xFFFFFF90] =	vst v10;
	v10 =	vmin.f32 v11, $5.000000000e+00  }
0x13f: {  	[tilespmem:s16+$0x30] =	vst v1;
	v12 =	vld [tilespmem:s23+$0x20]  }
0x140: {  	v28 =	vld [tilespmem:s19+$0x430]  }
0x141: {  	(xrf2) =	vadd.scan.msk.f32 $0xffff, v2;
	v11 =	vld [tilespmem:s14+$0x20];
	v1 =	vmul.f32 $1.442695020e+00, v10;
	v10, _, _ =	vpop (xrf2)  }
0x142: {  	v0 =	vmul.f32 v7, v0;
	v7 =	vld [tilespmem:s21+$0xFFFFFFA0];
	v10 =	vmax.f32 v10, $-5.000000000e+00  }
0x143: {  	s25 =	simm.s32 $0x5300;
	v8 =	vmul.f32 $2.500000000e-01, v8;
	v1 =	vbroadcast v1, $0xF;
	v10 =	vmin.f32 v10, $5.000000000e+00  }
0x144: {  	[tilespmem:s25+$0xFFFFFFC0] =	vst v5;
	v5 =	vld [tilespmem:s23+$0xFFFFFFA0];
	v36 =	vpop (erf);
	v10 =	vmul.f32 $1.442695020e+00, v10  }
0x145: {  	(xrf2) =	vadd.scan.msk.f32 $0xffff, v8;
	v0 =	vmul.f32 v12, v0;
	(erf) = vpow2.f32 v1;
	v12 =	vpop (erf)  }
0x146: {  	s3 =	simm.s32 $0x5600;
	v1 =	vld [tilespmem:s18+$0x440];
	[tilespmem:$0x1FF60] =	vst v12;
	v10 =	vbroadcast v10, $0xF;
	v12 =	vmul.f32 v12, v28  }
0x147: {  	v7 =	vmul.f32 v7, v11;
	[tilespmem:s3+$0x0] =	vst v9  }
0x148: {  	v0 =	vmul.f32 $2.500000000e-01, v0;
	(erf) = vpow2.f32 v10;
	v10 =	vld [tilespmem:s22+$0x400];
	[tilespmem:s17+$0x30] =	vst v12  }
0x149: {  	v5 =	vmul.f32 v5, v7;
	v7 =	vld [tilespmem:s19+$0x40]  }
0x14a: {  	(xrf2) =	vadd.scan.msk.f32 $0xffff, v0;
	v11 =	vld [tilespmem:s24+$0x40]  }
0x14b: {  	v9, _, _ =	vpop (xrf2);
	v1 =	vmul.f32 v36, v1  }
0x14c: {  	v9 =	vmax.f32 v9, $-5.000000000e+00;
	v28 =	vld [tilespmem:s29+$0x40]  }
0x14d: {  	s4 =	simm.s32 $0x5600;
	[tilespmem:s25+$0x50] =	vst v6;
	v9 =	vmin.f32 v9, $5.000000000e+00;
	v12 =	vmul.f32 $2.500000000e-01, v5  }
0x14e: {  	[tilespmem:s4+$0xFFFFFF80] =	vst v2;
	v9 =	vmul.f32 $1.442695020e+00, v9;
	v5 =	vpop (erf)  }
0x14f: {  	v6 =	vld [tilespmem:s9+$0x450];
	[tilespmem:s15+$0xFFFFFFC0] =	vst v1;
	v1, _, _ =	vpop (xrf2);
	(xrf2) =	vadd.scan.msk.f32 $0xffff, v12;
	v2 =	vmul.f32 v5, v10;
	v7 =	vmul.f32 v11, v7  }
0x150: {  	s11 =	simm.s32 $0x6A00;
	v32 =	vld [tilespmem:s18+$0x50];
	v9 =	vbroadcast v9, $0xF;
	v1 =	vmax.f32 v1, $-5.000000000e+00  }
0x151: {  	v34 =	vld [tilespmem:s10+$0xFFFFFFD0];
	v1 =	vmin.f32 v1, $5.000000000e+00;
	[tilespmem:s11+$0x0] =	vst v2;
	v2 =	vmul.f32 v28, v7  }
0x152: {  	(erf) = vpow2.f32 v9;
	v1 =	vmul.f32 $1.442695020e+00, v1;
	v7 =	vld [tilespmem:s22+$0x10]  }
0x153: {  	v28 =	vld [tilespmem:s30+$0x10];
	v38 =	vpop (erf);
	v2 =	vmul.f32 $2.500000000e-01, v2  }
0x154: {  	v9 =	vld [tilespmem:s26+$0xFFFFFFD0];
	v11, _, _ =	vpop (xrf2);
	v1 =	vbroadcast v1, $0xF;
	v6 =	vmul.f32 v38, v6  }
0x155: {  	v37 =	vld [tilespmem:s8+$0x10];
	v11 =	vmax.f32 v11, $-5.000000000e+00;
	(xrf2) =	vadd.scan.msk.f32 $0xffff, v2  }
0x156: {  	v10 =	vld [tilespmem:s28+$0x400];
	v11 =	vmin.f32 v11, $5.000000000e+00;
	(erf) = vpow2.f32 v1;
	[tilespmem:s15+$0x50] =	vst v6  }
0x157: {  	v6 =	vmul.f32 v34, v32;
	v1 =	vmul.f32 $1.442695020e+00, v11;
	v44 =	vld [tilespmem:s9+$0x60]  }
0x158: {  	v11 =	vld [tilespmem:s10+$0x60];
	v7 =	vmul.f32 v28, v7  }
0x159: {  	v6 =	vmul.f32 v9, v6;
	v9, _, _ =	vpop (xrf2);
	v1 =	vbroadcast v1, $0xF  }
0x15a: {  	[tilespmem:s16+$0xFFFFFFB0] =	vst v8;
	v45 =	vld [tilespmem:s26+$0x60];
	v8 =	vmax.f32 v9, $-5.000000000e+00;
	v7 =	vmul.f32 v37, v7  }
0x15b: {  	v39 =	vpop (erf);
	v6 =	vmul.f32 $2.500000000e-01, v6;
	(erf) = vpow2.f32 v1;
	v8 =	vmin.f32 v8, $5.000000000e+00  }
0x15c: {  	v9 =	vmul.f32 v39, v10;
	v1 =	vld [tilespmem:s6+$0x430];
	v8 =	vmul.f32 $1.442695020e+00, v8  }
0x15d: {  	[tilespmem:s31+$0x20] =	vst v0;
	v7 =	vmul.f32 $2.500000000e-01, v7;
	v10 =	vmul.f32 v11, v44  }
0x15e: {  	s12 =	simm.s32 $0x6A00;
	[tilespmem:s31+$0xFFFFFFA0] =	vst v12;
	(xrf2) =	vadd.scan.msk.f32 $0xffff, v6;
	v8 =	vbroadcast v8, $0xF  }
0x15f: {  	s7 =	simm.s32 $0x5300;
	v12 =	vld [tilespmem:s13+$0x420];
	[tilespmem:s12+$0xFFFFFF80] =	vst v9;
	(xrf2) =	vadd.scan.msk.f32 $0xffff, v7;
	v9 =	vmul.f32 v45, v10;
	v28, _, _ =	vpop (xrf2)  }
0x160: {  	[tilespmem:s7+$0xFFFFFFD0] =	vst v6;
	v6 =	vld [tilespmem:s30+$0xFFFFFF90];
	v40 =	vpop (erf);
	(erf) = vpow2.f32 v8;
	v8 =	vmax.f32 v28, $-5.000000000e+00  }
0x161: {  	v10 =	vld [tilespmem:s28+$0x10];
	v1 =	vmul.f32 v40, v1;
	v9 =	vmul.f32 $2.500000000e-01, v9;
	v8 =	vmin.f32 v8, $5.000000000e+00  }
0x162: {  	v8 =	vmul.f32 $1.442695020e+00, v8  }
0x163: {  	[tilespmem:s17+$0xFFFFFFB0] =	vst v1;
	v1 =	vld [tilespmem:s8+$0xFFFFFF90];
	(xrf2) =	vadd.scan.msk.f32 $0xffff, v9  }
0x164: {  	v11 =	vld [tilespmem:s14+$0x420];
	v13 =	vpop (erf);
	v8 =	vbroadcast v8, $0xF  }
0x165: {  	v0 =	vld [tilespmem:s18+$0x450];
	v12 =	vmul.f32 v13, v12  }
0x166: {  	v46 =	vld [tilespmem:s6+$0x40];
	v6 =	vmul.f32 v6, v10;
	[tilespmem:$0x1FFA0] =	vst v13;
	(erf) = vpow2.f32 v8  }
0x167: {  	v47 =	vld [tilespmem:s24+$0xFFFFFFC0];
	[tilespmem:s5+$0x20] =	vst v12  }
0x168: {  	s20 =	simm.s32 $0x2D00;
	v48, _, _ =	vpop (xrf2);
	v1 =	vmul.f32 v1, v6;
	v6 =	vld [tilespmem:s13+$0x30]  }
0x169: {  	v8 =	vld [tilespmem:s20+$0x30];
	v12, _, _ =	vpop (xrf2)  }
0x16a: {  	v10 =	vld [tilespmem:s29+$0xFFFFFFC0];
	v41 =	vpop (erf);
	v12 =	vmax.f32 v12, $-5.000000000e+00  }
0x16b: {  	s21 =	simm.s32 $0x4100;
	v11 =	vmul.f32 v41, v11;
	v12 =	vmin.f32 v12, $5.000000000e+00  }
0x16c: {  	[tilespmem:s16+$0x40] =	vst v2;
	v42 =	vld [tilespmem:s21+$0x30];
	v1 =	vmul.f32 $2.500000000e-01, v1;
	v12 =	vmul.f32 $1.442695020e+00, v12  }
0x16d: {  	s23 =	simm.s32 $0x800;
	v43 =	vld [tilespmem:s19+$0x440];
	v32 =	vmul.f32 v47, v46;
	[tilespmem:s5+$0xFFFFFFA0] =	vst v11;
	v2, _, _ =	vpop (xrf2)  }
0x16e: {  	s2 =	sand.u32 $0x3800, s23;
	(xrf2) =	vadd.scan.msk.f32 $0xffff, v1;
	v6 =	vmul.f32 v8, v6;
	v8 =	vld [tilespmem:s14+$0x30];
	v2 =	vmax.f32 v2, $-5.000000000e+00;
	v11 =	vbroadcast v12, $0xF  }
0x16f: {  	s1 =	simm.s32 $0x2F00;
	s2 =	sor.u32 $0x280, s2;
	s25 =	simm.s32 $0x480;
	v10 =	vmul.f32 v10, v32;
	v49 =	vld [tilespmem:s21+$0xFFFFFFB0];
	v2 =	vmin.f32 v2, $5.000000000e+00;
	v13 =	vpop (erf)  }
0x170: {  	s11 =	simm.s32 $0x400;
	s8 =	sand.u32 $0x380, s25;
	v12 =	vld [tilespmem:s20+$0xFFFFFFB0];
	v2 =	vmul.f32 $1.442695020e+00, v2;
	(erf) = vpow2.f32 v11;
	[tilespmem:$0x1FF70] =	vst v13  }
0x171: {  	s12 =	sadd.s32 s8, s2;
	s8 =	sand.u32 $0x300, s11;
	v6 =	vmul.f32 v42, v6;
	v11 =	vld [tilespmem:s1+$0x0]  }
0x172: {  	s7 =	simm.s32 $0x5600;
	s8 =	sadd.s32 s8, s2;
	v10 =	vmul.f32 $2.500000000e-01, v10;
	v2 =	vbroadcast v2, $0xF;
	v51 =	vld [tilespmem:s12+$0x0]  }
0x173: {  	s25 =	simm.s32 $0x4300;
	v6 =	vmul.f32 $2.500000000e-01, v6;
	[tilespmem:s7+$0x10] =	vst v7;
	v7 =	vmax.f32 v48, $-5.000000000e+00;
	v54 =	vld [tilespmem:s8+$0x0]  }
0x174: {  	(xrf2) =	vadd.scan.msk.f32 $0xffff, v10;
	v50 =	vmul.f32 v13, v43;
	(erf) = vpow2.f32 v2;
	v2 =	vld [tilespmem:s25+$0x0];
	v7 =	vmin.f32 v7, $5.000000000e+00  }
0x175: {  	s4 =	simm.s32 $0x2F00;
	[tilespmem:s7+$0xFFFFFF90] =	vst v1;
	v44 =	vld [tilespmem:s22+$0x410];
	v7 =	vmul.f32 $1.442695020e+00, v7  }
0x176: {  	(xrf2) =	vadd.scan.msk.f32 $0xffff, v6;
	v1 =	vld [tilespmem:s4+$0xFFFFFF80];
	[tilespmem:s17+$0x40] =	vst v50  }
0x177: {  	s3 =	simm.s32 $0x5300;
	v42 =	vld [tilespmem:s19+$0x50]  }
0x178: {  	[tilespmem:s3+$0x60] =	vst v9;
	v52, _, _ =	vpop (xrf2);
	v46 =	vld [tilespmem:s24+$0x50];
	v11 =	vmul.f32 v11, v51  }
0x179: {  	v8 =	vmul.f32 v12, v8;
	v53 =	vld [tilespmem:s9+$0x460];
	v12 =	vbroadcast v7, $0xF;
	v7 =	vpop (erf)  }
0x17a: {  	v37 =	vmax.f32 v52, $-5.000000000e+00;
	v2 =	vmul.f32 v2, v11;
	v11 =	vld [tilespmem:s29+$0x50];
	v44 =	vmul.f32 v7, v44  }
0x17b: {  	v9 =	vmin.f32 v37, $5.000000000e+00;
	(erf) = vpow2.f32 v12;
	v12 =	vld [tilespmem:s25+$0xFFFFFF80]  }
0x17c: {  	s20 =	simm.s32 $0x6A00;
	v9 =	vmul.f32 $1.442695020e+00, v9  }
0x17d: {  	v1 =	vmul.f32 v1, v54;
	v42 =	vmul.f32 v46, v42;
	[tilespmem:s20+$0x10] =	vst v44;
	v45 =	vpop (erf)  }
0x17e: {  	v47 =	vld [tilespmem:s28+$0x410];
	v9 =	vbroadcast v9, $0xF;
	v2 =	vmul.f32 $2.500000000e-01, v2;
	v44, _, _ =	vpop (xrf2)  }
0x17f: {  	v37 =	vmul.f32 v45, v53;
	v55 =	vmax.f32 v44, $-5.000000000e+00;
	v11 =	vmul.f32 v11, v42  }
0x180: {  	v1 =	vmul.f32 v12, v1;
	(erf) = vpow2.f32 v9;
	(xrf2) =	vadd.scan.msk.f32 $0xffff, v2;
	v9 =	vld [tilespmem:s22+$0x20];
	v56, _, _ =	vpop (xrf2);
	v32 =	vmin.f32 v55, $5.000000000e+00  }
0x181: {  	v57 =	vld [tilespmem:s30+$0x20];
	[tilespmem:s15+$0x60] =	vst v37;
	v58 =	vmax.f32 v56, $-5.000000000e+00;
	v32 =	vmul.f32 $1.442695020e+00, v32;
	v11 =	vmul.f32 $2.500000000e-01, v11  }
0x182: {  	v48 =	vmul.f32 $2.500000000e-01, v1;
	v59 =	vld [tilespmem:s9+$0x70];
	v37 =	vmin.f32 v58, $5.000000000e+00  }
0x183: {  	s21 =	simm.s32 $0x4200;
	v60 =	vld [tilespmem:s10+$0x70];
	v12 =	vmul.f32 $1.442695020e+00, v37;
	v32 =	vbroadcast v32, $0xF;
	(xrf2) =	vadd.scan.msk.f32 $0xffff, v11  }
0x184: {  	v61 =	vld [tilespmem:s21+$0x20]  }
0x185: {  	v62 =	vld [tilespmem:s26+$0x70];
	v1 =	vbroadcast v12, $0xF;
	(xrf2) =	vadd.scan.msk.f32 $0xffff, v48;
	(erf) = vpow2.f32 v32  }
0x186: {  	v8 =	vmul.f32 v49, v8  }
0x187: {  	v9 =	vmul.f32 v57, v9;
	(erf) = vpow2.f32 v1  }
0x188: {  	v8 =	vmul.f32 $2.500000000e-01, v8;
	v49 =	vpop (erf);
	v1 =	vmul.f32 v60, v59  }
0x189: {  	[tilespmem:s16+$0xFFFFFFC0] =	vst v10;
	v0 =	vmul.f32 v49, v0;
	v9 =	vmul.f32 v61, v9;
	v44 =	vpop (erf)  }
0x18a: {  	[tilespmem:s31+$0x30] =	vst v6;
	v1 =	vmul.f32 v62, v1;
	v10 =	vmul.f32 v44, v47  }
0x18b: {  	v6 =	vld [tilespmem:s13+$0x430];
	[tilespmem:s15+$0xFFFFFFD0] =	vst v0;
	(xrf2) =	vadd.scan.msk.f32 $0xffff, v8;
	v9 =	vmul.f32 $2.500000000e-01, v9;
	v12, _, _ =	vpop (xrf2)  }
0x18c: {  	v56 =	vld [tilespmem:s10+$0xFFFFFFE0];
	v0 =	vmax.f32 v12, $-5.000000000e+00;
	v1 =	vmul.f32 $2.500000000e-01, v1;
	[tilespmem:s20+$0xFFFFFF90] =	vst v10  }
0x18d: {  	(xrf2) =	vadd.scan.msk.f32 $0xffff, v9;
	v0 =	vmin.f32 v0, $5.000000000e+00;
	v10 =	vld [tilespmem:s28+$0x20];
	v55, _, _ =	vpop (xrf2)  }
0x18e: {  	v0 =	vmul.f32 $1.442695020e+00, v0;
	(xrf2) =	vadd.scan.msk.f32 $0xffff, v1;
	v54 =	vld [tilespmem:s30+$0xFFFFFFA0];
	v42 =	vpop (erf)  }
0x18f: {  	v12 =	vld [tilespmem:s18+$0x60];
	v51, _, _ =	vpop (xrf2)  }
0x190: {  	v63 =	vld [tilespmem:s6+$0x440];
	v0 =	vbroadcast v0, $0xF;
	v13 =	vpop (erf)  }
0x191: {  	v50 =	vld [tilespmem:s21+$0xFFFFFFA0];
	v57 =	vmax.f32 v55, $-5.000000000e+00;
	v51 =	vmax.f32 v51, $-5.000000000e+00;
	[tilespmem:$0x1FFB0] =	vst v13  }
0x192: {  	(erf) = vpow2.f32 v0;
	v0 =	vmin.f32 v57, $5.000000000e+00;
	v6 =	vmul.f32 v13, v6;
	v58 =	vld [tilespmem:s26+$0xFFFFFFE0]  }
0x193: {  	v59 =	vmin.f32 v51, $5.000000000e+00;
	v0 =	vmul.f32 $1.442695020e+00, v0;
	v10 =	vmul.f32 v54, v10  }
0x194: {  	[tilespmem:s5+$0x30] =	vst v6;
	v6 =	vmul.f32 v56, v12;
	v12 =	vmul.f32 $1.442695020e+00, v59  }
0x195: {  	s23 =	simm.s32 $0x5700;
	v37 =	vmul.f32 v42, v63;
	v61, _, _ =	vpop (xrf2);
	v0 =	vbroadcast v0, $0xF  }
0x196: {  	s3 =	simm.s32 $0x2D00;
	[tilespmem:s23+$0x0] =	vst v2;
	v60 =	vld [tilespmem:s13+$0x40];
	v2 =	vmul.f32 v50, v10;
	v10 =	vmax.f32 v61, $-5.000000000e+00;
	v12 =	vbroadcast v12, $0xF  }
0x197: {  	v62 =	vld [tilespmem:s3+$0x40];
	v10 =	vmin.f32 v10, $5.000000000e+00;
	v63, _, _ =	vpop (xrf2);
	(erf) = vpow2.f32 v0;
	v6 =	vmul.f32 v58, v6  }
0x198: {  	s7 =	simm.s32 $0x4100;
	v0 =	vld [tilespmem:s12+$0x400];
	v2 =	vmul.f32 $2.500000000e-01, v2;
	v10 =	vmul.f32 $1.442695020e+00, v10;
	v33, _, _ =	vpop (xrf2)  }
0x199: {  	[tilespmem:s16+$0x50] =	vst v11;
	v32 =	vld [tilespmem:s7+$0x40];
	v47 =	vmax.f32 v63, $-5.000000000e+00;
	v14 =	vmul.f32 $2.500000000e-01, v6;
	v6 =	vmax.f32 v33, $-5.000000000e+00  }
0x19a: {  	[tilespmem:s17+$0xFFFFFFC0] =	vst v37;
	(erf) = vpow2.f32 v12;
	v53 =	vmin.f32 v47, $5.000000000e+00  }
0x19b: {  	v35 =	vld [tilespmem:s19+$0x450];
	v10 =	vbroadcast v10, $0xF;
	(xrf2) =	vadd.scan.msk.f32 $0xffff, v2;
	v43 =	vmul.f32 $1.442695020e+00, v53;
	v11 =	vmin.f32 v6, $5.000000000e+00  }
0x19c: {  	s2 =	simm.s32 $0x5700;
	v54 =	vld [tilespmem:s6+$0x50];
	v34 =	vmul.f32 v62, v60;
	v11 =	vmul.f32 $1.442695020e+00, v11;
	v6 =	vpop (erf)  }
0x19d: {  	[tilespmem:s2+$0xFFFFFF80] =	vst v48;
	v55 =	vld [tilespmem:s24+$0xFFFFFFD0];
	(erf) = vpow2.f32 v10;
	v0 =	vmul.f32 v6, v0  }
0x19e: {  	s15 =	simm.s32 $0x6B00;
	v48 =	vld [tilespmem:s8+$0x400];
	v37 =	vmul.f32 v32, v34;
	v11 =	vbroadcast v11, $0xF  }
0x19f: {  	v56 =	vld [tilespmem:s29+$0xFFFFFFD0];
	v10 =	vbroadcast v43, $0xF;
	[tilespmem:s15+$0x0] =	vst v0  }
0x1a0: {  	v37 =	vmul.f32 $2.500000000e-01, v37;
	v43 =	vpop (erf);
	(erf) = vpow2.f32 v11;
	v0 =	vld [tilespmem:s12+$0x10]  }
0x1a1: {  	[tilespmem:s31+$0xFFFFFFB0] =	vst v8;
	(xrf2) =	vadd.scan.msk.f32 $0xffff, v14;
	v11 =	vmul.f32 v43, v35;
	(erf) = vpow2.f32 v10;
	v10 =	vld [tilespmem:s4+$0x10]  }
0x1a2: {  	v12 =	vld [tilespmem:s14+$0x430];
	(xrf2) =	vadd.scan.msk.f32 $0xffff, v37  }
0x1a3: {  	v57 =	vld [tilespmem:s25+$0x10];
	[tilespmem:s17+$0x50] =	vst v11;
	v11 =	vmul.f32 v55, v54  }
0x1a4: {  	s21 =	simm.s32 $0x5600;
	v47 =	vpop (erf);
	v58 =	vld [tilespmem:s19+$0x60]  }
0x1a5: {  	[tilespmem:s21+$0x20] =	vst v9;
	v60, _, _ =	vpop (xrf2);
	v52 =	vld [tilespmem:s24+$0x60];
	v9 =	vmul.f32 v56, v11;
	v11 =	vmul.f32 v47, v48  }
0x1a6: {  	s20 =	simm.s32 $0x6B00;
	v59 =	vld [tilespmem:s22+$0x420];
	v0 =	vmul.f32 v10, v0;
	v10 =	vmax.f32 v60, $-5.000000000e+00  }
0x1a7: {  	v53 =	vld [tilespmem:s29+$0x60];
	v48 =	vpop (erf);
	[tilespmem:s20+$0xFFFFFF80] =	vst v11;
	v10 =	vmin.f32 v10, $5.000000000e+00  }
0x1a8: {  	v12 =	vmul.f32 v48, v12;
	v61 =	vld [tilespmem:s8+$0x10]  }
0x1a9: {  	v9 =	vmul.f32 $2.500000000e-01, v9;
	v11 =	vmul.f32 v57, v0;
	v55 =	vld [tilespmem:s4+$0xFFFFFF90];
	v34 =	vpop (erf)  }
0x1aa: {  	v54 =	vmul.f32 $1.442695020e+00, v10;
	v51 =	vmul.f32 v52, v58;
	v10 =	vpop (erf)  }
0x1ab: {  	v62, _, _ =	vpop (xrf2);
	[tilespmem:s5+$0xFFFFFFB0] =	vst v12;
	v52 =	vmul.f32 $2.500000000e-01, v11;
	v11 =	vld [tilespmem:s25+$0xFFFFFF90];
	v12 =	vmul.f32 v10, v59  }
0x1ac: {  	s11 =	simm.s32 $0x6A00;
	v50 =	vmax.f32 v62, $-5.000000000e+00;
	(xrf2) =	vadd.scan.msk.f32 $0xffff, v9;
	v63 =	vld [tilespmem:s14+$0x40];
	v56, _, _ =	vpop (xrf2);
	v51 =	vmul.f32 v53, v51  }
0x1ad: {  	v57 =	vld [tilespmem:s3+$0xFFFFFFC0];
	v54 =	vbroadcast v54, $0xF;
	v32 =	vmax.f32 v56, $-5.000000000e+00;
	(xrf2) =	vadd.scan.msk.f32 $0xffff, v52;
	[tilespmem:s11+$0x20] =	vst v12  }
0x1ae: {  	v12 =	vmin.f32 v50, $5.000000000e+00;
	v51 =	vmul.f32 $2.500000000e-01, v51;
	v46 =	vmul.f32 v55, v61;
	v33 =	vld [tilespmem:s22+$0x30]  }
0x1af: {  	(erf) = vpow2.f32 v54;
	v50 =	vmin.f32 v32, $5.000000000e+00;
	v35 =	vld [tilespmem:s30+$0x30];
	v12 =	vmul.f32 $1.442695020e+00, v12  }
0x1b0: {  	v60 =	vld [tilespmem:s7+$0xFFFFFFC0];
	s7 =	simm.s32 $0x4200;
	v50 =	vmul.f32 $1.442695020e+00, v50;
	(xrf2) =	vadd.scan.msk.f32 $0xffff, v51;
	v11 =	vmul.f32 v11, v46  }
0x1b1: {  	v61 =	vld [tilespmem:s7+$0x30];
	v12 =	vbroadcast v12, $0xF  }
0x1b2: {  	v50 =	vbroadcast v50, $0xF;
	v58 =	vmul.f32 $2.500000000e-01, v11  }
0x1b3: {  	[tilespmem:s21+$0xFFFFFFA0] =	vst v2;
	v11 =	vmul.f32 v57, v63;
	(erf) = vpow2.f32 v12  }
0x1b4: {  	v12 =	vld [tilespmem:s28+$0x420];
	v2 =	vmul.f32 v35, v33;
	(erf) = vpow2.f32 v50;
	(xrf2) =	vadd.scan.msk.f32 $0xffff, v58  }
0x1b5: {  	v11 =	vmul.f32 v60, v11  }
0x1b6: {  	s21 =	simm.s32 $0x5300;
	v62, _, _ =	vpop (xrf2);
	v2 =	vmul.f32 v61, v2  }
0x1b7: {  	[tilespmem:s21+$0x70] =	vst v1;
	v13 =	vmul.f32 $2.500000000e-01, v11;
	v63, _, _ =	vpop (xrf2)  }
0x1b8: {  	s23 =	simm.s32 $0xA00;
	[tilespmem:s31+$0x40] =	vst v37;
	v50 =	vpop (erf);
	v1 =	vmax.f32 v63, $-5.000000000e+00;
	v54 =	vmul.f32 $2.500000000e-01, v2  }
0x1b9: {  	s2 =	sand.u32 $0x3800, s23;
	s23 =	simm.s32 $0x3000;
	(xrf2) =	vadd.scan.msk.f32 $0xffff, v13;
	v2 =	vmul.f32 v50, v12;
	v12 =	vld [tilespmem:s13+$0x440];
	v1 =	vmin.f32 v1, $5.000000000e+00  }
0x1ba: {  	s1 =	simm.s32 $0x580;
	v0 =	vld [tilespmem:s23+$0xFFFFFF80];
	[tilespmem:s16+$0xFFFFFFD0] =	vst v9;
	v1 =	vmul.f32 $1.442695020e+00, v1;
	v9, _, _ =	vpop (xrf2);
	(xrf2) =	vadd.scan.msk.f32 $0xffff, v54  }
0x1bb: {  	s2 =	sor.u32 $0x280, s2;
	v46 =	vld [tilespmem:s9+$0x470];
	s9 =	sand.u32 $0x380, s1;
	v9 =	vmax.f32 v9, $-5.000000000e+00  }
0x1bc: {  	v55 =	vld [tilespmem:s6+$0x450];
	s20 =	sadd.s32 s9, s2;
	v1 =	vbroadcast v1, $0xF;
	v9 =	vmin.f32 v9, $5.000000000e+00;
	v35 =	vpop (erf)  }
0x1bd: {  	s0 =	simm.s32 $0x5700;
	v32 =	vld [tilespmem:s20+$0x0];
	v9 =	vmul.f32 $1.442695020e+00, v9;
	v37 =	vpop (erf)  }
0x1be: {  	[tilespmem:s0+$0xFFFFFF90] =	vst v58;
	v58 =	vld [tilespmem:s23+$0x0];
	(erf) = vpow2.f32 v1;
	v1 =	vmax.f32 v62, $-5.000000000e+00;
	v59, _, _ =	vpop (xrf2);
	v12 =	vmul.f32 v37, v12  }
0x1bf: {  	v56 =	vld [tilespmem:s8+$0x410];
	[tilespmem:s11+$0xFFFFFFA0] =	vst v2;
	v9 =	vbroadcast v9, $0xF;
	v1 =	vmin.f32 v1, $5.000000000e+00;
	v59 =	vmax.f32 v59, $-5.000000000e+00  }
0x1c0: {  	v60 =	vld [tilespmem:s30+$0xFFFFFFB0];
	s30 =	simm.s32 $0x4400;
	v1 =	vmul.f32 $1.442695020e+00, v1;
	v59 =	vmin.f32 v59, $5.000000000e+00  }
0x1c1: {  	[tilespmem:s5+$0x40] =	vst v12;
	(erf) = vpow2.f32 v9;
	v9 =	vld [tilespmem:s30+$0x0];
	v59 =	vmul.f32 $1.442695020e+00, v59  }
0x1c2: {  	s4 =	simm.s32 $0x2D00;
	v62 =	vld [tilespmem:s13+$0x50];
	v1 =	vbroadcast v1, $0xF  }
0x1c3: {  	[tilespmem:s0+$0x10] =	vst v52;
	v53 =	vmul.f32 v58, v32;
	s5 =	simm.s32 $0x500;
	v63 =	vld [tilespmem:s4+$0x50];
	v33, _, _ =	vpop (xrf2);
	v32 =	vbroadcast v59, $0xF  }
0x1c4: {  	s3 =	simm.s32 $0x4100;
	v12 =	vld [tilespmem:s12+$0x410];
	s9 =	sand.u32 $0x300, s5;
	v52 =	vmax.f32 v33, $-5.000000000e+00;
	v33, _, _ =	vpop (xrf2);
	(erf) = vpow2.f32 v1  }
0x1c5: {  	v58 =	vld [tilespmem:s3+$0x50];
	s5 =	sadd.s32 s9, s2;
	v1 =	vmin.f32 v52, $5.000000000e+00;
	v59 =	vmax.f32 v33, $-5.000000000e+00;
	(erf) = vpow2.f32 v32  }
0x1c6: {  	[tilespmem:s16+$0x60] =	vst v51;
	v1 =	vmul.f32 $1.442695020e+00, v1;
	v32 =	vld [tilespmem:s5+$0x0];
	v51 =	vmin.f32 v59, $5.000000000e+00  }
0x1c7: {  	v52 =	vld [tilespmem:s19+$0x460];
	v53 =	vmul.f32 v9, v53;
	v51 =	vmul.f32 $1.442695020e+00, v51  }
0x1c8: {  	v57 =	vld [tilespmem:s28+$0x30];
	v62 =	vmul.f32 v63, v62;
	v9 =	vpop (erf);
	v1 =	vbroadcast v1, $0xF  }
0x1c9: {  	s15 =	simm.s32 $0x5600;
	v61 =	vld [tilespmem:s7+$0xFFFFFFB0];
	v12 =	vmul.f32 v9, v12;
	v33 =	vbroadcast v51, $0xF  }
0x1ca: {  	[tilespmem:s15+$0x30] =	vst v54;
	v2 =	vld [tilespmem:s30+$0xFFFFFF80];
	s3 =	simm.s32 $0x6B00;
	v11 =	vmul.f32 $2.500000000e-01, v53;
	(erf) = vpow2.f32 v1  }
0x1cb: {  	[tilespmem:s3+$0x10] =	vst v12;
	v12 =	vmul.f32 v58, v62;
	v0 =	vmul.f32 v0, v32;
	v32 =	vld [tilespmem:s22+$0x430];
	v51 =	vpop (erf)  }
0x1cc: {  	s4 =	simm.s32 $0x2F00;
	(xrf2) =	vadd.scan.msk.f32 $0xffff, v11;
	v63 =	vld [tilespmem:s12+$0x20];
	(erf) = vpow2.f32 v33;
	v1 =	vmul.f32 v51, v52  }
0x1cd: {  	v58 =	vld [tilespmem:s4+$0x20];
	v33 =	vpop (erf)  }
0x1ce: {  	v62 =	vld [tilespmem:s25+$0x20];
	v8 =	vmul.f32 $2.500000000e-01, v12;
	[tilespmem:s17+$0x60] =	vst v1;
	v52 =	vpop (erf);
	v12 =	vmul.f32 v33, v55  }
0x1cf: {  	v0 =	vmul.f32 v2, v0;
	v59 =	vld [tilespmem:s19+$0x70];
	v2 =	vmul.f32 v52, v56  }
0x1d0: {  	v54 =	vld [tilespmem:s24+$0x70];
	[tilespmem:s17+$0xFFFFFFD0] =	vst v12  }
0x1d1: {  	(xrf2) =	vadd.scan.msk.f32 $0xffff, v8;
	v56 =	vld [tilespmem:s29+$0x70];
	v12 =	vmul.f32 v60, v57;
	[tilespmem:s3+$0xFFFFFF90] =	vst v2  }
0x1d2: {  	v57 =	vld [tilespmem:s8+$0x20]  }
0x1d3: {  	v60 =	vmul.f32 v61, v12;
	v61 =	vld [tilespmem:s4+$0xFFFFFFA0]  }
0x1d4: {  	v1 =	vmul.f32 $2.500000000e-01, v0;
	v58 =	vmul.f32 v58, v63;
	v53 =	vpop (erf)  }
0x1d5: {  	v2 =	vld [tilespmem:s6+$0x60];
	v12 =	vpop (erf);
	v54 =	vmul.f32 v54, v59  }
0x1d6: {  	(xrf2) =	vadd.scan.msk.f32 $0xffff, v1;
	v63 =	vld [tilespmem:s24+$0xFFFFFFE0];
	v58 =	vmul.f32 v62, v58;
	v55 =	vmul.f32 v12, v32;
	v32, _, _ =	vpop (xrf2)  }
0x1d7: {  	[tilespmem:s21+$0xFFFFFFE0] =	vst v14;
	s11 =	simm.s32 $0x6A00;
	v0 =	vld [tilespmem:s25+$0xFFFFFFA0];
	v60 =	vmul.f32 $2.500000000e-01, v60;
	v32 =	vmax.f32 v32, $-5.000000000e+00;
	v54 =	vmul.f32 v56, v54  }
0x1d8: {  	v59 =	vld [tilespmem:s29+$0xFFFFFFE0];
	[tilespmem:s11+$0x30] =	vst v55;
	v62 =	vmin.f32 v32, $5.000000000e+00;
	v14 =	vmul.f32 v61, v57;
	v57 =	vmul.f32 $2.500000000e-01, v58  }
0x1d9: {  	s9 =	simm.s32 $0x2E00;
	(xrf2) =	vadd.scan.msk.f32 $0xffff, v60;
	v55 =	vmul.f32 $1.442695020e+00, v62;
	v62 =	vld [tilespmem:s22+$0x40];
	v56 =	vmul.f32 $2.500000000e-01, v54  }
0x1da: {  	v58 =	vld [tilespmem:s9+$0x40];
	(xrf2) =	vadd.scan.msk.f32 $0xffff, v57  }
0x1db: {  	s7 =	simm.s32 $0x4200;
	v32, _, _ =	vpop (xrf2);
	(xrf2) =	vadd.scan.msk.f32 $0xffff, v56  }
0x1dc: {  	v2 =	vmul.f32 v63, v2;
	v61 =	vmax.f32 v32, $-5.000000000e+00;
	v32 =	vld [tilespmem:s7+$0x40];
	_ =	sdelay $0x1  }
0x1dd: {  	v0 =	vmul.f32 v0, v14;
	v2 =	vmul.f32 v59, v2  }
0x1de: {  	v55 =	vbroadcast v55, $0xF;
	v14 =	vmin.f32 v61, $5.000000000e+00;
	v61 =	vmul.f32 v58, v62  }
0x1df: {  	v54 =	vld [tilespmem:s18+$0x460];
	v59 =	vmul.f32 $2.500000000e-01, v0;
	v14 =	vmul.f32 $1.442695020e+00, v14;
	v62, _, _ =	vpop (xrf2)  }
0x1e0: {  	[tilespmem:s31+$0xFFFFFFC0] =	vst v13;
	(erf) = vpow2.f32 v55;
	v58 =	vmax.f32 v62, $-5.000000000e+00;
	v0 =	vmul.f32 v32, v61  }
0x1e1: {  	(xrf2) =	vadd.scan.msk.f32 $0xffff, v59;
	v14 =	vbroadcast v14, $0xF;
	v13 =	vmin.f32 v58, $5.000000000e+00;
	v58 =	vmul.f32 $2.500000000e-01, v2  }
0x1e2: {  	v2, _, _ =	vpop (xrf2);
	v19 =	vmul.f32 $2.500000000e-01, v0  }
0x1e3: {  	s25 =	simm.s32 $0x5800;
	v13 =	vmul.f32 $1.442695020e+00, v13;
	(erf) = vpow2.f32 v14;
	v2 =	vmax.f32 v2, $-5.000000000e+00;
	(xrf2) =	vadd.scan.msk.f32 $0xffff, v58;
	v32, _, _ =	vpop (xrf2)  }
0x1e4: {  	[tilespmem:s25+$0x0] =	vst v11;
	v54 =	vmul.f32 v35, v54;
	v2 =	vmin.f32 v2, $5.000000000e+00;
	(xrf2) =	vadd.scan.msk.f32 $0xffff, v19;
	v63, _, _ =	vpop (xrf2)  }
0x1e5: {  	[tilespmem:s31+$0x50] =	vst v8;
	v11 =	vbroadcast v13, $0xF;
	v13 =	vld [tilespmem:s20+$0x400];
	v2 =	vmul.f32 $1.442695020e+00, v2;
	v8 =	vmax.f32 v63, $-5.000000000e+00  }
0x1e6: {  	v46 =	vmul.f32 v34, v46;
	s7 =	simm.s32 $0x6700;
	v8 =	vmin.f32 v8, $5.000000000e+00  }
0x1e7: {  	[tilespmem:s7+$0xFFFFFFE0] =	vst v54;
	v54 =	vld [tilespmem:s14+$0x440];
	v2 =	vbroadcast v2, $0xF  }
0x1e8: {  	[tilespmem:s7+$0x70] =	vst v46;
	(erf) = vpow2.f32 v11;
	v46 =	vmax.f32 v32, $-5.000000000e+00;
	v32 =	vld [tilespmem:s13+$0x450]  }
0x1e9: {  	v46 =	vmin.f32 v46, $5.000000000e+00;
	(erf) = vpow2.f32 v2;
	v2 =	vmul.f32 $1.442695020e+00, v8;
	v8 =	vpop (erf)  }
0x1ea: {  	[tilespmem:s25+$0xFFFFFF80] =	vst v1;
	v1 =	vmul.f32 v8, v13;
	v13 =	vmul.f32 $1.442695020e+00, v46  }
0x1eb: {  	v61 =	vld [tilespmem:s26+$0xFFFFFFF0];
	s26 =	simm.s32 $0x6C00;
	v0, _, _ =	vpop (xrf2);
	v2 =	vbroadcast v2, $0xF  }
0x1ec: {  	v54 =	vmul.f32 v53, v54;
	v0 =	vmax.f32 v0, $-5.000000000e+00;
	v46 =	vpop (erf);
	[tilespmem:s26+$0x0] =	vst v1;
	v1 =	vbroadcast v13, $0xF  }
0x1ed: {  	v55 =	vld [tilespmem:s5+$0x400];
	v0 =	vmin.f32 v0, $5.000000000e+00;
	(erf) = vpow2.f32 v2;
	v2 =	vmul.f32 v46, v32;
	v32, _, _ =	vpop (xrf2)  }
0x1ee: {  	v62 =	vld [tilespmem:s10+$0xFFFFFFF0];
	s10 =	simm.s32 $0x6900;
	v0 =	vmul.f32 $1.442695020e+00, v0;
	(erf) = vpow2.f32 v1;
	v1 =	vmax.f32 v32, $-5.000000000e+00;
	v32, _, _ =	vpop (xrf2)  }
0x1ef: {  	[tilespmem:s10+$0x50] =	vst v2;
	v2 =	vmax.f32 v32, $-5.000000000e+00  }
0x1f0: {  	[tilespmem:s15+$0xFFFFFFB0] =	vst v60;
	v0 =	vbroadcast v0, $0xF;
	v2 =	vmin.f32 v2, $5.000000000e+00  }
0x1f1: {  	s1 =	simm.s32 $0x5700;
	[tilespmem:s10+$0xFFFFFFC0] =	vst v54;
	v54 =	vpop (erf);
	v2 =	vmul.f32 $1.442695020e+00, v2  }
0x1f2: {  	[tilespmem:s1+$0x20] =	vst v57;
	v11 =	vld [tilespmem:s28+$0x430];
	v55 =	vmul.f32 v54, v55;
	v1 =	vmin.f32 v1, $5.000000000e+00;
	(erf) = vpow2.f32 v0  }
0x1f3: {  	v1 =	vmul.f32 $1.442695020e+00, v1;
	v0 =	vbroadcast v2, $0xF;
	v2 =	vld [tilespmem:s12+$0x420];
	_ =	sdelay $0x1  }
0x1f4: {  	v57 =	vpop (erf);
	v1 =	vbroadcast v1, $0xF  }
0x1f5: {  	[tilespmem:s26+$0xFFFFFF80] =	vst v55;
	v55 =	vpop (erf)  }
0x1f6: {  	s21 =	simm.s32 $0x2D00;
	v63 =	vld [tilespmem:s14+$0x50];
	(erf) = vpow2.f32 v1;
	v1 =	vmul.f32 v57, v11;
	v11 =	vpop (erf)  }
0x1f7: {  	s3 =	simm.s32 $0x6A00;
	[tilespmem:s15+$0x40] =	vst v19;
	v21 =	vld [tilespmem:s21+$0xFFFFFFD0];
	v2 =	vmul.f32 v11, v2  }
0x1f8: {  	s17 =	simm.s32 $0x6B00;
	v17 =	vld [tilespmem:s20+$0x10];
	[tilespmem:s3+$0xFFFFFFB0] =	vst v1  }
0x1f9: {  	v15 =	vld [tilespmem:s23+$0x10];
	[tilespmem:s17+$0x20] =	vst v2  }
0x1fa: {  	s9 =	simm.s32 $0x201;
	(erf) = vpow2.f32 v0;
	v0 =	vld [tilespmem:$0x1FE70]  }
0x1fb: {  	s4 =	simm.s32 $0x4100;
	v31 =	vld [tilespmem:s9+$0x0]  }
0x1fc: {  	v22 =	vld [tilespmem:s4+$0xFFFFFFD0]  }
0x1fd: {  	v60 =	vld [tilespmem:s18+$0x70]  }
0x1fe: {  	v28 =	vld [tilespmem:s30+$0x10];
	v15 =	vmul.f32 v15, v17;
	v17 =	vnsel vm1, $0x0, v18  }
0x1ff: {  	v21 =	vmul.f32 v21, v63;
	v17 =	vsel vm8, v17, v0;
	v0 =	vld [tilespmem:$0x1FE80]  }
0x200: {  	v14 =	vld [tilespmem:s13+$0x60]  }
0x201: {  	v13 =	vld [tilespmem:s21+$0x60];
	v22 =	vmul.f32 v22, v21  }
0x202: {  	s15 =	simm.s32 $0x3100;
	v16 =	vld [tilespmem:s4+$0x60]  }
0x203: {  	v21 =	vmul.f32 $2.500000000e-01, v22;
	v22 =	vld [tilespmem:s15+$0x0]  }
0x204: {  	v17 =	vsel vm9, v17, v0;
	v0 =	vld [tilespmem:$0x1FE90]  }
0x205: {  	v23 =	vld [tilespmem:s5+$0x10]  }
0x206: {  	v20 =	vld [tilespmem:s23+$0xFFFFFF90]  }
0x207: {  	v26 =	vld [tilespmem:s30+$0xFFFFFF90]  }
0x208: {  	v25 =	vld [tilespmem:s28+$0x40]  }
0x209: {  	s4 =	simm.s32 $0x2E00;
	v13 =	vmul.f32 v13, v14;
	v14 =	vnsel vm1, $0x0, v0;
	v0 =	vld [tilespmem:$0x1FEA0]  }
0x20a: {  	s26 =	simm.s32 $0x4200;
	v24 =	vld [tilespmem:s4+$0xFFFFFFC0]  }
0x20b: {  	v27 =	vld [tilespmem:s26+$0xFFFFFFC0]  }
0x20c: {  	v2 =	vld [tilespmem:s22+$0x440]  }
0x20d: {  	v30 =	vld [tilespmem:$0x1FEC0]  }
0x20e: {  	v20 =	vmul.f32 v20, v23;
	v32 =	vpop (erf);
	v1 =	vsel vm8, v14, v0;
	v0 =	vld [tilespmem:$0x1FEB0]  }
0x20f: {  	s16 =	simm.s32 $0x2F00;
	v15 =	vmul.f32 v28, v15;
	v63 =	vld [tilespmem:s12+$0x30];
	v28 =	vpop (erf)  }
0x210: {  	s15 =	simm.s32 $0x3100;
	v20 =	vmul.f32 v26, v20;
	v18 =	vld [tilespmem:s16+$0x30];
	v14 =	vpop (erf)  }
0x211: {  	s0 =	simm.s32 $0x4300;
	v26 =	vmul.f32 v62, v60;
	v62 =	vld [tilespmem:s15+$0xFFFFFF80];
	v2 =	vmul.f32 v14, v2  }
0x212: {  	v19 =	vld [tilespmem:s0+$0x30]  }
0x213: {  	v17 =	vsel vm10, v17, v30;
	v30 =	vld [tilespmem:$0x1FED0];
	[tilespmem:s3+$0x40] =	vst v2;
	v0 =	vnsel vm1, $0x0, v0  }
0x214: {  	s7 =	simm.s32 $0xC00;
	v0 =	vsel vm8, v0, v29;
	v29 =	vld [tilespmem:$0x1FEE0]  }
0x215: {  	s9 =	simm.s32 $0x680;
	s2 =	sand.u32 $0x3800, s7;
	v18 =	vmul.f32 v18, v63;
	v2 =	vsel vm15, v17, v36;
	v63 =	vld [tilespmem:$0x1FEF0]  }
0x216: {  	s2 =	sor.u32 $0x280, s2;
	s10 =	simm.s32 $0x600;
	v15 =	vmul.f32 $2.500000000e-01, v15;
	s17 =	sand.u32 $0x380, s9;
	v2 =	vsel vm11, v2, v49;
	v49 =	vld [tilespmem:$0x1FF00]  }
0x217: {  	s21 =	sand.u32 $0x300, s10;
	(xrf2) =	vadd.scan.msk.f32 $0xffff, v21;
	s31 =	sadd.s32 s17, s2;
	v18 =	vmul.f32 v19, v18;
	v19 =	vld [tilespmem:$0x1FF10]  }
0x218: {  	s21 =	sadd.s32 s21, s2;
	v16 =	vmul.f32 v16, v13;
	(xrf2) =	vadd.scan.msk.f32 $0xffff, v15;
	v13 =	vld [tilespmem:s31+$0x0];
	v24 =	vmul.f32 v24, v25  }
0x219: {  	v1 =	vsel vm9, v1, v30;
	v30 =	vld [tilespmem:s21+$0x0];
	v29 =	vnsel vm1, $0x0, v29  }
0x21a: {  	v16 =	vmul.f32 $2.500000000e-01, v16;
	v24 =	vmul.f32 v27, v24;
	v17 =	vld [tilespmem:s22+$0x50];
	v29 =	vsel vm8, v29, v63  }
0x21b: {  	v25 =	vld [tilespmem:s4+$0x50];
	v29 =	vsel vm9, v29, v49  }
0x21c: {  	(xrf2) =	vadd.scan.msk.f32 $0xffff, v16;
	v29 =	vsel vm10, v29, v19;
	v19 =	vmul.f32 $2.500000000e-01, v24;
	v24 =	vld [tilespmem:$0x1FF20]  }
0x21d: {  	s7 =	simm.s32 $0x4500  }
0x21e: {  	v23 =	vld [tilespmem:s7+$0x0];
	v20 =	vmul.f32 $2.500000000e-01, v20  }
0x21f: {  	v27 =	vld [tilespmem:s26+$0x50]  }
0x220: {  	s10 =	simm.s32 $0x4500;
	(xrf2) =	vadd.scan.msk.f32 $0xffff, v20;
	v13 =	vmul.f32 v22, v13;
	v17 =	vmul.f32 v25, v17  }
0x221: {  	v22 =	vld [tilespmem:s10+$0xFFFFFF80];
	v25 =	vmul.f32 v62, v30;
	v30, _, _ =	vpop (xrf2);
	v24 =	vsel vm15, v29, v24;
	v29 =	vmul.f32 $2.500000000e-01, v18  }
0x222: {  	vm0 =	veq.s32 v31, $0x1;
	v26 =	vmul.f32 v61, v26;
	v31, _, _ =	vpop (xrf2);
	(xrf2) =	vadd.scan.msk.f32 $0xffff, v19  }
0x223: {  	v13 =	vmul.f32 v23, v13;
	v31 =	vmax.f32 v31, $-5.000000000e+00;
	(xrf2) =	vadd.scan.msk.f32 $0xffff, v29  }
0x224: {  	v23 =	vmul.f32 $2.500000000e-01, v26;
	v26 =	vmul.f32 v27, v17  }
0x225: {  	v27 =	vsel vm0, $0x1, v4;
	v17 =	vmul.f32 $2.500000000e-01, v13;
	v24 =	vsel vm11, v24, v38  }
0x226: {  	v22 =	vmul.f32 v22, v25;
	v25 =	vsel vm12, v24, v45;
	v24 =	vmin.f32 v31, $5.000000000e+00;
	v31, _, _ =	vpop (xrf2)  }
0x227: {  	v26 =	vmul.f32 $2.500000000e-01, v26;
	(xrf2) =	vadd.scan.msk.f32 $0xffff, v23;
	v60 =	vmul.f32 $1.442695020e+00, v24;
	v31 =	vmax.f32 v31, $-5.000000000e+00  }
0x228: {  	v24 =	vmul.f32 $2.500000000e-01, v22;
	v22 =	vbroadcast v27, $0x0;
	(xrf2) =	vadd.scan.msk.f32 $0xffff, v17;
	v27 =	vmin.f32 v31, $5.000000000e+00  }
0x229: {  	s26 =	simm.s32 $0x5400;
	v30 =	vmax.f32 v30, $-5.000000000e+00;
	[tilespmem:s1+$0xFFFFFFA0] =	vst v59;
	v31 =	vbroadcast v60, $0xF;
	v27 =	vmul.f32 $1.442695020e+00, v27  }
0x22a: {  	v30 =	vmin.f32 v30, $5.000000000e+00;
	[tilespmem:s26+$0xFFFFFFE0] =	vst v58;
	v13 =	vld [tilespmem:s8+$0x420];
	v61, _, _ =	vpop (xrf2);
	(xrf2) =	vadd.scan.msk.f32 $0xffff, v26  }
0x22b: {  	v59 =	vld [tilespmem:s6+$0x460];
	(erf) = vpow2.f32 v31;
	v27 =	vbroadcast v27, $0xF;
	v31 =	vmax.f32 v61, $-5.000000000e+00  }
0x22c: {  	v30 =	vmul.f32 $1.442695020e+00, v30;
	v63, _, _ =	vpop (xrf2);
	v31 =	vmin.f32 v31, $5.000000000e+00  }
0x22d: {  	s11 =	simm.s32 $0x5300;
	(xrf2) =	vadd.scan.msk.f32 $0xffff, v24;
	(erf) = vpow2.f32 v27;
	v27 =	vmul.f32 $1.442695020e+00, v31;
	v31 =	vmax.f32 v63, $-5.000000000e+00;
	v45, _, _ =	vpop (xrf2)  }
0x22e: {  	[tilespmem:s11+$0xFFFFFFF0] =	vst v23;
	v23 =	vbroadcast v30, $0xF;
	v30 =	vmin.f32 v31, $5.000000000e+00;
	v31 =	vmax.f32 v45, $-5.000000000e+00  }
0x22f: {  	v31 =	vmin.f32 v31, $5.000000000e+00  }
0x230: {  	v0 =	vsel vm9, v0, v41;
	[tilespmem:s26+$0x70] =	vst v56;
	v13 =	vmul.f32 v32, v13;
	v36 =	vmul.f32 v28, v59  }
0x231: {  	s3 =	simm.s32 $0x5500;
	[tilespmem:s25+$0x10] =	vst v15;
	v56 =	vld [tilespmem:s19+$0x470];
	v18 =	vnsel vm1, $0x0, v39;
	v27 =	vbroadcast v27, $0xF;
	v30 =	vmul.f32 $1.442695020e+00, v30;
	v49, _, _ =	vpop (xrf2)  }
0x232: {  	s9 =	simm.s32 $0x6800;
	[tilespmem:s3+$0xFFFFFFD0] =	vst v21;
	v21 =	vld [tilespmem:s20+$0x410];
	v25 =	vsel vm13, v25, v34;
	(erf) = vpow2.f32 v23;
	v23 =	vmul.f32 $1.442695020e+00, v31;
	v31, _, _ =	vpop (xrf2)  }
0x233: {  	v34 =	vld [tilespmem:s18+$0x470];
	[tilespmem:s9+$0xFFFFFFE0] =	vst v36;
	(erf) = vpow2.f32 v27;
	v27 =	vbroadcast v30, $0xF;
	v30 =	vmax.f32 v31, $-5.000000000e+00  }
0x234: {  	[tilespmem:s3+$0x60] =	vst v16;
	s3 =	simm.s32 $0x6B00;
	v18 =	vsel vm8, v18, v44;
	v36 =	vld [tilespmem:s24+$0xFFFFFFF0];
	v23 =	vbroadcast v23, $0xF;
	v31, _, _ =	vpop (xrf2);
	v30 =	vmin.f32 v30, $5.000000000e+00  }
0x235: {  	s16 =	simm.s32 $0x2F00;
	[tilespmem:s3+$0xFFFFFFA0] =	vst v13;
	v41 =	vld [tilespmem:s29+$0xFFFFFFF0];
	(erf) = vpow2.f32 v27;
	v31 =	vmax.f32 v31, $-5.000000000e+00;
	v15 =	vmul.f32 $1.442695020e+00, v30  }
0x236: {  	[tilespmem:s25+$0xFFFFFF90] =	vst v20;
	s29 =	simm.s32 $0x181;
	v20 =	vld [tilespmem:s16+$0xFFFFFFB0];
	v16 =	vmax.f32 v49, $-5.000000000e+00;
	(erf) = vpow2.f32 v23;
	v27 =	vmin.f32 v31, $5.000000000e+00  }
0x237: {  	v44 =	vld.msk [tilespmem:s29+$0x0 ss:$0x0], $0xffff;
	v13 =	vmin.f32 v16, $5.000000000e+00;
	v23 =	vmul.f32 $1.442695020e+00, v27;
	v30, _, _ =	vpop (xrf2);
	v15 =	vbroadcast v15, $0xF  }
0x238: {  	v62 =	vperm.xlane v25, v3;
	v22 =	vand.u32 $0x1, v22;
	v27 =	vmax.f32 v30, $-5.000000000e+00;
	v30 =	vld [tilespmem:s13+$0x460]  }
0x239: {  	v16 =	vbroadcast v23, $0xF;
	v27 =	vmin.f32 v27, $5.000000000e+00;
	(erf) = vpow2.f32 v15;
	v15 =	vld [tilespmem:s8+$0x30]  }
0x23a: {  	vm0 =	veq.s32 v22, $0x1;
	v22 =	vld [tilespmem:s5+$0x410];
	v23 =	vmul.f32 $1.442695020e+00, v27;
	v27 =	vmul.f32 $1.442695020e+00, v13;
	v13 =	vpop (erf)  }
0x23b: {  	v38 =	vsel vm0, v62, v25;
	v25 =	vld [tilespmem:s0+$0xFFFFFFB0];
	(erf) = vpow2.f32 v16;
	v21 =	vmul.f32 v13, v21  }
0x23c: {  	s17 =	simm.s32 $0x6C00;
	v31 =	vld [tilespmem:s14+$0x450];
	v16 =	vbroadcast v23, $0xF;
	v23 =	vbroadcast v27, $0xF;
	v27 =	vsel vm10, v0, v48;
	v0 =	vpop (erf)  }
0x23d: {  	[tilespmem:s17+$0x10] =	vst v21;
	v21 =	vld [tilespmem:s6+$0x70];
	v30 =	vmul.f32 v0, v30  }
0x23e: {  	s15 =	simm.s32 $0x6900;
	(erf) = vpow2.f32 v16;
	v15 =	vmul.f32 v20, v15;
	v20 =	vld [tilespmem:s23+$0x20]  }
0x23f: {  	v1 =	vsel vm10, v1, v40;
	s11 =	simm.s32 $0x6800;
	v58 =	vmul.f32 v55, v56;
	(erf) = vpow2.f32 v23;
	v23 =	vld [tilespmem:s20+$0x20];
	[tilespmem:s15+$0x60] =	vst v30  }
0x240: {  	v1 =	vsel vm15, v1, v42;
	v59 =	vld [tilespmem:s13+$0x70];
	[dreg:$0x14] =	wrdreg s11  }
0x241: {  	v45 =	vsel vm11, v1, v33;
	v16 =	vnsel vm1, $0x0, v47;
	v1 =	vld [tilespmem:$0x1FF30];
	[tilespmem:s9+$0x70] =	vst v58  }
0x242: {  	v47 =	vsel vm8, v16, v52;
	v16 =	vld [tilespmem:$0x1FF40];
	_ =	sdelay $0x3  }
0x243: {  	v1 =	vnsel vm1, $0x0, v1  }
0x244: {  	v1 =	vsel vm8, v1, v16;
	v16 =	vmul.f32 v25, v15;
	v25 =	vld [tilespmem:$0x1FF50];
	_ =	sdelay $0x4  }
0x245: {  	v1 =	vsel vm9, v1, v25;
	v25 =	vld [tilespmem:$0x1FF60];
	_ =	sdelay $0x4  }
0x246: {  	v1 =	vsel vm10, v1, v25;
	v25 =	vld [tilespmem:$0x1FF70]  }
0x247: {  	s18 =	simm.s32 $0x203;
	s24 =	simm.s32 $0x2D00  }
0x248: {  	v2 =	vsel vm12, v2, v35;
	v35 =	vpop (erf);
	v60 =	vld [tilespmem:s24+$0x70];
	[dreg:$0xc] =	wrdreg s18  }
0x249: {  	v40 =	vpop (erf);
	v62 =	vld [tilespmem:s30+$0x20]  }
0x24a: {  	s16 =	simm.s32 $0x203;
	v22 =	vmul.f32 v40, v22;
	v30 =	vpop (erf)  }
0x24b: {  	v21 =	vmul.f32 v36, v21;
	v61 =	vld [tilespmem:s16+$0x0];
	s16 =	simm.s32 $0x4100;
	v15 =	vpop (erf);
	v1 =	vsel vm15, v1, v25  }
0x24c: {  	s2 =	simm.s32 $0x5700;
	v18 =	vsel vm9, v18, v50;
	v63 =	vld [tilespmem:s16+$0x70];
	v20 =	vmul.f32 v20, v23;
	v50 =	vmul.f32 $2.500000000e-01, v16;
	v16 =	vpop (erf);
	[tilespmem:s17+$0xFFFFFF90] =	vst v22  }
0x24d: {  	v21 =	vmul.f32 v41, v21;
	[tilespmem:s2+$0x30] =	vst v29;
	s2 =	simm.s32 $0x5600;
	v56 =	vld [tilespmem:s5+$0x20];
	v25 =	vpop (erf)  }
0x24e: {  	s9 =	simm.s32 $0x183;
	v23 =	vld [tilespmem:s23+$0xFFFFFFA0];
	[tilespmem:s2+$0xFFFFFFC0] =	vst v19;
	v19 =	vmul.f32 v62, v20;
	v20 =	vmul.f32 v35, v31;
	v22 =	vsel vm11, v1, v43;
	v1 =	vpop (erf)  }
0x24f: {  	s26 =	simm.s32 $0x183;
	v18 =	vsel vm10, v18, v57;
	v49 =	vsel vm15, v27, v53;
	v39 =	vmul.f32 $2.500000000e-01, v21;
	v57 =	vld [tilespmem:s12+$0x430];
	[dreg:$0xd] =	wrdreg s9;
	v27 =	vpop (erf)  }
0x250: {  	s10 =	simm.s32 $0x5400;
	(xrf2) =	vadd.scan.msk.f32 $0xffff, v50;
	v33 =	vld.msk [tilespmem:s26+$0x0 ss:$0x0], $0xffff;
	[tilespmem:s15+$0xFFFFFFD0] =	vst v20;
	v34 =	vmul.f32 v27, v34  }
0x251: {  	s11 =	simm.s32 $0x6700;
	v62 =	vld [tilespmem:s28+$0x440];
	[tilespmem:s10+$0xFFFFFFF0] =	vst v39  }
0x252: {  	v29 =	vmul.f32 v60, v59;
	v31 =	vmul.f32 $2.500000000e-01, v19;
	v19 =	vld [tilespmem:s30+$0xFFFFFFA0];
	s15 =	simm.s32 $0x2D00;
	[tilespmem:s11+$0xFFFFFFF0] =	vst v34  }
0x253: {  	vm0 =	veq.s32 v44, $0x7;
	s30 =	simm.s32 $0x5900;
	v22 =	vsel vm12, v22, v51;
	v51 =	vld [tilespmem:s14+$0x60];
	[dreg:$0x8] =	wrdreg s15  }
0x254: {  	v42 =	vnsel vm0, $0x0, v38;
	vm0 =	veq.s32 v44, $0x0;
	s17 =	simm.s32 $0x4100;
	v29 =	vmul.f32 v63, v29;
	[tilespmem:s30+$0x0] =	vst v17  }
0x255: {  	v58 =	vnsel vm0, $0x0, v38;
	vm0 =	veq.s32 v61, $0x1;
	(xrf2) =	vadd.scan.msk.f32 $0xffff, v31;
	v41 =	vmul.f32 v15, v57;
	v63 =	vld [tilespmem:s24+$0xFFFFFFE0];
	[dreg:$0x7] =	wrdreg s17  }
0x256: {  	v59 =	vsel vm0, $0x1, v4;
	v29 =	vmul.f32 $2.500000000e-01, v29;
	v23 =	vmul.f32 v23, v56;
	v17 =	vld [tilespmem:s16+$0xFFFFFFE0]  }
0x257: {  	v52 =	vbroadcast v59, $0x0;
	v43 =	vmul.f32 v30, v62;
	[tilespmem:s3+$0x30] =	vst v41;
	v41 =	vld [tilespmem:s31+$0x400]  }
0x258: {  	s23 =	simm.s32 $0x6A00;
	s9 =	simm.s32 $0x2F00;
	(xrf2) =	vadd.scan.msk.f32 $0xffff, v29;
	v19 =	vmul.f32 v19, v23;
	v23 =	vld [tilespmem:s12+$0x40]  }
0x259: {  	v52 =	vand.u32 $0x1, v52;
	[tilespmem:s23+$0xFFFFFFC0] =	vst v43;
	v61 =	vld [tilespmem:s9+$0x40]  }
0x25a: {  	vm2 =	veq.s32 v44, $0x1;
	v60, _, _ =	vpop (xrf2);
	vm0 =	veq.s32 v52, $0x1;
	s11 =	simm.s32 $0x7B00;
	v52 =	vld [tilespmem:s28+$0x50]  }
0x25b: {  	v21 =	vnsel vm2, $0x0, v38;
	s10 =	simm.s32 $0x2E00;
	v62 =	vnsel vm1, $0x0, v54;
	[tilespmem:s11+$0x70] =	vst v42;
	v42 =	vmax.f32 v60, $-5.000000000e+00;
	v54 =	vld [tilespmem:s0+$0x40]  }
0x25c: {  	vm7 =	veq.s32 v44, $0x2;
	s26 =	simm.s32 $0x5700;
	v56 =	vmul.f32 $2.500000000e-01, v19;
	[tilespmem:s11+$0x10] =	vst v21;
	v19 =	vmin.f32 v42, $5.000000000e+00;
	v57 =	vld [tilespmem:s10+$0xFFFFFFD0]  }
0x25d: {  	vm3 =	veq.s32 v44, $0x3;
	[tilespmem:s26+$0xFFFFFFB0] =	vst v50;
	v21 =	vmul.f32 v63, v51;
	v63 =	vmul.f32 $1.442695020e+00, v19;
	v19 =	vld [tilespmem:s6+$0x470]  }
0x25e: {  	s19 =	simm.s32 $0x5500;
	vm4 =	veq.s32 v44, $0x4;
	vm6 =	veq.s32 v44, $0x5;
	(xrf2) =	vadd.scan.msk.f32 $0xffff, v56;
	[tilespmem:s11+$0x0] =	vst v58;
	s6 =	simm.s32 $0x4200;
	v51 =	vld [tilespmem:s8+$0x430]  }
0x25f: {  	v60, _, _ =	vpop (xrf2);
	[tilespmem:s19+$0x70] =	vst v29;
	v58 =	vmul.f32 v17, v21;
	v36 =	vbroadcast v63, $0xF;
	v17 =	vsel vm12, v45, v28;
	v28 =	vld [tilespmem:s6+$0xFFFFFFD0]  }
0x260: {  	[tilespmem:s2+$0x50] =	vst v26;
	v26 =	vmul.f32 v16, v41;
	v21 =	vsel vm11, v49, v35;
	v63 =	vld [tilespmem:s13+$0x470];
	v35 =	vmax.f32 v60, $-5.000000000e+00  }
0x261: {  	s7 =	smov.u32 s28;
	s24 =	simm.s32 $0x201;
	s28 =	simm.s32 $0x6D00;
	v59 =	vmul.f32 v61, v23;
	v23 =	vsel vm8, v62, v40;
	v62 =	vld [tilespmem:s22+$0x450];
	v35 =	vmin.f32 v35, $5.000000000e+00  }
0x262: {  	vm5 =	veq.s32 v44, $0x6;
	v44 =	vnsel vm7, $0x0, v38;
	v29, _, _ =	vpop (xrf2);
	[tilespmem:s28+$0x0] =	vst v26;
	v50 =	vmul.f32 $1.442695020e+00, v35;
	v35 =	vld [tilespmem:s24+$0xFFFFFFFF]  }
0x263: {  	s1 =	smov.u32 s5;
	s5 =	simm.s32 $0x3100;
	[tilespmem:s11+$0x20] =	vst v44;
	v29 =	vmax.f32 v29, $-5.000000000e+00;
	v49 =	vld [tilespmem:s31+$0x10]  }
0x264: {  	v20 =	vnsel vm3, $0x0, v38;
	[tilespmem:s30+$0xFFFFFF80] =	vst v24;
	v24 =	vmin.f32 v29, $5.000000000e+00;
	s13 =	simm.s32 $0x4500;
	v26 =	vmul.f32 v54, v59;
	v29 =	vld [tilespmem:s5+$0x10]  }
0x265: {  	s17 =	simm.s32 $0x6A00;
	[tilespmem:s11+$0x30] =	vst v20;
	v20 =	vsel vm15, v18, v30;
	(erf) = vpow2.f32 v36;
	v30 =	vld [tilespmem:s13+$0x10]  }
0x266: {  	v48 =	vnsel vm4, $0x0, v38;
	v36 =	vmul.f32 $2.500000000e-01, v26;
	v26 =	vld [tilespmem:s21+$0x400];
	[dreg:$0x18] =	wrdreg s17;
	v18 =	vmul.f32 v25, v62  }
0x267: {  	v53 =	vnsel vm6, $0x0, v38;
	v22 =	vsel vm13, v22, v55;
	v24 =	vmul.f32 $1.442695020e+00, v24;
	[tilespmem:s11+$0x40] =	vst v48  }
0x268: {  	v55 =	vperm.xlane v22, v3;
	v61 =	vmul.f32 $2.500000000e-01, v58;
	[tilespmem:s11+$0x50] =	vst v53  }
0x269: {  	v24 =	vbroadcast v24, $0xF;
	[tilespmem:s23+$0x50] =	vst v18;
	s23 =	simm.s32 $0x2E00  }
0x26a: {  	v34 =	vsel vm0, v55, v22;
	v22 =	vsel vm9, v47, v32;
	v32 =	vmul.f32 v57, v52;
	(xrf2) =	vadd.scan.msk.f32 $0xffff, v61;
	v52 =	vld [tilespmem:s22+$0x60];
	[dreg:$0xb] =	wrdreg s23;
	v18, _, _ =	vpop (xrf2)  }
0x26b: {  	s24 =	simm.s32 $0x4200;
	(erf) = vpow2.f32 v24;
	v24 =	vmul.f32 v29, v49;
	v53 =	vld [tilespmem:s10+$0x60];
	[tilespmem:s25+$0xFFFFFFA0] =	vst v56;
	v18 =	vmax.f32 v18, $-5.000000000e+00  }
0x26c: {  	v26 =	vmul.f32 v1, v26;
	v29 =	vld.msk [tilespmem:s29+$0xFFFFFFFF ss:$0x0], $0xffff;
	[dreg:$0xa] =	wrdreg s24;
	v18 =	vmin.f32 v18, $5.000000000e+00  }
0x26d: {  	v24 =	vmul.f32 v30, v24;
	v55 =	vld [tilespmem:s6+$0x60];
	v18 =	vmul.f32 $1.442695020e+00, v18  }
0x26e: {  	s3 =	simm.s32 $0x5800;
	v28 =	vmul.f32 v28, v32;
	v32 =	vbroadcast v50, $0xF;
	v54 =	vpop (erf);
	v50 =	vld [tilespmem:s1+$0x420];
	[tilespmem:s28+$0xFFFFFF80] =	vst v26  }
0x26f: {  	v41 =	vmul.f32 $2.500000000e-01, v24;
	v24 =	vsel vm10, v22, v54;
	v22 =	vld [tilespmem:s21+$0x10];
	[dreg:$0xf] =	wrdreg s3;
	v18 =	vbroadcast v18, $0xF  }
0x270: {  	v38 =	vnsel vm5, $0x0, v38;
	(xrf2) =	vadd.scan.msk.f32 $0xffff, v36;
	(erf) = vpow2.f32 v32;
	s6 =	simm.s32 $0x7B00;
	[tilespmem:s25+$0x20] =	vst v31  }
0x271: {  	v30 =	vsel vm13, v2, v27;
	v2 =	vmul.f32 v54, v51;
	(erf) = vpow2.f32 v18;
	v18 =	vld [tilespmem:s5+$0xFFFFFF90];
	[dreg:$0xe] =	wrdreg s6  }
0x272: {  	vm0 =	veq.s32 v33, $0x7;
	s16 =	simm.s32 $0x6B00;
	[tilespmem:s11+$0x60] =	vst v38  }
0x273: {  	v47 =	vnsel vm0, $0x0, v34;
	v28 =	vmul.f32 $2.500000000e-01, v28;
	s24 =	simm.s32 $0x7C00;
	[tilespmem:s16+$0xFFFFFFB0] =	vst v2  }
0x274: {  	v27 =	vnsel vm1, $0x0, v1;
	v1, _, _ =	vpop (xrf2);
	v57 =	vld [tilespmem:s20+$0x420];
	[tilespmem:s24+$0x70] =	vst v47  }
0x275: {  	(xrf2) =	vadd.scan.msk.f32 $0xffff, v28;
	v1 =	vmax.f32 v1, $-5.000000000e+00;
	v26 =	vmul.f32 v53, v52;
	v2 =	vld [tilespmem:s13+$0xFFFFFF90];
	[dreg:$0x19] =	wrdreg s8  }
0x276: {  	v1 =	vmin.f32 v1, $5.000000000e+00;
	v59 =	vld [tilespmem:s8+$0x40];
	s8 =	simm.s32 $0x5500  }
0x277: {  	v1 =	vmul.f32 $1.442695020e+00, v1;
	v26 =	vmul.f32 v55, v26;
	[dreg:$0x6] =	wrdreg s8  }
0x278: {  	s2 =	simm.s32 $0x5600;
	v52 =	vpop (erf);
	[tilespmem:s19+$0xFFFFFFE0] =	vst v61  }
0x279: {  	vm0 =	veq.s32 v33, $0x0;
	v43 =	vmul.f32 v52, v63;
	v1 =	vbroadcast v1, $0xF;
	[tilespmem:s2+$0xFFFFFFD0] =	vst v28  }
0x27a: {  	s18 =	simm.s32 $0x6900;
	v56 =	vnsel vm0, $0x0, v34;
	v58, _, _ =	vpop (xrf2);
	v60 =	vld [tilespmem:s9+$0xFFFFFFC0];
	[dreg:$0x9] =	wrdreg s14  }
0x27b: {  	v48 =	vmul.f32 $2.500000000e-01, v26;
	v26 =	vpop (erf);
	(erf) = vpow2.f32 v1;
	v61 =	vmax.f32 v58, $-5.000000000e+00;
	v42 =	vld [tilespmem:s14+$0x460];
	[tilespmem:s18+$0x70] =	vst v43;
	s18 =	simm.s32 $0x205  }
0x27c: {  	v18 =	vmul.f32 v18, v22;
	v22 =	vmin.f32 v61, $5.000000000e+00;
	v1 =	vmul.f32 v26, v57;
	v28 =	vld [tilespmem:s0+$0xFFFFFFC0];
	[dreg:$0x11] =	wrdreg s18  }
0x27d: {  	s19 =	simm.s32 $0x6C00;
	v22 =	vmul.f32 $1.442695020e+00, v22;
	[tilespmem:s24+$0x0] =	vst v56  }
0x27e: {  	vm2 =	veq.s32 v33, $0x1;
	vm5 =	veq.s32 v33, $0x2;
	v18 =	vmul.f32 v2, v18;
	[tilespmem:s19+$0x20] =	vst v1  }
0x27f: {  	v44 =	vnsel vm2, $0x0, v34;
	v45 =	vnsel vm5, $0x0, v34;
	v62, _, _ =	vpop (xrf2);
	v1 =	vbroadcast v22, $0xF;
	v22 =	vld [tilespmem:$0x1FF80]  }
0x280: {  	(xrf2) =	vadd.scan.msk.f32 $0xffff, v41;
	v38 =	vmax.f32 v62, $-5.000000000e+00;
	v63 =	vmul.f32 $2.500000000e-01, v18;
	v57 =	vld [tilespmem:$0x1FF90];
	[tilespmem:s24+$0x10] =	vst v44  }
0x281: {  	s14 =	simm.s32 $0x205;
	v18 =	vmul.f32 v60, v59;
	(erf) = vpow2.f32 v1;
	v1 =	vld [tilespmem:$0x1FFA0];
	[tilespmem:s24+$0x20] =	vst v45  }
0x282: {  	v43 =	vld [tilespmem:s14+$0x0];
	[tilespmem:s30+$0xFFFFFF90] =	vst v63  }
0x283: {  	s4 =	smov.u32 s21;
	v49 =	vmin.f32 v38, $5.000000000e+00;
	v38 =	vpop (erf);
	v61 =	vmul.f32 v28, v18;
	v18 =	vld [tilespmem:$0x1FFB0]  }
0x284: {  	s15 =	smov.u32 s31;
	s31 =	smov.u32 s1;
	s13 =	smov.u32 s20;
	v2 =	vld [tilespmem:s7+$0x450];
	v58 =	vmul.f32 v38, v50  }
0x285: {  	s17 =	smov.u32 s22;
	s23 =	simm.s32 $0x2F00;
	s25 =	simm.s32 $0x3000;
	v54 =	vld [tilespmem:s13+$0x30];
	v22 =	vnsel vm1, $0x0, v22  }
0x286: {  	vm6 =	veq.s32 v33, $0x3;
	s22 =	simm.s32 $0x6C00;
	s20 =	simm.s32 $0x4400;
	s8 =	simm.s32 $0x185;
	v59 =	vld [tilespmem:s25+$0x30];
	[tilespmem:s19+$0xFFFFFFA0] =	vst v58;
	v22 =	vsel vm8, v22, v57  }
0x287: {  	vm4 =	veq.s32 v33, $0x4;
	s29 =	simm.s32 $0x3100;
	s10 =	simm.s32 $0x4500;
	v51 =	vnsel vm6, $0x0, v34;
	v22 =	vsel vm9, v22, v1;
	v1 =	vld [tilespmem:s20+$0x30];
	[dreg:$0x12] =	wrdreg s8  }
0x288: {  	vm7 =	veq.s32 v33, $0x5;
	s3 =	simm.s32 $0x6D00;
	s5 =	smov.u32 s7;
	(xrf2) =	vadd.scan.msk.f32 $0xffff, v48;
	s7 =	simm.s32 $0x185;
	v18 =	vsel vm10, v22, v18;
	v47 =	vld [tilespmem:s21+$0x410];
	[tilespmem:s24+$0x30] =	vst v51  }
0x289: {  	vm3 =	veq.s32 v33, $0x6;
	v33 =	vnsel vm7, $0x0, v34;
	s11 =	simm.s32 $0x6B00;
	s6 =	smov.u32 s13;
	s13 =	simm.s32 $0x7C00;
	[tilespmem:s26+$0x40] =	vst v36;
	v28 =	vsel vm15, v18, v37;
	v18 =	vld.msk [tilespmem:s7+$0x0 ss:$0x0], $0xffff  }
0x28a: {  	v31 =	vperm.xlane v30, v3;
	v53 =	vnsel vm4, $0x0, v34;
	s16 =	simm.s32 $0x5600;
	s14 =	simm.s32 $0x3100;
	v60, _, _ =	vpop (xrf2);
	v37 =	vsel vm11, v28, v46;
	v46 =	vld [tilespmem:s1+$0x30];
	[dreg:$0x15] =	wrdreg s13  }
0x28b: {  	v34 =	vnsel vm3, $0x0, v34;
	s2 =	simm.s32 $0x6900;
	s9 =	simm.s32 $0x3000;
	vm0 =	veq.s32 v43, $0x1;
	v22 =	vmax.f32 v60, $-5.000000000e+00;
	[dreg:$0x17] =	wrdreg s14  }
0x28c: {  	s18 =	simm.s32 $0x5700;
	s25 =	simm.s32 $0xC;
	(xrf2) =	vadd.scan.msk.f32 $0xffff, v63;
	s19 =	simm.s32 $0x4500;
	v62 =	vsel vm0, $0x1, v4;
	v22 =	vmin.f32 v22, $5.000000000e+00;
	[tilespmem:s24+$0x40] =	vst v53  }
0x28d: {  	v45 =	vbroadcast v62, $0x0;
	s21 =	simm.s32 $0xE00;
	s26 =	simm.s32 $0x5900;
	v28 =	vmul.f32 $1.442695020e+00, v22;
	v63 =	vsel vm12, v37, v0;
	v36 =	vld [tilespmem:s12+$0x440];
	[dreg:$0x16] =	wrdreg s19  }
0x28e: {  	v40 =	vpop (erf);
	s7 =	simm.s32 $0x700;
	v22 =	vmul.f32 v59, v54;
	s14 =	smov.u32 s12;
	v0 =	vmul.f32 $2.500000000e-01, v61;
	v44 =	vsel vm13, v63, v52;
	[dreg:$0x13] =	wrdreg s26  }
.LBB2_3:
0x28f: {  	v43 =	vld [tilespmem:s9+$0xFFFFFFB0];
	v50 =	vperm.xlane v44, v3  }
0x290: {  	[dreg:$0x1e] =	wrdreg s6;
	[tilespmem:s24+$0x50] =	vst v33;
	v33 =	vsel vm9, v23, v38;
	v42 =	vmul.f32 v40, v42;
	v37 =	vbroadcast v28, $0xF  }
0x291: {  	[dreg:$0x1b] =	wrdreg s3;
	s12 =	smov.u32 s2;
	v32 =	vmovc v8;
	v51 =	vand.u32 $0x1, v45;
	vm6 =	veq.s32 v29, $0x4;
	vm7 =	veq.s32 v29, $0x5  }
0x292: {  	s1 =	sand.u32 $0x3800, s21;
	s3 =	sand.u32 $0x300, s7;
	s8 =	sadd.s32 $0x80, s7;
	vm14 =	veq.s32 v29, $0x6;
	vm3 =	veq.s32 v29, $0x7;
	v58 =	vmul.f32 v1, v22;
	v28, _, _ =	vpop (xrf2)  }
0x293: {  	s26 =	sadd.s32 $0x100, s29;
	v57 =	vld [tilespmem:s20+$0xFFFFFFB0];
	v8 =	vmovc v16;
	s2 =	sor.u32 $0x280, s1;
	s8 =	sand.u32 $0x380, s8;
	[tilespmem:s18+$0xFFFFFFC0] =	vst v0;
	vm0 =	veq.s32 v51, $0x1;
	v22 =	vmovc v25;
	vm2 =	veq.s32 v18, $0x0;
	v1 =	vmax.f32 v28, $-5.000000000e+00  }
0x294: {  	s13 =	smov.u32 s17;
	v59 =	vld [tilespmem:s26+$0x0];
	s17 =	sadd.s32 s3, s2;
	s2 =	sadd.s32 s8, s2;
	v16 =	vmul.f32 $2.500000000e-01, v58;
	v63 =	vmul.f32 v43, v46;
	(xrf2) =	vadd.scan.msk.f32 $0xffff, v0;
	v0 =	vmovc v10;
	v52 =	vmin.f32 v1, $5.000000000e+00  }
0x295: {  	s1 =	rddreg [dreg:$0x15];
	v25 =	vld [tilespmem:s2+$0x0];
	v28 =	vpop (erf);
	v1 =	vsel vm0, v50, v44;
	vm0 =	veq.s32 v18, $0x7;
	v60 =	vmul.f32 $1.442695020e+00, v52  }
0x296: {  	[dreg:$0x15] =	wrdreg s1;
	[tilespmem:s1+$0x60] =	vst v34;
	s1 =	sadd.s32 $0x100, s24;
	v61 =	vld [tilespmem:s17+$0x0];
	(erf) = vpow2.f32 v37;
	v10, _, _ =	vpop (xrf2);
	v23 =	vmul.f32 v28, v36;
	v50 =	vnsel vm0, $0x0, v1  }
0x297: {  	s6 =	smov.u32 s5;
	s5 =	smov.u32 s18;
	s18 =	sadd.s32 $0x100, s10;
	(xrf2) =	vadd.scan.msk.f32 $0xffff, v16;
	v52 =	vmax.f32 v10, $-5.000000000e+00;
	[tilespmem:s1+$0x70] =	vst v50;
	v50 =	vld [tilespmem:s26+$0xFFFFFF80];
	v46 =	vbroadcast v60, $0xF  }
0x298: {  	s19 =	rddreg [dreg:$0x9];
	v37 =	vmul.f32 v57, v63;
	v10 =	vmovc v11;
	v11 =	vmovc v26;
	v26 =	vmin.f32 v52, $5.000000000e+00;
	v62 =	vld [tilespmem:s18+$0x0];
	[tilespmem:s11+$0x40] =	vst v23;
	v23 =	vmul.f32 $1.442695020e+00, v49  }
0x299: {  	[dreg:$0x1d] =	wrdreg s31;
	vm0 =	veq.s32 v35, $0x1;
	v26 =	vmul.f32 $1.442695020e+00, v26;
	v53 =	vld [tilespmem:s14+$0x50];
	[tilespmem:s30+$0x10] =	vst v41;
	(erf) = vpow2.f32 v46  }
0x29a: {  	[dreg:$0x1a] =	wrdreg s12;
	v25 =	vmul.f32 v59, v25;
	v56 =	vsel vm0, $0x1, v4;
	v54 =	vld [tilespmem:s23+$0x50];
	v23 =	vbroadcast v23, $0xF  }
0x29b: {  	[dreg:$0x9] =	wrdreg s19;
	(xrf2) =	vadd.scan.msk.f32 $0xffff, v39;
	vm0 =	veq.s32 v29, $0x0;
	v41 =	vmul.f32 $2.500000000e-01, v37;
	v55 =	vld [tilespmem:s15+$0x410];
	v57 =	vbroadcast v26, $0xF  }
0x29c: {  	s3 =	rddreg [dreg:$0xb];
	[tilespmem:s12+$0xFFFFFFE0] =	vst v42;
	v58 =	vld [tilespmem:s0+$0x50];
	v26 =	vsel vm12, v21, v40;
	v59 =	vmul.f32 v50, v61;
	(erf) = vpow2.f32 v23  }
0x29d: {  	s8 =	smov.u32 s23;
	s24 =	rddreg [dreg:$0xf];
	v21 =	vld [tilespmem:s18+$0xFFFFFF80];
	[tilespmem:s16+$0x60] =	vst v48;
	v23 =	vimm.s32 $0x0;
	v50 =	vimm.s32 $0x0;
	v25 =	vmul.f32 v62, v25  }
0x29e: {  	s10 =	smov.u32 s8;
	s8 =	rddreg [dreg:$0x17];
	[tilespmem:s24+$0xFFFFFFB0] =	vst v41;
	v61 =	vld [tilespmem:s13+$0x460];
	v60, _, _ =	vpop (xrf2);
	v23 =	vsel vm0, $0xFFFFFFFF, v23;
	(erf) = vpow2.f32 v57;
	v62 =	vbroadcast v56, $0x0  }
0x29f: {  	s12 =	rddreg [dreg:$0x19];
	v34 =	vld [tilespmem:s31+$0x430];
	v36 =	vpop (erf);
	vm0 =	veq.s32 v29, $0x1;
	[tilespmem:$0x1FE00] =	vst v23;
	v23 =	vmax.f32 v60, $-5.000000000e+00;
	v35 =	vmul.f32 $2.500000000e-01, v25  }
0x2a0: {  	s29 =	smov.u32 s3;
	s3 =	smov.u32 s8;
	s8 =	rddreg [dreg:$0x18];
	v39 =	vld [tilespmem:s12+$0x440];
	v23 =	vmin.f32 v23, $5.000000000e+00;
	v25 =	vmul.f32 v54, v53;
	v63 =	vmul.f32 v36, v55  }
0x2a1: {  	s23 =	smov.u32 s13;
	v42 =	vld [tilespmem:s19+$0x70];
	s19 =	rddreg [dreg:$0x8];
	v51 =	vsel vm0, $0xFFFFFFFF, v50;
	v52, _, _ =	vpop (xrf2);
	vm0 =	veq.s32 v29, $0x2;
	v23 =	vmul.f32 $1.442695020e+00, v23;
	(xrf2) =	vadd.scan.msk.f32 $0xffff, v35  }
0x2a2: {  	[dreg:$0x1c] =	wrdreg s23;
	v57 =	vld [tilespmem:s19+$0xFFFFFFF0];
	v21 =	vmul.f32 v21, v59;
	v56 =	vmax.f32 v52, $-5.000000000e+00;
	v25 =	vmul.f32 v58, v25;
	[tilespmem:s28+$0x10] =	vst v63;
	v37 =	vpop (erf)  }
0x2a3: {  	s13 =	smov.u32 s0;
	s19 =	smov.u32 s22;
	s22 =	smov.u32 s11;
	v59 =	vmin.f32 v56, $5.000000000e+00;
	v23 =	vbroadcast v23, $0xF;
	v58 =	vld [tilespmem:s15+$0x20];
	v44 =	vmul.f32 v37, v61  }
0x2a4: {  	s11 =	smov.u32 s10;
	s10 =	smov.u32 s5;
	s5 =	rddreg [dreg:$0x16];
	v53 =	vand.u32 $0x1, v62;
	v54 =	vimm.s32 $0x0;
	v49 =	vmul.f32 $1.442695020e+00, v59;
	v60 =	vld [tilespmem:s3+$0x20]  }
0x2a5: {  	s31 =	smov.u32 s9;
	s9 =	smov.u32 s26;
	s0 =	rddreg [dreg:$0x7];
	v55 =	vsel vm0, $0xFFFFFFFF, v54;
	v46 =	vmul.f32 $2.500000000e-01, v21;
	v62 =	vld [tilespmem:s5+$0x20];
	(erf) = vpow2.f32 v23;
	[tilespmem:s8+$0x60] =	vst v44  }
0x2a6: {  	[dreg:$0x17] =	wrdreg s9;
	vm0 =	veq.s32 v53, $0x1;
	v25 =	vmul.f32 $2.500000000e-01, v25;
	v52 =	vbroadcast v49, $0xF;
	v21 =	vpop (erf);
	v44 =	vld [tilespmem:s23+$0x70]  }
0x2a7: {  	s9 =	rddreg [dreg:$0xa];
	[tilespmem:$0x1FE20] =	vst v55;
	v30 =	vsel vm0, v31, v30;
	v23 =	vpop (erf);
	v2 =	vmul.f32 v21, v2;
	v21 =	vsel vm11, v20, v21;
	v20 =	vld [tilespmem:s29+$0x70]  }
0x2a8: {  	v61, _, _ =	vpop (xrf2);
	(xrf2) =	vadd.scan.msk.f32 $0xffff, v25;
	(erf) = vpow2.f32 v52;
	v54 =	vmul.f32 v23, v47;
	v23 =	vsel vm8, v27, v23;
	v27 =	vld [tilespmem:s0+$0xFFFFFFF0];
	s23 =	smov.u32 s9;
	s9 =	smov.u32 s13;
	s13 =	smov.u32 s18  }
0x2a9: {  	v63 =	vmax.f32 v61, $-5.000000000e+00;
	(xrf2) =	vadd.scan.msk.f32 $0xffff, v46;
	v55 =	vmul.f32 v60, v58;
	[tilespmem:s8+$0xFFFFFFD0] =	vst v2;
	v2 =	vld [tilespmem:s23+$0x70];
	[dreg:$0x16] =	wrdreg s13  }
0x2aa: {  	vm0 =	veq.s32 v29, $0x3;
	v31 =	vmul.f32 v57, v42;
	v53 =	vmin.f32 v63, $5.000000000e+00;
	[tilespmem:s24+$0x30] =	vst v16;
	s13 =	rddreg [dreg:$0x1e]  }
0x2ab: {  	v56 =	vmul.f32 $1.442695020e+00, v53;
	[tilespmem:s28+$0xFFFFFF90] =	vst v54;
	v38 =	vmul.f32 v62, v55;
	v61 =	vld [tilespmem:s13+$0x430];
	v62 =	vimm.s32 $0x0;
	v57, _, _ =	vpop (xrf2)  }
0x2ac: {  	v58 =	vld [tilespmem:s4+$0x20];
	v42 =	vsel vm2, $0xFFFFFFFF, v62;
	v43 =	vmax.f32 v57, $-5.000000000e+00;
	v16 =	vmul.f32 v20, v44  }
0x2ad: {  	v60 =	vld [tilespmem:s3+$0xFFFFFFA0];
	(xrf2) =	vadd.scan.msk.f32 $0xffff, v41;
	v41 =	vbroadcast v56, $0xF;
	v29 =	vmul.f32 $2.500000000e-01, v38;
	v59 =	vmin.f32 v43, $5.000000000e+00  }
0x2ae: {  	s0 =	smov.u32 s20;
	s20 =	smov.u32 s5;
	v40 =	vld [tilespmem:s6+$0x60];
	vm2 =	veq.s32 v18, $0x1;
	v52 =	vpop (erf);
	v20 =	vmul.f32 $1.442695020e+00, v59;
	v2 =	vmul.f32 v2, v16  }
0x2af: {  	s30 =	sadd.s32 $0x100, s30;
	v63 =	vld [tilespmem:s20+$0xFFFFFFA0];
	v16 =	vmul.f32 v27, v31;
	v27 =	vimm.s32 $0x0;
	v53 =	vmul.f32 v52, v39  }
0x2b0: {  	[tilespmem:s30+$0x0] =	vst v35;
	v54 =	vld [tilespmem:s29+$0xFFFFFFE0];
	v59 =	vimm.s32 $0x0;
	v27 =	vsel vm2, $0xFFFFFFFF, v27;
	vm2 =	veq.s32 v18, $0x2  }
0x2b1: {  	v56 =	vld [tilespmem:s23+$0xFFFFFFE0];
	v43 =	vpop (erf);
	[tilespmem:$0x1FE40] =	vst v27;
	v27 =	vbroadcast v20, $0xF;
	v20 =	vsel vm15, v24, v52;
	v31 =	vmul.f32 $2.500000000e-01, v2  }
0x2b2: {  	[dreg:$0x10] =	wrdreg s1;
	[tilespmem:$0x1FE30] =	vst v42;
	v24, _, _ =	vpop (xrf2);
	v39 =	vmul.f32 $2.500000000e-01, v16;
	v2 =	vmul.f32 v60, v58;
	v42 =	vsel vm2, $0xFFFFFFFF, v59;
	v60 =	vld [tilespmem:s2+$0x400]  }
0x2b3: {  	s1 =	rddreg [dreg:$0x6];
	[tilespmem:s22+$0xFFFFFFC0] =	vst v53;
	v59 =	vld [tilespmem:$0x1FE00];
	v55 =	vmax.f32 v24, $-5.000000000e+00;
	v24, _, _ =	vpop (xrf2);
	(erf) = vpow2.f32 v27;
	v27 =	vmul.f32 v43, v61  }
0x2b4: {  	(xrf2) =	vadd.scan.msk.f32 $0xffff, v29;
	v57 =	vld [tilespmem:s12+$0x50];
	v16 =	vmin.f32 v55, $5.000000000e+00;
	[tilespmem:s1+$0xFFFFFFF0] =	vst v39;
	v24 =	vmax.f32 v24, $-5.000000000e+00  }
0x2b5: {  	(xrf2) =	vadd.scan.msk.f32 $0xffff, v31;
	v16 =	vmul.f32 $1.442695020e+00, v16;
	v58 =	vld [tilespmem:s11+$0xFFFFFFD0];
	v24 =	vmin.f32 v24, $5.000000000e+00;
	[tilespmem:s19+$0x30] =	vst v27  }
0x2b6: {  	vm4 =	veq.s32 v18, $0x4;
	v2 =	vmul.f32 v63, v2;
	v24 =	vmul.f32 $1.442695020e+00, v24;
	v61 =	vld [tilespmem:s13+$0x40]  }
0x2b7: {  	vm5 =	veq.s32 v18, $0x5;
	s5 =	smov.u32 s10;
	s10 =	rddreg [dreg:$0x13];
	v27 =	vmul.f32 v54, v40;
	v16 =	vbroadcast v16, $0xF;
	v63 =	vld [tilespmem:s31+$0x40]  }
0x2b8: {  	[dreg:$0x7] =	wrdreg s23;
	s23 =	smov.u32 s24;
	vm2 =	veq.s32 v18, $0x3;
	v2 =	vmul.f32 $2.500000000e-01, v2;
	v62, _, _ =	vpop (xrf2);
	v53 =	vld [tilespmem:s0+$0x40];
	v52 =	vbroadcast v24, $0xF  }
0x2b9: {  	[dreg:$0x1f] =	wrdreg s23;
	s23 =	smov.u32 s10;
	[tilespmem:s30+$0xFFFFFF80] =	vst v46;
	v40 =	vmax.f32 v62, $-5.000000000e+00;
	v62 =	vld [tilespmem:$0x1FE20];
	(erf) = vpow2.f32 v16;
	v16 =	vmul.f32 v56, v27  }
0x2ba: {  	vm15 =	veq.s32 v18, $0x6;
	(xrf2) =	vadd.scan.msk.f32 $0xffff, v2;
	v27 =	vld [tilespmem:s17+$0x400];
	[tilespmem:s23+$0xFFFFFFA0] =	vst v2;
	v2 =	vmin.f32 v40, $5.000000000e+00  }
0x2bb: {  	[tilespmem:$0x1FE10] =	vst v51;
	v18 =	vimm.s32 $0x0;
	v2 =	vmul.f32 $1.442695020e+00, v2;
	(erf) = vpow2.f32 v52;
	v40 =	vld [tilespmem:s4+$0x420]  }
0x2bc: {  	v18 =	vsel vm15, $0xFFFFFFFF, v18;
	[tilespmem:s5+$0x50] =	vst v25;
	v54 =	vmul.f32 $2.500000000e-01, v16;
	v25 =	vmul.f32 v63, v61;
	v61 =	vld [tilespmem:$0x1FE10]  }
0x2bd: {  	[dreg:$0x8] =	wrdreg s29;
	v50 =	vnsel vm6, $0x0, v30;
	s29 =	smov.u32 s16;
	[tilespmem:$0x1FE60] =	vst v18;
	v35 =	vmul.f32 v58, v57;
	v56 =	vld [tilespmem:s9+$0xFFFFFFD0];
	v55 =	vbroadcast v2, $0xF;
	v16 =	vpop (erf)  }
0x2be: {  	v51 =	vnsel vm7, $0x0, v30;
	v24, _, _ =	vpop (xrf2);
	v58 =	vld [tilespmem:s14+$0x450];
	(erf) = vpow2.f32 v41;
	[tilespmem:s29+$0xFFFFFFE0] =	vst v54;
	v18 =	vmul.f32 v16, v60  }
0x2bf: {  	s28 =	sadd.s32 $0x100, s28;
	s24 =	rddreg [dreg:$0x9];
	[tilespmem:$0x1FE50] =	vst v42;
	vm15 =	vnez.u8 v59;
	v24 =	vmax.f32 v24, $-5.000000000e+00;
	(erf) = vpow2.f32 v55;
	v42 =	vld [tilespmem:s6+$0x460];
	v2, _, _ =	vpop (xrf2)  }
0x2c0: {  	v63 =	vnsel vm0, $0x0, v30;
	v46 =	vld [tilespmem:s24+$0x470];
	v2 =	vmax.f32 v2, $-5.000000000e+00;
	[tilespmem:s28+$0x0] =	vst v18;
	v18 =	vmul.f32 v53, v25  }
0x2c1: {  	(xrf2) =	vadd.scan.msk.f32 $0xffff, v54;
	v60 =	vnsel vm15, $0x0, v30;
	s24 =	rddreg [dreg:$0xe];
	v2 =	vmin.f32 v2, $5.000000000e+00;
	vm15 =	vnez.u8 v61;
	v49 =	vld [tilespmem:s2+$0x10]  }
0x2c2: {  	[tilespmem:s24+$0xFFFFFF80] =	vst v60;
	v57 =	vld [tilespmem:s26+$0x10];
	v2 =	vmul.f32 $1.442695020e+00, v2;
	v38 =	vnsel vm15, $0x0, v30;
	v44 =	vmul.f32 $2.500000000e-01, v18;
	v25 =	vpop (erf)  }
0x2c3: {  	[dreg:$0xb] =	wrdreg s11;
	[tilespmem:s24+$0xFFFFFFB0] =	vst v63;
	v18 =	vmin.f32 v24, $5.000000000e+00;
	v24 =	vmul.f32 v56, v35;
	v58 =	vmul.f32 v25, v58  }
0x2c4: {  	[dreg:$0xa] =	wrdreg s9;
	s16 =	smov.u32 s30;
	vm15 =	vnez.u8 v62;
	v59, _, _ =	vpop (xrf2);
	v35 =	vnsel vm3, $0x0, v30;
	[tilespmem:s24+$0xFFFFFF90] =	vst v38;
	v18 =	vmul.f32 $1.442695020e+00, v18  }
0x2c5: {  	[dreg:$0x13] =	wrdreg s16;
	v45 =	vnsel vm15, $0x0, v30;
	v38 =	vld [tilespmem:s18+$0x10];
	v2 =	vbroadcast v2, $0xF;
	v60 =	vpop (erf);
	v24 =	vmul.f32 $2.500000000e-01, v24;
	[tilespmem:s22+$0x50] =	vst v58  }
0x2c6: {  	s16 =	rddreg [dreg:$0x1d];
	v54 =	vmax.f32 v59, $-5.000000000e+00;
	[tilespmem:s24+$0xFFFFFFA0] =	vst v45;
	v45 =	vnsel vm14, $0x0, v30;
	v63 =	vmul.f32 v60, v27;
	v53 =	vld [tilespmem:s14+$0x60]  }
0x2c7: {  	s10 =	smov.u32 s13;
	s13 =	smov.u32 s6;
	s6 =	smov.u32 s12;
	v30 =	vmin.f32 v54, $5.000000000e+00;
	v61 =	vbroadcast v18, $0xF;
	v62 =	vpop (erf);
	v56 =	vmul.f32 v57, v49;
	[tilespmem:s5+$0xFFFFFFD0] =	vst v24;
	v57 =	vld [tilespmem:s11+$0x60]  }
0x2c8: {  	[dreg:$0x6] =	wrdreg s29;
	(xrf2) =	vadd.scan.msk.f32 $0xffff, v44;
	(erf) = vpow2.f32 v2;
	v58 =	vmul.f32 $1.442695020e+00, v30;
	v18 =	vpop (erf);
	v2 =	vld [tilespmem:s6+$0x450]  }
0x2c9: {  	[dreg:$0x9] =	wrdreg s13;
	s13 =	smov.u32 s17;
	(xrf2) =	vadd.scan.msk.f32 $0xffff, v24;
	[tilespmem:s28+$0xFFFFFF80] =	vst v63;
	v34 =	vmul.f32 v18, v34;
	v24 =	vsel vm10, v33, v18;
	v18 =	vld [tilespmem:s9+$0x60]  }
0x2ca: {  	s17 =	rddreg [dreg:$0x1c];
	v59 =	vbroadcast v58, $0xF;
	v47 =	vld [tilespmem:s13+$0x10];
	[tilespmem:s29+$0x70] =	vst v31  }
0x2cb: {  	[dreg:$0xf] =	wrdreg s23;
	(erf) = vpow2.f32 v61;
	v30 =	vsel vm13, v17, v62;
	v17, _, _ =	vpop (xrf2);
	v61 =	vmul.f32 v62, v19;
	v62 =	vld [tilespmem:s17+$0x470]  }
0x2cc: {  	s1 =	smov.u32 s4;
	s4 =	rddreg [dreg:$0x14];
	s12 =	smov.u32 s16;
	v27 =	vnsel vm1, $0x0, v60;
	v60 =	vmax.f32 v17, $-5.000000000e+00;
	[tilespmem:s23+$0x20] =	vst v29;
	(erf) = vpow2.f32 v59;
	v59 =	vld [tilespmem:$0x1FE30]  }
0x2cd: {  	s16 =	smov.u32 s5;
	[dreg:$0x19] =	wrdreg s12;
	v17 =	vmov v26;
	v26 =	vmin.f32 v60, $5.000000000e+00;
	v60 =	vld [tilespmem:$0x1FE40];
	[tilespmem:s19+$0xFFFFFFB0] =	vst v34;
	v29 =	vmul.f32 v57, v53  }
0x2ce: {  	s5 =	smov.u32 s6;
	s11 =	smov.u32 s22;
	s6 =	rddreg [dreg:$0x1a];
	v38 =	vmul.f32 v38, v56;
	v63 =	vld [tilespmem:s26+$0xFFFFFF90]  }
0x2cf: {  	v55 =	vnsel vm2, $0x0, v1;
	[dreg:$0x18] =	wrdreg s11;
	s9 =	smov.u32 s15;
	s17 =	smov.u32 s14;
	[tilespmem:s4+$0xFFFFFFF0] =	vst v61;
	v18 =	vmul.f32 v18, v29;
	v29 =	vld [tilespmem:$0x1FE50]  }
0x2d0: {  	v31 =	vperm.xlane v30, v3;
	v33 =	vnsel vm5, $0x0, v1;
	s14 =	smov.u32 s10;
	s10 =	smov.u32 s6;
	s23 =	rddreg [dreg:$0x1b];
	v41 =	vmul.f32 $2.500000000e-01, v38;
	v52 =	vld [tilespmem:s18+$0xFFFFFF90]  }
0x2d1: {  	v19 =	vmovc v46;
	v49 =	vld [tilespmem:s9+$0x420];
	v26 =	vmul.f32 $1.442695020e+00, v26;
	[dreg:$0x14] =	wrdreg s10;
	v57 =	vnsel vm4, $0x0, v1;
	[tilespmem:s24+$0xFFFFFFC0] =	vst v50;
	vm0 =	vnez.u8 v59  }
0x2d2: {  	s29 =	smov.u32 s26;
	s26 =	rddreg [dreg:$0x15];
	(xrf2) =	vadd.scan.msk.f32 $0xffff, v41;
	v50 =	vld [tilespmem:s12+$0x40];
	[tilespmem:s24+$0xFFFFFFD0] =	vst v51;
	v56 =	vpop (erf);
	v46 =	vnsel vm0, $0x0, v1;
	v48 =	vmul.f32 $2.500000000e-01, v18  }
0x2d3: {  	s10 =	smov.u32 s18;
	s18 =	rddreg [dreg:$0xc];
	v51 =	vld [tilespmem:s31+$0xFFFFFFC0];
	[tilespmem:s24+$0xFFFFFFE0] =	vst v45;
	vm0 =	vnez.u8 v60;
	v18 =	vmul.f32 v56, v62;
	v62 =	vmul.f32 v63, v47  }
0x2d4: {  	s4 =	smov.u32 s8;
	v61, _, _ =	vpop (xrf2);
	v45 =	vld [tilespmem:s0+$0xFFFFFFC0];
	[tilespmem:s24+$0xFFFFFFF0] =	vst v35;
	s24 =	rddreg [dreg:$0x10];
	v53 =	vnsel vm0, $0x0, v1;
	vm0 =	vnez.u8 v29;
	v29 =	vbroadcast v26, $0xF  }
0x2d5: {  	s6 =	smov.u32 s26;
	s26 =	rddreg [dreg:$0x11];
	v59 =	vnsel vm1, $0x0, v5;
	v58 =	vmax.f32 v61, $-5.000000000e+00;
	s8 =	smov.u32 s24;
	[tilespmem:s4+$0x70] =	vst v18;
	v26 =	vpop (erf);
	v18 =	vmul.f32 v52, v62  }
0x2d6: {  	s25 =	sadd.s32 $0x2, s25;
	v63 =	vmin.f32 v58, $5.000000000e+00;
	v38, _, _ =	vpop (xrf2);
	[dreg:$0x15] =	wrdreg s8;
	s8 =	sadd.s32 $0x2, s26;
	(erf) = vpow2.f32 v29;
	v29 =	vmul.f32 v26, v49;
	v49 =	vld [tilespmem:$0x1FE60]  }
0x2d7: {  	s11 =	smov.u32 s19;
	s19 =	smov.u32 s23;
	v5 =	vmovc v6;
	v58 =	vmul.f32 $1.442695020e+00, v63;
	v47 =	vmax.f32 v38, $-5.000000000e+00;
	[dreg:$0x11] =	wrdreg s8;
	v52 =	vld [tilespmem:s8+$0x0];
	[tilespmem:s24+$0x0] =	vst v46;
	v18 =	vmul.f32 $2.500000000e-01, v18  }
0x2d8: {  	s21 =	sadd.s32 $0x200, s21;
	s7 =	sadd.s32 $0x100, s7;
	v35 =	vld [tilespmem:s18+$0xFFFFFFFF];
	s8 =	rddreg [dreg:$0xd];
	v46 =	vsel vm8, v59, v7;
	v54 =	vnsel vm0, $0x0, v1;
	vm0 =	vcmask $0xF20;
	v38 =	vpop (erf);
	[tilespmem:s19+$0x20] =	vst v29  }
0x2d9: {  	p1 =	slt.u32 s25, $0x26;
	s12 =	smov.u32 s14;
	s14 =	rddreg [dreg:$0x1f];
	v61 =	vmul.f32 v51, v50;
	v0 =	vsel vm9, v46, v0;
	v40 =	vmul.f32 v38, v40;
	v29 =	vld.msk [tilespmem:s8+$0xFFFFFFFF ss:$0x0], $0xffff;
	[tilespmem:s30+$0xFFFFFF90] =	vst v18  }
0x2da: {  	s22 =	smov.u32 s3;
	s3 =	smov.u32 s28;
	[dreg:$0xe] =	wrdreg s6;
	v6 =	vmovc v32;
	(xrf2) =	vadd.scan.msk.f32 $0xffff, v48;
	v0 =	vsel vm10, v0, v12;
	vm15 =	vmmov vm0;
	v60 =	vld [tilespmem:s9+$0x30];
	[tilespmem:s24+$0x10] =	vst v53  }
0x2db: {  	s15 =	smov.u32 s2;
	s23 =	smov.u32 s31;
	s18 =	rddreg [dreg:$0x12];
	v7 =	vmovc v9;
	v51 =	vmul.f32 v45, v61;
	v0 =	vsel vm0, v0, v14;
	[tilespmem:s19+$0xFFFFFFA0] =	vst v40;
	v62 =	vld [tilespmem:s22+$0x30];
	vm2 =	vnez.u8 v49  }
.Ltmp0:
0x2dc: {  	s6 =	smov.u32 s26;
	v9, _, _ =	vpop (xrf2);
	s8 =	sadd.s32 $0x2, s18;
	v0 =	vsel vm11, v0, v22;
	[tilespmem:s24+$0x20] =	vst v54;
	v46 =	vld [tilespmem:s1+$0x30];
	v34 =	vnsel vm2, $0x0, v1;
	v1 =	vbroadcast v58, $0xF;
	(pc) =	sbr.rel @p1 .LBB2_3-.Ltmp0, $4  }
0x2dd: {  	s2 =	smov.u32 s4;
	[dreg:$0xc] =	wrdreg s6;
	s6 =	smov.u32 s9;
	v12 =	vmovc v15;
	(xrf2) =	vadd.scan.msk.f32 $0xffff, v18;
	v63 =	vmax.f32 v9, $-5.000000000e+00;
	vm0 =	veq.s32 v52, $0x1;
	v37 =	vsel vm12, v0, v37;
	v18 =	vld.msk [tilespmem:s8+$0x0 ss:$0x0], $0xffff  }
0x2de: {  	s31 =	smov.u32 s1;
	s26 =	smov.u32 s18;
	s4 =	smov.u32 s13;
	v15 =	vmovc v43;
	v14 =	vmovc v28;
	v0 =	vmul.f32 $2.500000000e-01, v51;
	v28 =	vmin.f32 v63, $5.000000000e+00;
	(erf) = vpow2.f32 v1;
	v1 =	vld [tilespmem:s20+$0x30];
	[tilespmem:s24+$0x30] =	vst v55  }
0x2df: {  	[dreg:$0xd] =	wrdreg s26;
	s18 =	smov.u32 s14;
	s9 =	smov.u32 s22;
	v9 =	vmovc v13;
	v13 =	vmovc v36;
	v22 =	vsel vm0, $0x1, v4;
	v49 =	vmin.f32 v47, $5.000000000e+00;
	v47 =	vld [tilespmem:s13+$0x410];
	v28 =	vmul.f32 $1.442695020e+00, v28;
	[tilespmem:s14+$0x40] =	vst v44  }
0x2e0: {  	[dreg:$0x12] =	wrdreg s8;
	s22 =	smov.u32 s19;
	v45 =	vbroadcast v22, $0x0;
	v40 =	vpop (erf);
	v22 =	vmul.f32 v62, v60;
	s14 =	smov.u32 s12;
	v44 =	vsel vm13, v37, v56;
	v36 =	vld [tilespmem:s12+$0x440];
	[tilespmem:s24+$0x40] =	vst v57  }
0x2e1: {  	_ =	sdelay $0x2  }
0x2e2: {  	v32, _, _ =	vpop (xrf2)  }
0x2e3: {  	v32 =	vmax.f32 v32, $-5.000000000e+00  }
0x2e4: {  	v32 =	vmin.f32 v32, $5.000000000e+00  }
0x2e5: {  	v28 =	vbroadcast v28, $0xF;
	v32 =	vmul.f32 $1.442695020e+00, v32;
	_ =	sdelay $0x1  }
0x2e6: {  	(erf) = vpow2.f32 v28;
	v57 =	vbroadcast v32, $0xF;
	_ =	sdelay $0x1  }
0x2e7: {  	(erf) = vpow2.f32 v57;
	_ =	sdelay $0x2  }
0x2e8: {  	[tilespmem:s30+$0x10] =	vst v41  }
0x2e9: {  	v58 =	vld [tilespmem:s15+$0x410];
	v59 =	vpop (erf)  }
0x2ea: {  	[tilespmem:$0x1FD50] =	vst v59;
	v32 =	vmul.f32 v59, v36  }
0x2eb: {  	(xrf2) =	vadd.scan.msk.f32 $0xffff, v0;
	[tilespmem:s16+$0x60] =	vst v48;
	v37 =	vld [tilespmem:s9+$0xFFFFFFB0]  }
0x2ec: {  	v60 =	vld [tilespmem:s17+$0x460];
	[tilespmem:s11+$0x40] =	vst v32;
	v43 =	vpop (erf)  }
0x2ed: {  	v61 =	vld [tilespmem:s20+$0xFFFFFFB0];
	[tilespmem:$0x1FDB0] =	vst v43  }
0x2ee: {  	v28 =	vmul.f32 v43, v58;
	v32 =	vld [tilespmem:s14+$0x50];
	v50 =	vpop (erf)  }
0x2ef: {  	v62 =	vld [tilespmem:s23+$0x50];
	[tilespmem:$0x1FD10] =	vst v50  }
0x2f0: {  	[tilespmem:s28+$0x10] =	vst v28  }
0x2f1: {  	s10 =	smov.u32 s17;
	v1 =	vmul.f32 v1, v22;
	v53 =	vmul.f32 v50, v60;
	v63 =	vld [tilespmem:s0+$0x50];
	s17 =	rddreg [dreg:$0x17]  }
0x2f2: {  	s13 =	smov.u32 s15;
	v54, _, _ =	vpop (xrf2);
	v55 =	vld [tilespmem:s15+$0x20];
	s15 =	rddreg [dreg:$0x18]  }
0x2f3: {  	v1 =	vmul.f32 $2.500000000e-01, v1;
	v22 =	vmax.f32 v54, $-5.000000000e+00;
	v56 =	vld [tilespmem:s17+$0x20];
	[tilespmem:s15+$0x60] =	vst v53  }
0x2f4: {  	v22 =	vmin.f32 v22, $5.000000000e+00;
	v57 =	vmul.f32 $1.442695020e+00, v49;
	v37 =	vmul.f32 v37, v46;
	v58 =	vld [tilespmem:s10+$0x70];
	s30 =	rddreg [dreg:$0xb]  }
0x2f5: {  	(xrf2) =	vadd.scan.msk.f32 $0xffff, v1;
	v22 =	vmul.f32 $1.442695020e+00, v22;
	v32 =	vmul.f32 v62, v32;
	v60, _, _ =	vpop (xrf2);
	s7 =	rddreg [dreg:$0x16];
	v59 =	vld [tilespmem:s30+$0x70]  }
0x2f6: {  	v37 =	vmul.f32 v61, v37;
	v28 =	vbroadcast v57, $0xF;
	v50 =	vmax.f32 v60, $-5.000000000e+00;
	s25 =	rddreg [dreg:$0xa];
	v61 =	vld [tilespmem:s7+$0x20]  }
0x2f7: {  	v22 =	vbroadcast v22, $0xF;
	v62 =	vmin.f32 v50, $5.000000000e+00;
	v51 =	vld [tilespmem:s25+$0x70];
	v32 =	vmul.f32 v63, v32  }
0x2f8: {  	(erf) = vpow2.f32 v28;
	v28 =	vmul.f32 $1.442695020e+00, v62  }
0x2f9: {  	v36 =	vmul.f32 v56, v55;
	v32 =	vmul.f32 $2.500000000e-01, v32  }
0x2fa: {  	(xrf2) =	vadd.scan.msk.f32 $0xffff, v39;
	(erf) = vpow2.f32 v22;
	v63 =	vmul.f32 v59, v58  }
0x2fb: {  	v28 =	vbroadcast v28, $0xF;
	v43 =	vmul.f32 v61, v36;
	(xrf2) =	vadd.scan.msk.f32 $0xffff, v32  }
0x2fc: {  	v37 =	vmul.f32 $2.500000000e-01, v37;
	v46 =	vmul.f32 v51, v63  }
0x2fd: {  	(erf) = vpow2.f32 v28;
	v22 =	vmul.f32 $2.500000000e-01, v43  }
0x2fe: {  	(xrf2) =	vadd.scan.msk.f32 $0xffff, v37;
	v48 =	vmul.f32 $2.500000000e-01, v46  }
0x2ff: {  	v49, _, _ =	vpop (xrf2);
	(xrf2) =	vadd.scan.msk.f32 $0xffff, v22  }
0x300: {  	v28 =	vmax.f32 v49, $-5.000000000e+00;
	(xrf2) =	vadd.scan.msk.f32 $0xffff, v48  }
0x301: {  	v28 =	vmin.f32 v28, $5.000000000e+00;
	[tilespmem:$0x1FCE0] =	vst v48  }
0x302: {  	v51 =	vpop (erf);
	[tilespmem:s18+$0xFFFFFFC0] =	vst v0;
	v0 =	vmul.f32 $1.442695020e+00, v28  }
0x303: {  	v53 =	vpop (erf)  }
0x304: {  	v50, _, _ =	vpop (xrf2);
	v0 =	vbroadcast v0, $0xF  }
0x305: {  	v2 =	vmul.f32 v51, v2;
	[tilespmem:$0x1FD00] =	vst v51;
	s29 =	rddreg [dreg:$0x19];
	v54, _, _ =	vpop (xrf2)  }
0x306: {  	v36 =	vmax.f32 v50, $-5.000000000e+00;
	v55 =	vpop (erf);
	v52 =	vld [tilespmem:s29+$0x440];
	[tilespmem:$0x1FD20] =	vst v53;
	v39 =	vmax.f32 v54, $-5.000000000e+00;
	(erf) = vpow2.f32 v0  }
0x307: {  	s8 =	smov.u32 s23;
	v58 =	vmul.f32 v53, v47;
	v36 =	vmin.f32 v36, $5.000000000e+00;
	s23 =	rddreg [dreg:$0xf];
	[tilespmem:$0x1FD30] =	vst v55;
	v56 =	vmin.f32 v39, $5.000000000e+00  }
0x308: {  	[tilespmem:s23+$0xFFFFFFB0] =	vst v37;
	v0 =	vmul.f32 $1.442695020e+00, v36;
	v57, _, _ =	vpop (xrf2);
	v36 =	vmul.f32 $1.442695020e+00, v56  }
0x309: {  	[tilespmem:s15+$0xFFFFFFD0] =	vst v2;
	v43 =	vld [tilespmem:s31+$0x430];
	v60 =	vmax.f32 v57, $-5.000000000e+00;
	v59, _, _ =	vpop (xrf2)  }
0x30a: {  	[tilespmem:s28+$0xFFFFFF90] =	vst v58;
	v37 =	vld [tilespmem:s5+$0x60];
	v28 =	vmin.f32 v60, $5.000000000e+00;
	v36 =	vbroadcast v36, $0xF;
	v61, _, _ =	vpop (xrf2)  }
0x30b: {  	[tilespmem:s23+$0x30] =	vst v1;
	v62 =	vld [tilespmem:s4+$0x20];
	v2 =	vmul.f32 v55, v52;
	v1 =	vmul.f32 $1.442695020e+00, v28;
	v39 =	vmax.f32 v61, $-5.000000000e+00  }
0x30c: {  	v53 =	vld [tilespmem:s6+$0x430];
	v52 =	vmax.f32 v59, $-5.000000000e+00;
	(erf) = vpow2.f32 v36;
	v51 =	vmin.f32 v39, $5.000000000e+00  }
0x30d: {  	v57 =	vld [tilespmem:s30+$0xFFFFFFE0];
	v0 =	vbroadcast v0, $0xF;
	v54 =	vmin.f32 v52, $5.000000000e+00;
	v28 =	vmul.f32 $1.442695020e+00, v51  }
0x30e: {  	v56 =	vld [tilespmem:s7+$0xFFFFFFA0];
	v1 =	vbroadcast v1, $0xF;
	v36 =	vmul.f32 $1.442695020e+00, v54  }
0x30f: {  	v55 =	vld [tilespmem:s17+$0xFFFFFFA0];
	(erf) = vpow2.f32 v0;
	v58 =	vpop (erf);
	v0 =	vbroadcast v28, $0xF  }
0x310: {  	(erf) = vpow2.f32 v1;
	v1 =	vbroadcast v36, $0xF;
	v36 =	vld [tilespmem:s25+$0xFFFFFFE0];
	[tilespmem:$0x1FD80] =	vst v58  }
0x311: {  	[tilespmem:s18+$0x50] =	vst v32;
	(erf) = vpow2.f32 v0  }
0x312: {  	[tilespmem:s11+$0xFFFFFFC0] =	vst v2;
	v0 =	vmul.f32 v58, v53;
	v2 =	vld [tilespmem:s14+$0x450];
	(erf) = vpow2.f32 v1  }
0x313: {  	v32 =	vld [tilespmem:s8+$0xFFFFFFD0]  }
0x314: {  	v1 =	vld [tilespmem:s29+$0x50];
	[tilespmem:s22+$0x30] =	vst v0  }
0x315: {  	s12 =	smov.u32 s9;
	v0 =	vld [tilespmem:s6+$0x40];
	v63 =	vpop (erf)  }
0x316: {  	v59 =	vld [tilespmem:s12+$0x40];
	s26 =	rddreg [dreg:$0x13];
	[tilespmem:$0x1FD60] =	vst v63  }
0x317: {  	[tilespmem:s26+$0x20] =	vst v22;
	v2 =	vmul.f32 v63, v2;
	v52 =	vld [tilespmem:s20+$0x40]  }
0x318: {  	v51 =	vmul.f32 v55, v62;
	v60 =	vpop (erf);
	v39 =	vld [tilespmem:s13+$0x420]  }
0x319: {  	v54 =	vpop (erf);
	[tilespmem:s11+$0x50] =	vst v2  }
0x31a: {  	v22 =	vmul.f32 v56, v51;
	v53 =	vld [tilespmem:s0+$0xFFFFFFD0];
	v2 =	vmul.f32 v57, v37;
	[tilespmem:$0x1FD40] =	vst v54;
	v57 =	vpop (erf)  }
0x31b: {  	v56 =	vmul.f32 v54, v43;
	v0 =	vmul.f32 v59, v0;
	v55 =	vld [tilespmem:s14+$0x60];
	[tilespmem:$0x1FCF0] =	vst v57;
	v59 =	vpop (erf)  }
0x31c: {  	v22 =	vmul.f32 $2.500000000e-01, v22;
	v2 =	vmul.f32 v36, v2;
	v58 =	vld [tilespmem:s8+$0x60];
	[tilespmem:$0x1FDC0] =	vst v59  }
0x31d: {  	v63 =	vmul.f32 v52, v0;
	v62 =	vmul.f32 v59, v39;
	v61 =	vld [tilespmem:s0+$0x60];
	[tilespmem:s22+$0xFFFFFFB0] =	vst v56  }
0x31e: {  	v0 =	vmul.f32 $2.500000000e-01, v2;
	v46 =	vld [tilespmem:s31+$0x40]  }
0x31f: {  	(xrf2) =	vadd.scan.msk.f32 $0xffff, v22;
	v48 =	vmul.f32 $2.500000000e-01, v63;
	v2 =	vld [tilespmem:s12+$0xFFFFFFC0];
	[tilespmem:s3+$0x20] =	vst v62  }
0x320: {  	v1 =	vmul.f32 v32, v1;
	(xrf2) =	vadd.scan.msk.f32 $0xffff, v0;
	v37 =	vld [tilespmem:s13+$0x30]  }
0x321: {  	v49 =	vld [tilespmem:s17+$0x30];
	(xrf2) =	vadd.scan.msk.f32 $0xffff, v48;
	v28 =	vmul.f32 v58, v55  }
0x322: {  	v1 =	vmul.f32 v53, v1;
	v50 =	vld [tilespmem:s20+$0xFFFFFFC0]  }
0x323: {  	v51 =	vld [tilespmem:s7+$0x30];
	v28 =	vmul.f32 v61, v28  }
0x324: {  	v1 =	vmul.f32 $2.500000000e-01, v1  }
0x325: {  	v2 =	vmul.f32 v2, v46;
	v28 =	vmul.f32 $2.500000000e-01, v28  }
0x326: {  	(xrf2) =	vadd.scan.msk.f32 $0xffff, v1;
	v37 =	vmul.f32 v49, v37  }
0x327: {  	v2 =	vmul.f32 v50, v2;
	(xrf2) =	vadd.scan.msk.f32 $0xffff, v28  }
0x328: {  	v36 =	vmul.f32 v51, v37  }
0x329: {  	v52, _, _ =	vpop (xrf2);
	v2 =	vmul.f32 $2.500000000e-01, v2  }
0x32a: {  	v37 =	vmax.f32 v52, $-5.000000000e+00;
	v36 =	vmul.f32 $2.500000000e-01, v36;
	v53, _, _ =	vpop (xrf2)  }
0x32b: {  	v37 =	vmin.f32 v37, $5.000000000e+00;
	(xrf2) =	vadd.scan.msk.f32 $0xffff, v2;
	v39 =	vmax.f32 v53, $-5.000000000e+00;
	v54, _, _ =	vpop (xrf2)  }
0x32c: {  	v37 =	vmul.f32 $1.442695020e+00, v37;
	(xrf2) =	vadd.scan.msk.f32 $0xffff, v36;
	v39 =	vmin.f32 v39, $5.000000000e+00;
	v41 =	vmax.f32 v54, $-5.000000000e+00  }
0x32d: {  	v39 =	vmul.f32 $1.442695020e+00, v39;
	v41 =	vmin.f32 v41, $5.000000000e+00  }
0x32e: {  	v37 =	vbroadcast v37, $0xF;
	v41 =	vmul.f32 $1.442695020e+00, v41  }
0x32f: {  	v55 =	vbroadcast v39, $0xF  }
0x330: {  	v56, _, _ =	vpop (xrf2);
	(erf) = vpow2.f32 v37;
	v41 =	vbroadcast v41, $0xF  }
0x331: {  	(erf) = vpow2.f32 v55;
	v57, _, _ =	vpop (xrf2)  }
0x332: {  	(erf) = vpow2.f32 v41;
	v58 =	vmax.f32 v57, $-5.000000000e+00  }
0x333: {  	v37 =	vmin.f32 v58, $5.000000000e+00  }
0x334: {  	v59 =	vmul.f32 $1.442695020e+00, v37  }
0x335: {  	[tilespmem:s26+$0xFFFFFFA0] =	vst v22;
	v61 =	vmul.f32 v40, v42;
	v39 =	vmax.f32 v56, $-5.000000000e+00;
	v63, _, _ =	vpop (xrf2)  }
0x336: {  	[tilespmem:s23+$0x40] =	vst v48;
	v39 =	vmin.f32 v39, $5.000000000e+00;
	v42 =	vmax.f32 v63, $-5.000000000e+00;
	v46, _, _ =	vpop (xrf2);
	v22 =	vbroadcast v59, $0xF  }
0x337: {  	v62 =	vld [tilespmem:s4+$0x420];
	[tilespmem:s2+$0xFFFFFFE0] =	vst v61;
	v47 =	vmul.f32 $1.442695020e+00, v39;
	v48 =	vmin.f32 v42, $5.000000000e+00;
	v49 =	vmax.f32 v46, $-5.000000000e+00  }
0x338: {  	v50 =	vld [tilespmem:s6+$0x440];
	s1 =	rddreg [dreg:$0x8];
	v51 =	vmul.f32 $1.442695020e+00, v48;
	v52 =	vmin.f32 v49, $5.000000000e+00;
	(erf) = vpow2.f32 v22  }
0x339: {  	s19 =	smov.u32 s16;
	s16 =	smov.u32 s31;
	s31 =	rddreg [dreg:$0x7];
	v53 =	vld [tilespmem:s1+$0xFFFFFFF0];
	v32 =	vbroadcast v47, $0xF;
	v57 =	vpop (erf);
	v39 =	vmul.f32 $1.442695020e+00, v52  }
0x33a: {  	s21 =	smov.u32 s4;
	s4 =	smov.u32 s2;
	s2 =	rddreg [dreg:$0x9];
	v54 =	vld [tilespmem:s31+$0xFFFFFFF0];
	v22 =	vbroadcast v51, $0xF;
	v59 =	vpop (erf)  }
0x33b: {  	[tilespmem:s18+$0xFFFFFFD0] =	vst v1;
	v55 =	vld [tilespmem:s2+$0x70];
	(erf) = vpow2.f32 v32;
	v1 =	vbroadcast v39, $0xF;
	v63 =	vpop (erf)  }
0x33c: {  	v58 =	vld [tilespmem:s29+$0x450];
	v41 =	vmul.f32 v57, v62;
	[tilespmem:$0x1FD90] =	vst v63;
	(erf) = vpow2.f32 v22  }
0x33d: {  	[tilespmem:s18+$0x60] =	vst v28;
	(erf) = vpow2.f32 v1  }
0x33e: {  	v47 =	vmul.f32 v63, v50;
	[tilespmem:s3+$0xFFFFFFA0] =	vst v41;
	v28 =	vld [tilespmem:s14+$0x460]  }
0x33f: {  	v1 =	vld [tilespmem:s21+$0x30]  }
0x340: {  	v37 =	vld [tilespmem:s17+$0xFFFFFFB0];
	[tilespmem:s22+$0x40] =	vst v47  }
0x341: {  	v22 =	vld [tilespmem:s6+$0x50];
	v49 =	vpop (erf)  }
0x342: {  	v48 =	vld [tilespmem:s12+$0x50];
	[tilespmem:$0x1FD70] =	vst v49  }
0x343: {  	v28 =	vmul.f32 v49, v28;
	[tilespmem:s26+$0x30] =	vst v36;
	v50 =	vld [tilespmem:s20+$0x50]  }
0x344: {  	v62 =	vpop (erf);
	v36 =	vld [tilespmem:s13+$0x430]  }
0x345: {  	v47 =	vld [tilespmem:s7+$0xFFFFFFB0];
	v61 =	vpop (erf);
	[tilespmem:s11+$0x60] =	vst v28  }
0x346: {  	v51 =	vmul.f32 v53, v55;
	v32 =	vmul.f32 v62, v58;
	v53 =	vpop (erf);
	v42 =	vld [tilespmem:s14+$0x70]  }
0x347: {  	v52 =	vld [tilespmem:s8+$0x70];
	[tilespmem:$0x1FDD0] =	vst v53  }
0x348: {  	v22 =	vmul.f32 v48, v22;
	v28 =	vmul.f32 v54, v51;
	[tilespmem:s11+$0xFFFFFFD0] =	vst v32;
	v54 =	vld [tilespmem:s0+$0x70]  }
0x349: {  	v55 =	vld [tilespmem:s29+$0x60];
	v36 =	vmul.f32 v53, v36  }
0x34a: {  	v56 =	vld [tilespmem:s8+$0xFFFFFFE0];
	v22 =	vmul.f32 v50, v22  }
0x34b: {  	v48 =	vmul.f32 $2.500000000e-01, v28;
	v63 =	vld [tilespmem:s0+$0xFFFFFFE0];
	[tilespmem:s3+$0x30] =	vst v36  }
0x34c: {  	v46 =	vmul.f32 $2.500000000e-01, v22;
	v58 =	vld [tilespmem:s13+$0x40]  }
0x34d: {  	v1 =	vmul.f32 v37, v1;
	(xrf2) =	vadd.scan.msk.f32 $0xffff, v48;
	v36 =	vld [tilespmem:s17+$0x40]  }
0x34e: {  	(xrf2) =	vadd.scan.msk.f32 $0xffff, v46  }
0x34f: {  	v1 =	vmul.f32 v47, v1;
	v39 =	vmul.f32 v52, v42;
	v32 =	vld [tilespmem:s7+$0x40]  }
0x350: {  	v28 =	vmul.f32 v56, v55  }
0x351: {  	v1 =	vmul.f32 $2.500000000e-01, v1;
	v39 =	vmul.f32 v54, v39  }
0x352: {  	v28 =	vmul.f32 v63, v28;
	v22 =	vmul.f32 v36, v58  }
0x353: {  	v49 =	vmul.f32 $2.500000000e-01, v39  }
0x354: {  	(xrf2) =	vadd.scan.msk.f32 $0xffff, v1;
	v47 =	vmul.f32 $2.500000000e-01, v28;
	v43 =	vmul.f32 v32, v22  }
0x355: {  	(xrf2) =	vadd.scan.msk.f32 $0xffff, v49  }
0x356: {  	(xrf2) =	vadd.scan.msk.f32 $0xffff, v47;
	v28 =	vmul.f32 $2.500000000e-01, v43  }
0x357: {  	v50, _, _ =	vpop (xrf2)  }
0x358: {  	v51, _, _ =	vpop (xrf2);
	(xrf2) =	vadd.scan.msk.f32 $0xffff, v28  }
0x359: {  	v39 =	vmax.f32 v51, $-5.000000000e+00  }
0x35a: {  	v39 =	vmin.f32 v39, $5.000000000e+00  }
0x35b: {  	[tilespmem:s23+$0xFFFFFFC0] =	vst v2;
	v2 =	vmul.f32 $1.442695020e+00, v39  }
0x35c: {  	v37 =	vmax.f32 v50, $-5.000000000e+00  }
0x35d: {  	v37 =	vmin.f32 v37, $5.000000000e+00;
	v2 =	vbroadcast v2, $0xF  }
0x35e: {  	v37 =	vmul.f32 $1.442695020e+00, v37;
	v53, _, _ =	vpop (xrf2)  }
0x35f: {  	v54, _, _ =	vpop (xrf2);
	(erf) = vpow2.f32 v2  }
0x360: {  	v37 =	vbroadcast v37, $0xF;
	v41 =	vmax.f32 v53, $-5.000000000e+00;
	v55, _, _ =	vpop (xrf2)  }
0x361: {  	v2 =	vmin.f32 v41, $5.000000000e+00;
	v41 =	vmax.f32 v54, $-5.000000000e+00;
	v42 =	vmax.f32 v55, $-5.000000000e+00  }
0x362: {  	v2 =	vmul.f32 $1.442695020e+00, v2;
	v41 =	vmin.f32 v41, $5.000000000e+00;
	v42 =	vmin.f32 v42, $5.000000000e+00;
	v56, _, _ =	vpop (xrf2)  }
0x363: {  	v52 =	vld [tilespmem:s16+$0x440];
	(erf) = vpow2.f32 v37;
	v41 =	vmul.f32 $1.442695020e+00, v41;
	v43 =	vmax.f32 v56, $-5.000000000e+00  }
0x364: {  	v42 =	vmul.f32 $1.442695020e+00, v42;
	v2 =	vbroadcast v2, $0xF;
	v43 =	vmin.f32 v43, $5.000000000e+00  }
0x365: {  	v41 =	vbroadcast v41, $0xF;
	v43 =	vmul.f32 $1.442695020e+00, v43  }
0x366: {  	[tilespmem:s23+$0x50] =	vst v46;
	(erf) = vpow2.f32 v2;
	v2 =	vbroadcast v42, $0xF  }
0x367: {  	[tilespmem:s19+$0xFFFFFFE0] =	vst v0;
	v58 =	vld [tilespmem:s6+$0x450];
	(erf) = vpow2.f32 v41;
	v0 =	vbroadcast v43, $0xF  }
0x368: {  	s28 =	smov.u32 s5;
	[tilespmem:s26+$0xFFFFFFB0] =	vst v1;
	v39 =	vmul.f32 v61, v52;
	(erf) = vpow2.f32 v2;
	v32 =	vpop (erf)  }
0x369: {  	v63 =	vld [tilespmem:s28+$0x460];
	[tilespmem:$0x1FDA0] =	vst v32;
	(erf) = vpow2.f32 v0  }
0x36a: {  	v1 =	vld [tilespmem:s21+$0x430];
	[tilespmem:s22+$0xFFFFFFC0] =	vst v39  }
0x36b: {  	v0 =	vld [tilespmem:s16+$0x50]  }
0x36c: {  	v2 =	vmul.f32 v32, v58;
	[tilespmem:s26+$0x40] =	vst v28;
	v39 =	vld [tilespmem:s12+$0xFFFFFFD0]  }
0x36d: {  	v37 =	vld [tilespmem:s13+$0x440]  }
0x36e: {  	v36 =	vmul.f32 v59, v63;
	v51 =	vpop (erf);
	[tilespmem:s22+$0x50] =	vst v2;
	v32 =	vld [tilespmem:s20+$0xFFFFFFD0]  }
0x36f: {  	v2 =	vld [tilespmem:s6+$0x60];
	v56 =	vpop (erf)  }
0x370: {  	[tilespmem:s15+$0xFFFFFFE0] =	vst v36;
	v42 =	vld [tilespmem:s12+$0x60];
	v54 =	vpop (erf);
	v1 =	vmul.f32 v56, v1  }
0x371: {  	v50 =	vld [tilespmem:s30+$0xFFFFFFF0];
	v63 =	vpop (erf)  }
0x372: {  	v46 =	vld [tilespmem:s20+$0x60];
	[tilespmem:s3+$0xFFFFFFB0] =	vst v1;
	v53 =	vpop (erf)  }
0x373: {  	v1 =	vld [tilespmem:s28+$0x70];
	[tilespmem:$0x1FDE0] =	vst v53  }
0x374: {  	v0 =	vmul.f32 v39, v0;
	v55 =	vmul.f32 v53, v37;
	v58 =	vld [tilespmem:s21+$0x40]  }
0x375: {  	v2 =	vmul.f32 v42, v2;
	v22 =	vld [tilespmem:s17+$0xFFFFFFC0]  }
0x376: {  	v0 =	vmul.f32 v32, v0;
	v32 =	vld [tilespmem:s7+$0xFFFFFFC0];
	[tilespmem:s3+$0x40] =	vst v55  }
0x377: {  	v2 =	vmul.f32 v46, v2;
	v39 =	vld [tilespmem:s13+$0x50]  }
0x378: {  	v0 =	vmul.f32 $2.500000000e-01, v0;
	v46 =	vld [tilespmem:s17+$0x50]  }
0x379: {  	v2 =	vmul.f32 $2.500000000e-01, v2;
	v53 =	vld [tilespmem:s25+$0xFFFFFFF0]  }
0x37a: {  	(xrf2) =	vadd.scan.msk.f32 $0xffff, v0;
	v55 =	vld [tilespmem:s7+$0x50]  }
0x37b: {  	(xrf2) =	vadd.scan.msk.f32 $0xffff, v2;
	v41 =	vmul.f32 v22, v58  }
0x37c: {  	v1 =	vmul.f32 v50, v1  }
0x37d: {  	v28 =	vmul.f32 v32, v41;
	v39 =	vmul.f32 v46, v39  }
0x37e: {  	v1 =	vmul.f32 v53, v1  }
0x37f: {  	v39 =	vmul.f32 v55, v39;
	v28 =	vmul.f32 $2.500000000e-01, v28  }
0x380: {  	v46 =	vmul.f32 $2.500000000e-01, v1  }
0x381: {  	(xrf2) =	vadd.scan.msk.f32 $0xffff, v28;
	v39 =	vmul.f32 $2.500000000e-01, v39  }
0x382: {  	(xrf2) =	vadd.scan.msk.f32 $0xffff, v46  }
0x383: {  	(xrf2) =	vadd.scan.msk.f32 $0xffff, v39  }
0x384: {  	v50, _, _ =	vpop (xrf2)  }
0x385: {  	v52, _, _ =	vpop (xrf2)  }
0x386: {  	v42 =	vmax.f32 v52, $-5.000000000e+00  }
0x387: {  	v42 =	vmin.f32 v42, $5.000000000e+00  }
0x388: {  	v42 =	vmul.f32 $1.442695020e+00, v42  }
0x389: {  	v41 =	vmax.f32 v50, $-5.000000000e+00  }
0x38a: {  	v41 =	vmin.f32 v41, $5.000000000e+00;
	v42 =	vbroadcast v42, $0xF  }
0x38b: {  	v41 =	vmul.f32 $1.442695020e+00, v41;
	v53, _, _ =	vpop (xrf2)  }
0x38c: {  	(erf) = vpow2.f32 v42;
	v43, _, _ =	vpop (xrf2)  }
0x38d: {  	v41 =	vbroadcast v41, $0xF;
	v42 =	vmax.f32 v53, $-5.000000000e+00;
	v55, _, _ =	vpop (xrf2)  }
0x38e: {  	v42 =	vmin.f32 v42, $5.000000000e+00;
	v50 =	vmax.f32 v55, $-5.000000000e+00  }
0x38f: {  	[tilespmem:s23+$0x60] =	vst v2;
	(erf) = vpow2.f32 v41;
	v42 =	vmul.f32 $1.442695020e+00, v42;
	v2 =	vmin.f32 v50, $5.000000000e+00  }
0x390: {  	v2 =	vmul.f32 $1.442695020e+00, v2  }
0x391: {  	v22 =	vld [tilespmem:s6+$0x460];
	v58 =	vbroadcast v42, $0xF  }
0x392: {  	v2 =	vbroadcast v2, $0xF  }
0x393: {  	[tilespmem:s23+$0xFFFFFFD0] =	vst v0;
	(erf) = vpow2.f32 v58  }
0x394: {  	v0 =	vld [tilespmem:s16+$0x450];
	(erf) = vpow2.f32 v2  }
0x395: {  	v58 =	vpop (erf)  }
0x396: {  	[tilespmem:s26+$0xFFFFFFC0] =	vst v28;
	v2 =	vmul.f32 v58, v22  }
0x397: {  	[tilespmem:s26+$0x50] =	vst v39  }
0x398: {  	v42 =	vpop (erf);
	[tilespmem:s22+$0x60] =	vst v2;
	v2 =	vld [tilespmem:s21+$0x440]  }
0x399: {  	v28 =	vld [tilespmem:s13+$0x450];
	v0 =	vmul.f32 v42, v0  }
0x39a: {  	v37 =	vld [tilespmem:s6+$0x70]  }
0x39b: {  	v53 =	vld [tilespmem:s12+$0x70]  }
0x39c: {  	[tilespmem:s22+$0xFFFFFFD0] =	vst v0;
	v36 =	vld [tilespmem:s20+$0x70];
	v50 =	vpop (erf)  }
0x39d: {  	v55 =	vld [tilespmem:s16+$0x60];
	v2 =	vmul.f32 v50, v2;
	v0 =	vpop (erf)  }
0x39e: {  	v32 =	vld [tilespmem:s12+$0xFFFFFFE0];
	[tilespmem:$0x1FDF0] =	vst v0  }
0x39f: {  	[tilespmem:s3+$0xFFFFFFC0] =	vst v2;
	v2 =	vmul.f32 v0, v28;
	v41 =	vld [tilespmem:s20+$0xFFFFFFE0]  }
0x3a0: {  	v28 =	vld [tilespmem:s21+$0x50]  }
0x3a1: {  	[tilespmem:s3+$0x50] =	vst v2;
	v2 =	vld [tilespmem:s17+$0xFFFFFFD0]  }
0x3a2: {  	v22 =	vld [tilespmem:s13+$0x60]  }
0x3a3: {  	v0 =	vld [tilespmem:s17+$0x60]  }
0x3a4: {  	v1 =	vld [tilespmem:s7+$0xFFFFFFD0]  }
0x3a5: {  	v37 =	vmul.f32 v53, v37;
	v53 =	vld [tilespmem:s7+$0x60]  }
0x3a6: {  	v32 =	vmul.f32 v32, v55  }
0x3a7: {  	v36 =	vmul.f32 v36, v37;
	v2 =	vmul.f32 v2, v28  }
0x3a8: {  	v32 =	vmul.f32 v41, v32;
	v0 =	vmul.f32 v0, v22  }
0x3a9: {  	v39 =	vmul.f32 $2.500000000e-01, v36;
	v1 =	vmul.f32 v1, v2  }
0x3aa: {  	v28 =	vmul.f32 $2.500000000e-01, v32;
	v2 =	vmul.f32 v53, v0  }
0x3ab: {  	(xrf2) =	vadd.scan.msk.f32 $0xffff, v39;
	v1 =	vmul.f32 $2.500000000e-01, v1  }
0x3ac: {  	(xrf2) =	vadd.scan.msk.f32 $0xffff, v28;
	v2 =	vmul.f32 $2.500000000e-01, v2  }
0x3ad: {  	(xrf2) =	vadd.scan.msk.f32 $0xffff, v1  }
0x3ae: {  	(xrf2) =	vadd.scan.msk.f32 $0xffff, v2;
	_ =	sdelay $0x6  }
0x3af: {  	v41 =	vmax.f32 v43, $-5.000000000e+00;
	v43, _, _ =	vpop (xrf2)  }
0x3b0: {  	v22 =	vmin.f32 v41, $5.000000000e+00;
	v32 =	vmax.f32 v43, $-5.000000000e+00;
	v52, _, _ =	vpop (xrf2)  }
0x3b1: {  	v22 =	vmul.f32 $1.442695020e+00, v22;
	v32 =	vmin.f32 v32, $5.000000000e+00;
	v53, _, _ =	vpop (xrf2)  }
0x3b2: {  	v32 =	vmul.f32 $1.442695020e+00, v32;
	v36 =	vmax.f32 v52, $-5.000000000e+00;
	v55, _, _ =	vpop (xrf2)  }
0x3b3: {  	v22 =	vbroadcast v22, $0xF;
	v36 =	vmin.f32 v36, $5.000000000e+00;
	v41 =	vmax.f32 v55, $-5.000000000e+00  }
0x3b4: {  	v32 =	vbroadcast v32, $0xF;
	v36 =	vmul.f32 $1.442695020e+00, v36;
	v41 =	vmin.f32 v41, $5.000000000e+00  }
0x3b5: {  	(erf) = vpow2.f32 v22;
	v43 =	vmax.f32 v53, $-5.000000000e+00;
	v52 =	vmul.f32 $1.442695020e+00, v41  }
0x3b6: {  	(erf) = vpow2.f32 v32;
	v53 =	vbroadcast v36, $0xF;
	v22 =	vmin.f32 v43, $5.000000000e+00  }
0x3b7: {  	v22 =	vmul.f32 $1.442695020e+00, v22;
	v55 =	vbroadcast v52, $0xF  }
0x3b8: {  	(erf) = vpow2.f32 v53  }
0x3b9: {  	v22 =	vbroadcast v22, $0xF;
	(erf) = vpow2.f32 v55;
	_ =	sdelay $0x1  }
0x3ba: {  	[tilespmem:s18+$0xFFFFFFE0] =	vst v47;
	(erf) = vpow2.f32 v22  }
0x3bb: {  	v37 =	vld [tilespmem:s29+$0x460]  }
0x3bc: {  	[tilespmem:s26+$0x60] =	vst v2  }
0x3bd: {  	v2 =	vld [tilespmem:s13+$0x460]  }
0x3be: {  	[tilespmem:s26+$0xFFFFFFD0] =	vst v1;
	v41 =	vpop (erf)  }
0x3bf: {  	v47 =	vld [tilespmem:s21+$0x450];
	v43 =	vpop (erf)  }
0x3c0: {  	v1 =	vmul.f32 v63, v37;
	v52 =	vpop (erf)  }
0x3c1: {  	v55 =	vpop (erf)  }
0x3c2: {  	[tilespmem:s11+$0xFFFFFFE0] =	vst v1;
	v2 =	vmul.f32 v55, v2  }
0x3c3: {  	v32 =	vld [tilespmem:s29+$0x70];
	v53 =	vpop (erf)  }
0x3c4: {  	v22 =	vld [tilespmem:s8+$0xFFFFFFF0];
	[tilespmem:s3+$0x60] =	vst v2;
	v2 =	vmul.f32 v53, v47  }
0x3c5: {  	v37 =	vld [tilespmem:s13+$0x70]  }
0x3c6: {  	[tilespmem:s3+$0xFFFFFFD0] =	vst v2;
	v2 =	vld [tilespmem:s17+$0x70]  }
0x3c7: {  	v36 =	vld [tilespmem:s0+$0xFFFFFFF0]  }
0x3c8: {  	v1 =	vld [tilespmem:s7+$0x70];
	_ =	sdelay $0x1  }
0x3c9: {  	v22 =	vmul.f32 v22, v32  }
0x3ca: {  	v2 =	vmul.f32 v2, v37  }
0x3cb: {  	v22 =	vmul.f32 v36, v22;
	v47 =	vld [tilespmem:s21+$0x60]  }
0x3cc: {  	v0 =	vld [tilespmem:s17+$0xFFFFFFE0];
	v1 =	vmul.f32 v1, v2  }
0x3cd: {  	v22 =	vmul.f32 $2.500000000e-01, v22  }
0x3ce: {  	v32 =	vld [tilespmem:s7+$0xFFFFFFE0];
	s9 =	rddreg [dreg:$0x6];
	v2 =	vmul.f32 $2.500000000e-01, v1  }
0x3cf: {  	(xrf2) =	vadd.scan.msk.f32 $0xffff, v22;
	[tilespmem:s9+$0xFFFFFFF0] =	vst v48  }
0x3d0: {  	v48 =	vld [tilespmem:$0x1FCE0];
	(xrf2) =	vadd.scan.msk.f32 $0xffff, v2  }
0x3d1: {  	vm0 =	veq.s32 v35, $0x1;
	v0 =	vmul.f32 v0, v47  }
0x3d2: {  	v1 =	vsel vm0, $0x1, v4  }
0x3d3: {  	v0 =	vmul.f32 v32, v0;
	v1 =	vbroadcast v1, $0x0  }
0x3d4: {  	v19 =	vmul.f32 v60, v19;
	v37 =	vand.u32 $0x1, v45;
	v45 =	vperm.xlane v44, v3  }
0x3d5: {  	[tilespmem:s19+$0x70] =	vst v48;
	vm0 =	veq.s32 v37, $0x1;
	v0 =	vmul.f32 $2.500000000e-01, v0;
	v1 =	vand.u32 $0x1, v1  }
0x3d6: {  	s25 =	rddreg [dreg:$0x14];
	v35 =	vsel vm0, v45, v44;
	vm0 =	veq.s32 v1, $0x1  }
0x3d7: {  	[tilespmem:s25+$0xFFFFFFF0] =	vst v19;
	(xrf2) =	vadd.scan.msk.f32 $0xffff, v0;
	v1 =	vsel vm0, v31, v30;
	vm0 =	veq.s32 v29, $0x0  }
0x3d8: {  	v23 =	vsel vm9, v23, v38;
	vm2 =	veq.s32 v29, $0x1;
	s1 =	rddreg [dreg:$0xe];
	v37 =	vnsel vm0, $0x0, v1  }
0x3d9: {  	v21 =	vsel vm12, v21, v40;
	vm3 =	veq.s32 v29, $0x2;
	v47, _, _ =	vpop (xrf2);
	v44 =	vnsel vm2, $0x0, v1;
	[tilespmem:s1+$0xFFFFFF80] =	vst v37  }
0x3da: {  	vm4 =	veq.s32 v29, $0x3;
	vm5 =	veq.s32 v29, $0x4;
	v48 =	vnsel vm3, $0x0, v1;
	[tilespmem:s1+$0xFFFFFF90] =	vst v44;
	v38, _, _ =	vpop (xrf2)  }
0x3db: {  	v30 =	vmax.f32 v47, $-5.000000000e+00;
	[tilespmem:s1+$0xFFFFFFA0] =	vst v48;
	v44 =	vnsel vm5, $0x0, v1;
	v40 =	vmax.f32 v38, $-5.000000000e+00  }
0x3dc: {  	v36 =	vmin.f32 v30, $5.000000000e+00;
	[tilespmem:s1+$0xFFFFFFC0] =	vst v44;
	v30 =	vmin.f32 v40, $5.000000000e+00;
	v40 =	vnsel vm4, $0x0, v1  }
0x3dd: {  	v31 =	vld [tilespmem:s10+$0x470];
	[tilespmem:s1+$0xFFFFFFB0] =	vst v40  }
0x3de: {  	v40 =	vld [tilespmem:$0x1FCF0];
	_ =	sdelay $0x2  }
0x3df: {  	v45, _, _ =	vpop (xrf2)  }
0x3e0: {  	vm6 =	veq.s32 v29, $0x5;
	v47 =	vmax.f32 v45, $-5.000000000e+00  }
0x3e1: {  	v32 =	vmin.f32 v47, $5.000000000e+00;
	v47 =	vnsel vm6, $0x0, v1;
	v31 =	vmul.f32 v40, v31  }
0x3e2: {  	v5 =	vnsel vm1, $0x0, v5;
	v45 =	vld [tilespmem:s2+$0x470];
	s0 =	rddreg [dreg:$0xc];
	[tilespmem:s1+$0xFFFFFFD0] =	vst v47  }
0x3e3: {  	v5 =	vsel vm8, v5, v7;
	vm0 =	veq.s32 v29, $0x6;
	[tilespmem:s15+$0x70] =	vst v31  }
0x3e4: {  	vm2 =	veq.s32 v29, $0x7;
	v19 =	vmul.f32 $1.442695020e+00, v36;
	v7 =	vnsel vm0, $0x0, v1;
	s30 =	rddreg [dreg:$0x11];
	[tilespmem:s23+$0xFFFFFFE0] =	vst v28  }
0x3e5: {  	v30 =	vmul.f32 $1.442695020e+00, v30;
	v1 =	vnsel vm2, $0x0, v1;
	v28 =	vld [tilespmem:$0x1FD00];
	[tilespmem:s1+$0xFFFFFFE0] =	vst v7  }
0x3e6: {  	v19 =	vbroadcast v19, $0xF;
	v32 =	vmul.f32 $1.442695020e+00, v32;
	[tilespmem:s1+$0xFFFFFFF0] =	vst v1  }
0x3e7: {  	v30 =	vbroadcast v30, $0xF;
	v48 =	vld [tilespmem:s0+$0xFFFFFFFF];
	v38 =	vmul.f32 v51, v45;
	[tilespmem:s19+$0xFFFFFFF0] =	vst v46  }
0x3e8: {  	(erf) = vpow2.f32 v19;
	v32 =	vbroadcast v32, $0xF;
	v7 =	vld [tilespmem:s16+$0x460];
	s8 =	rddreg [dreg:$0xd];
	[tilespmem:s26+$0xFFFFFFE0] =	vst v0  }
0x3e9: {  	(erf) = vpow2.f32 v30;
	[tilespmem:s4+$0xFFFFFFF0] =	vst v38  }
0x3ea: {  	v5 =	vsel vm9, v5, v10;
	(erf) = vpow2.f32 v32;
	s31 =	sadd.s32 $0x2, s30;
	v47 =	vld [tilespmem:$0x1FD10]  }
0x3eb: {  	v5 =	vsel vm10, v5, v12;
	v36 =	vld [tilespmem:s31+$0x0]  }
0x3ec: {  	v5 =	vsel vm15, v5, v14;
	vm2 =	veq.s32 v48, $0x1;
	[tilespmem:s18+$0x70] =	vst v49  }
0x3ed: {  	v5 =	vsel vm11, v5, v25;
	v44 =	vsel vm2, $0x1, v4;
	v12 =	vld.msk [tilespmem:s8+$0xFFFFFFFF ss:$0x0], $0xffff;
	[tilespmem:s18+$0xFFFFFFF0] =	vst v22;
	v7 =	vmul.f32 v52, v7  }
0x3ee: {  	vm0 =	veq.s32 v18, $0x7;
	v45 =	vbroadcast v44, $0x0;
	v1 =	vsel vm13, v17, v60;
	v49 =	vld [tilespmem:$0x1FD20];
	[tilespmem:s24+$0x50] =	vst v33  }
0x3ef: {  	v14 =	vnsel vm0, $0x0, v35;
	v0 =	vperm.xlane v1, v3;
	v46 =	vld [tilespmem:s21+$0x460];
	v5 =	vsel vm12, v5, v47;
	[tilespmem:s22+$0xFFFFFFE0] =	vst v7  }
0x3f0: {  	vm0 =	veq.s32 v36, $0x1;
	v48 =	vsel vm13, v5, v40;
	v5 =	vand.u32 $0x1, v45;
	s10 =	rddreg [dreg:$0x15]  }
0x3f1: {  	v10 =	vpop (erf);
	v19 =	vsel vm0, $0x1, v4;
	vm0 =	veq.s32 v5, $0x1;
	[tilespmem:s10+$0x60] =	vst v34  }
0x3f2: {  	vm2 =	veq.s32 v12, $0x0;
	v19 =	vbroadcast v19, $0x0;
	v7 =	vpop (erf);
	v0 =	vsel vm0, v0, v1;
	v1 =	vld [tilespmem:$0x1FD30]  }
0x3f3: {  	v36 =	vld [tilespmem:s12+$0xFFFFFFF0];
	v60 =	vperm.xlane v48, v3;
	v5 =	vpop (erf);
	v37 =	vnsel vm2, $0x0, v0;
	vm2 =	veq.s32 v12, $0x2  }
0x3f4: {  	v38 =	vld [tilespmem:s16+$0x70];
	v17 =	vmul.f32 v5, v46;
	[tilespmem:s10+$0xFFFFFF80] =	vst v37;
	v45 =	vnsel vm2, $0x0, v0;
	vm2 =	veq.s32 v12, $0x4  }
0x3f5: {  	v30 =	vld [tilespmem:s28+$0x470];
	v19 =	vand.u32 $0x1, v19;
	v47 =	vnsel vm2, $0x0, v0;
	vm2 =	veq.s32 v12, $0x6;
	[tilespmem:s10+$0xFFFFFFA0] =	vst v45  }
0x3f6: {  	v40 =	vld [tilespmem:s20+$0xFFFFFFF0];
	vm0 =	veq.s32 v19, $0x1;
	[tilespmem:s3+$0xFFFFFFE0] =	vst v17;
	v37 =	vnsel vm2, $0x0, v0  }
0x3f7: {  	[tilespmem:s10+$0xFFFFFFC0] =	vst v47;
	v24 =	vsel vm15, v24, v1;
	v1 =	vsel vm0, v60, v48;
	vm0 =	veq.s32 v12, $0x1  }
0x3f8: {  	v25 =	vsel vm8, v27, v49;
	[tilespmem:s10+$0xFFFFFFE0] =	vst v37;
	v44 =	vnsel vm0, $0x0, v0;
	vm0 =	veq.s32 v12, $0x3  }
0x3f9: {  	v49 =	vld [tilespmem:s14+$0x470];
	v34 =	vmul.f32 v36, v38;
	v46 =	vnsel vm0, $0x0, v0;
	[tilespmem:s10+$0xFFFFFF90] =	vst v44;
	vm0 =	veq.s32 v12, $0x5  }
0x3fa: {  	v36 =	vld [tilespmem:s29+$0x470];
	v60 =	vnsel vm0, $0x0, v0;
	vm0 =	veq.s32 v12, $0x7;
	[tilespmem:s10+$0xFFFFFFB0] =	vst v46  }
0x3fb: {  	v30 =	vmul.f32 v41, v30;
	v12 =	vmul.f32 v40, v34;
	v0 =	vnsel vm0, $0x0, v0;
	[tilespmem:s10+$0xFFFFFFD0] =	vst v60  }
0x3fc: {  	s1 =	rddreg [dreg:$0x12];
	[tilespmem:s10+$0xFFFFFFF0] =	vst v0  }
0x3fd: {  	[tilespmem:s15+$0xFFFFFFF0] =	vst v30;
	v12 =	vmul.f32 $2.500000000e-01, v12  }
0x3fe: {  	v32 =	vmul.f32 v54, v49;
	v17 =	vld [tilespmem:s17+$0xFFFFFFF0];
	[tilespmem:s23+$0x70] =	vst v39  }
0x3ff: {  	v6 =	vnsel vm1, $0x0, v6;
	v20 =	vsel vm11, v20, v28;
	v48 =	vld [tilespmem:s21+$0x70];
	v47 =	vmul.f32 v10, v36;
	[tilespmem:s23+$0xFFFFFFF0] =	vst v12  }
0x400: {  	v21 =	vsel vm13, v21, v51;
	v20 =	vsel vm12, v20, v59;
	vm2 =	veq.s32 v18, $0x1;
	v49 =	vld [tilespmem:$0x1FD40];
	[tilespmem:s11+$0x70] =	vst v32  }
0x401: {  	v20 =	vsel vm13, v20, v41;
	v44 =	vnsel vm2, $0x0, v35;
	vm2 =	veq.s32 v18, $0x3;
	v40 =	vld [tilespmem:s7+$0xFFFFFFF0];
	[tilespmem:s11+$0xFFFFFFF0] =	vst v47  }
0x402: {  	s14 =	sadd.s32 $0x100, s24;
	v25 =	vsel vm9, v25, v57;
	v45 =	vnsel vm2, $0x0, v35;
	vm0 =	veq.s32 v18, $0x0;
	s12 =	sadd.s32 $0x2, s1;
	[tilespmem:s26+$0x70] =	vst v2  }
0x403: {  	vm2 =	veq.s32 v18, $0x5;
	v38 =	vnsel vm0, $0x0, v35;
	vm0 =	veq.s32 v18, $0x2;
	v27 =	vld.msk [tilespmem:s12+$0x0 ss:$0x0], $0xffff;
	[tilespmem:s14+$0x70] =	vst v14  }
0x404: {  	v17 =	vmul.f32 v17, v48;
	v0 =	vnsel vm0, $0x0, v35;
	vm0 =	veq.s32 v18, $0x4;
	[tilespmem:s14+$0x0] =	vst v38  }
0x405: {  	v24 =	vsel vm11, v24, v62;
	v59 =	vnsel vm2, $0x0, v35;
	v46 =	vnsel vm0, $0x0, v35;
	[tilespmem:s14+$0x10] =	vst v44  }
0x406: {  	v48 =	vld [tilespmem:s30+$0xFFFFFFFF];
	vm0 =	veq.s32 v18, $0x6;
	(xrf2) =	vadd.scan.msk.f32 $0xffff, v12;
	v17 =	vmul.f32 v40, v17;
	[tilespmem:s14+$0x20] =	vst v0  }
0x407: {  	v39 =	vperm.xlane v21, v3;
	v60 =	vnsel vm0, $0x0, v35;
	v0 =	vsel vm8, v6, v9;
	[tilespmem:s14+$0x30] =	vst v45  }
0x408: {  	s15 =	sadd.s32 $0x2, s31;
	[tilespmem:s14+$0x40] =	vst v46;
	v0 =	vsel vm9, v0, v11;
	v17 =	vmul.f32 $2.500000000e-01, v17;
	vm2 =	veq.s32 v27, $0x7  }
0x409: {  	[tilespmem:s14+$0x50] =	vst v59;
	v62 =	vld [tilespmem:s15+$0x0];
	vm0 =	veq.s32 v27, $0x0;
	v23 =	vsel vm10, v23, v49;
	v32 =	vnsel vm2, $0x0, v1  }
0x40a: {  	[tilespmem:s26+$0xFFFFFFF0] =	vst v17;
	vm2 =	veq.s32 v27, $0x1;
	v14 =	vnsel vm0, $0x0, v1;
	vm0 =	veq.s32 v27, $0x2  }
0x40b: {  	v44 =	vld [tilespmem:$0x1FD50];
	[tilespmem:s14+$0x60] =	vst v60;
	v2 =	vsel vm15, v23, v61;
	v23 =	vnsel vm2, $0x0, v1;
	vm2 =	veq.s32 v48, $0x1  }
0x40c: {  	v19 =	vnsel vm0, $0x0, v1;
	vm0 =	veq.s32 v27, $0x3;
	v46 =	vld [tilespmem:$0x1FD60];
	v37 =	vsel vm2, $0x1, v4  }
0x40d: {  	v36 =	vld.msk [tilespmem:s1+$0xFFFFFFFF ss:$0x0], $0xffff;
	vm2 =	veq.s32 v27, $0x4;
	v38 =	vnsel vm0, $0x0, v1;
	vm0 =	veq.s32 v27, $0x5  }
0x40e: {  	v18 =	vld [tilespmem:$0x1FD70];
	v29 =	vbroadcast v37, $0x0;
	v6 =	vnsel vm2, $0x0, v1;
	vm2 =	veq.s32 v62, $0x1  }
0x40f: {  	v0 =	vsel vm10, v0, v15;
	v33 =	vnsel vm0, $0x0, v1;
	v40 =	vsel vm2, $0x1, v4  }
0x410: {  	(xrf2) =	vadd.scan.msk.f32 $0xffff, v17;
	v51, _, _ =	vpop (xrf2);
	v29 =	vand.u32 $0x1, v29;
	v0 =	vsel vm15, v0, v44;
	v11 =	vbroadcast v40, $0x0  }
0x411: {  	s4 =	sadd.s32 $0x100, s14;
	v17 =	vmax.f32 v51, $-5.000000000e+00;
	vm2 =	veq.s32 v29, $0x1;
	v0 =	vsel vm11, v0, v46  }
0x412: {  	[tilespmem:s4+$0x70] =	vst v32;
	v60 =	vmin.f32 v17, $5.000000000e+00;
	v9 =	vsel vm2, v39, v21;
	vm2 =	veq.s32 v36, $0x0  }
0x413: {  	[tilespmem:s4+$0x0] =	vst v14;
	v0 =	vsel vm12, v0, v18;
	v45 =	vnsel vm2, $0x0, v9;
	vm2 =	veq.s32 v36, $0x1  }
0x414: {  	[tilespmem:s4+$0x10] =	vst v23;
	v11 =	vand.u32 $0x1, v11;
	v47 =	vnsel vm2, $0x0, v9;
	vm2 =	veq.s32 v36, $0x2  }
0x415: {  	[tilespmem:s4+$0x20] =	vst v19;
	v0 =	vsel vm13, v0, v54;
	v48 =	vnsel vm2, $0x0, v9;
	vm2 =	veq.s32 v36, $0x3  }
0x416: {  	v57 =	vld [tilespmem:s31+$0xFFFFFFFF];
	[tilespmem:s4+$0x30] =	vst v38;
	vm0 =	veq.s32 v11, $0x1;
	v49 =	vnsel vm2, $0x0, v9;
	vm2 =	veq.s32 v36, $0x4  }
0x417: {  	s17 =	sadd.s32 $0x2, s12;
	[tilespmem:s4+$0x40] =	vst v6;
	v30 =	vperm.xlane v0, v3;
	v21 =	vnsel vm2, $0x0, v9;
	vm2 =	veq.s32 v36, $0x5  }
0x418: {  	v61 =	vld.msk [tilespmem:s17+$0x0 ss:$0x0], $0xffff;
	v59 =	vnsel vm2, $0x0, v9;
	vm2 =	veq.s32 v36, $0x6;
	[tilespmem:s14+$0xFFFFFFC0] =	vst v21;
	v21 =	vmul.f32 $1.442695020e+00, v60  }
0x419: {  	[tilespmem:s4+$0x50] =	vst v33;
	v11 =	vsel vm0, v30, v0;
	v62 =	vnsel vm2, $0x0, v9;
	vm2 =	veq.s32 v36, $0x7  }
0x41a: {  	[tilespmem:s14+$0xFFFFFF80] =	vst v45;
	v0, _, _ =	vpop (xrf2);
	v9 =	vnsel vm2, $0x0, v9;
	vm2 =	veq.s32 v27, $0x6;
	v12 =	vbroadcast v21, $0xF  }
0x41b: {  	v34 =	vld [tilespmem:s6+$0x470];
	[tilespmem:s14+$0xFFFFFF90] =	vst v47;
	v0 =	vmax.f32 v0, $-5.000000000e+00;
	v1 =	vnsel vm2, $0x0, v1;
	vm2 =	veq.s32 v57, $0x1  }
0x41c: {  	v35 =	vld.msk [tilespmem:s12+$0xFFFFFFFF ss:$0x0], $0xffff;
	[tilespmem:s14+$0xFFFFFFA0] =	vst v48;
	v0 =	vmin.f32 v0, $5.000000000e+00;
	(erf) = vpow2.f32 v12;
	v18 =	vsel vm2, $0x1, v4  }
0x41d: {  	vm0 =	veq.s32 v61, $0x7;
	[tilespmem:s14+$0xFFFFFFB0] =	vst v49;
	v0 =	vmul.f32 $1.442695020e+00, v0;
	v18 =	vbroadcast v18, $0x0  }
0x41e: {  	v2 =	vsel vm11, v2, v42;
	v6 =	vperm.xlane v20, v3;
	v15 =	vnsel vm0, $0x0, v11;
	[tilespmem:s14+$0xFFFFFFD0] =	vst v59  }
0x41f: {  	vm0 =	veq.s32 v61, $0x0;
	[tilespmem:s14+$0xFFFFFFE0] =	vst v62;
	v0 =	vbroadcast v0, $0xF;
	v18 =	vand.u32 $0x1, v18  }
0x420: {  	v38 =	vnsel vm0, $0x0, v11;
	[tilespmem:s14+$0xFFFFFFF0] =	vst v9;
	v12 =	vmul.f32 v43, v34;
	vm0 =	veq.s32 v18, $0x1  }
0x421: {  	v37 =	vld [tilespmem:s16+$0x470];
	[tilespmem:s4+$0x60] =	vst v1;
	vm2 =	veq.s32 v35, $0x0;
	(erf) = vpow2.f32 v0;
	v1 =	vsel vm0, v6, v20  }
0x422: {  	[tilespmem:s22+$0x70] =	vst v12;
	vm0 =	veq.s32 v61, $0x1;
	v6 =	vnsel vm2, $0x0, v1;
	vm2 =	veq.s32 v35, $0x1  }
0x423: {  	v44 =	vnsel vm0, $0x0, v11;
	vm0 =	veq.s32 v35, $0x3;
	v39 =	vnsel vm2, $0x0, v1;
	[tilespmem:s4+$0xFFFFFF80] =	vst v6  }
0x424: {  	vm2 =	veq.s32 v35, $0x2;
	v47 =	vnsel vm0, $0x0, v1;
	vm0 =	veq.s32 v35, $0x4;
	[tilespmem:s4+$0xFFFFFF90] =	vst v39  }
0x425: {  	v42 =	vld [tilespmem:s13+$0x470];
	v40 =	vnsel vm2, $0x0, v1;
	vm2 =	veq.s32 v61, $0x2;
	v49 =	vnsel vm0, $0x0, v1;
	[tilespmem:s4+$0xFFFFFFB0] =	vst v47;
	v6 =	vpop (erf)  }
0x426: {  	v46 =	vld [tilespmem:s21+$0x470];
	v45 =	vnsel vm2, $0x0, v11;
	[tilespmem:s4+$0xFFFFFFA0] =	vst v40;
	vm2 =	veq.s32 v61, $0x3;
	v41 =	vmul.f32 v6, v37  }
0x427: {  	[tilespmem:s4+$0xFFFFFFC0] =	vst v49;
	v48 =	vnsel vm2, $0x0, v11;
	vm2 =	veq.s32 v35, $0x5  }
0x428: {  	v51 =	vnsel vm2, $0x0, v1;
	vm2 =	veq.s32 v35, $0x6;
	[tilespmem:s22+$0xFFFFFFF0] =	vst v41  }
0x429: {  	v31 =	vsel vm10, v25, v56;
	s18 =	sadd.s32 $0x2, s15;
	v56 =	vnsel vm2, $0x0, v1;
	vm2 =	veq.s32 v35, $0x7;
	[tilespmem:s4+$0xFFFFFFD0] =	vst v51  }
0x42a: {  	v59 =	vmul.f32 v7, v42;
	v0 =	vsel vm15, v31, v50;
	v50 =	vld [tilespmem:s18+$0x0];
	v57 =	vnsel vm2, $0x0, v1;
	[tilespmem:s4+$0xFFFFFFE0] =	vst v56;
	v1 =	vpop (erf)  }
0x42b: {  	s5 =	smov.u32 s3;
	v54 =	vld [tilespmem:s15+$0xFFFFFFFF];
	vm0 =	veq.s32 v61, $0x4;
	[tilespmem:s4+$0xFFFFFFF0] =	vst v57;
	v12 =	vmul.f32 v1, v46  }
0x42c: {  	v60 =	vnsel vm0, $0x0, v11;
	vm0 =	veq.s32 v61, $0x6;
	vm2 =	veq.s32 v61, $0x5;
	v61 =	vld [tilespmem:$0x1FD80];
	[tilespmem:s5+$0x70] =	vst v59  }
0x42d: {  	s19 =	sadd.s32 $0x100, s4;
	[tilespmem:s5+$0xFFFFFFF0] =	vst v12  }
0x42e: {  	v12 =	vld [tilespmem:$0x1FD90];
	[tilespmem:s19+$0x70] =	vst v15  }
0x42f: {  	v8 =	vnsel vm1, $0x0, v8;
	v62 =	vnsel vm2, $0x0, v11;
	vm2 =	veq.s32 v50, $0x1;
	v15 =	vld [tilespmem:$0x1FDA0]  }
0x430: {  	v8 =	vsel vm8, v8, v13;
	v23 =	vsel vm2, $0x1, v4;
	vm2 =	veq.s32 v54, $0x1  }
0x431: {  	v8 =	vsel vm9, v8, v26;
	v26 =	vsel vm2, $0x1, v4  }
0x432: {  	v25 =	vld.msk [tilespmem:s17+$0xFFFFFFFF ss:$0x0], $0xffff;
	v36 =	vsel vm12, v24, v63;
	v18 =	vbroadcast v26, $0x0;
	v8 =	vsel vm10, v8, v61  }
0x433: {  	s20 =	sadd.s32 $0x2, s17;
	v10 =	vsel vm13, v36, v10;
	[tilespmem:s19+$0x0] =	vst v38;
	v8 =	vsel vm15, v8, v12  }
0x434: {  	v28 =	vperm.xlane v10, v3;
	v63 =	vld.msk [tilespmem:s20+$0x0 ss:$0x0], $0xffff;
	[tilespmem:s19+$0x10] =	vst v44;
	v29 =	vand.u32 $0x1, v18;
	v8 =	vsel vm11, v8, v15  }
0x435: {  	[tilespmem:s19+$0x20] =	vst v45;
	vm2 =	veq.s32 v29, $0x1;
	v15 =	vbroadcast v23, $0x0;
	v8 =	vsel vm12, v8, v58  }
0x436: {  	[tilespmem:s19+$0x30] =	vst v48;
	v9 =	vsel vm2, v28, v10;
	v8 =	vsel vm13, v8, v43  }
0x437: {  	[tilespmem:s19+$0x40] =	vst v60;
	vm2 =	veq.s32 v25, $0x1;
	v15 =	vand.u32 $0x1, v15;
	v27 =	vperm.xlane v8, v3  }
0x438: {  	v11 =	vnsel vm0, $0x0, v11;
	[tilespmem:s19+$0x50] =	vst v62;
	v31 =	vnsel vm2, $0x0, v9;
	vm0 =	veq.s32 v15, $0x1  }
0x439: {  	[tilespmem:s19+$0x60] =	vst v11;
	vm2 =	veq.s32 v25, $0x2;
	v8 =	vsel vm0, v27, v8;
	vm0 =	veq.s32 v63, $0x7  }
0x43a: {  	v33 =	vnsel vm2, $0x0, v9;
	[tilespmem:s19+$0xFFFFFF90] =	vst v31;
	vm2 =	veq.s32 v63, $0x1;
	v30 =	vnsel vm0, $0x0, v8  }
0x43b: {  	s21 =	sadd.s32 $0x100, s19;
	[tilespmem:s19+$0xFFFFFFA0] =	vst v33;
	vm0 =	veq.s32 v25, $0x0;
	v35 =	vnsel vm2, $0x0, v8;
	vm2 =	veq.s32 v25, $0x5  }
0x43c: {  	v10 =	vnsel vm0, $0x0, v9;
	vm0 =	veq.s32 v63, $0x0;
	v38 =	vnsel vm2, $0x0, v9;
	[tilespmem:s21+$0x70] =	vst v30  }
0x43d: {  	vm2 =	veq.s32 v25, $0x6;
	[tilespmem:s19+$0xFFFFFF80] =	vst v10;
	v32 =	vnsel vm0, $0x0, v8;
	vm0 =	veq.s32 v25, $0x3  }
0x43e: {  	v40 =	vnsel vm2, $0x0, v9;
	[tilespmem:s19+$0xFFFFFFD0] =	vst v38;
	v34 =	vnsel vm0, $0x0, v9;
	vm0 =	veq.s32 v25, $0x4  }
0x43f: {  	v37 =	vld [tilespmem:s18+$0xFFFFFFFF];
	[tilespmem:s19+$0xFFFFFFE0] =	vst v40;
	v36 =	vnsel vm0, $0x0, v9;
	vm0 =	veq.s32 v63, $0x2  }
0x440: {  	s2 =	sadd.s32 $0x2, s18;
	[tilespmem:s19+$0xFFFFFFB0] =	vst v34;
	v39 =	vnsel vm0, $0x0, v8;
	vm0 =	veq.s32 v25, $0x7  }
0x441: {  	v42 =	vld [tilespmem:s2+$0x0];
	[tilespmem:s19+$0xFFFFFFC0] =	vst v36;
	v9 =	vnsel vm0, $0x0, v9  }
0x442: {  	v44 =	vld.msk [tilespmem:s20+$0xFFFFFFFF ss:$0x0], $0xffff;
	[tilespmem:s19+$0xFFFFFFF0] =	vst v9  }
0x443: {  	v16 =	vnsel vm1, $0x0, v16;
	v2 =	vsel vm12, v2, v52;
	vm0 =	veq.s32 v63, $0x4;
	v18 =	vld [tilespmem:$0x1FDB0];
	[tilespmem:s21+$0x0] =	vst v32  }
0x444: {  	vm2 =	veq.s32 v63, $0x3;
	v43 =	vnsel vm0, $0x0, v8;
	vm0 =	veq.s32 v37, $0x1;
	v10 =	vld [tilespmem:$0x1FDC0];
	[tilespmem:s21+$0x10] =	vst v35  }
0x445: {  	v2 =	vsel vm13, v2, v6;
	v41 =	vnsel vm2, $0x0, v8;
	v11 =	vsel vm0, $0x1, v4;
	v14 =	vld [tilespmem:$0x1FDD0];
	[tilespmem:s21+$0x20] =	vst v39  }
0x446: {  	vm2 =	veq.s32 v63, $0x5;
	vm0 =	veq.s32 v63, $0x6;
	v11 =	vbroadcast v11, $0x0;
	v46 =	vld [tilespmem:$0x1FDE0];
	[tilespmem:s21+$0x30] =	vst v41  }
0x447: {  	v6 =	vperm.xlane v2, v3;
	v45 =	vnsel vm2, $0x0, v8;
	v8 =	vnsel vm0, $0x0, v8;
	v48 =	vld [tilespmem:$0x1FDF0]  }
0x448: {  	vm0 =	veq.s32 v42, $0x1;
	v47 =	vand.u32 $0x1, v11;
	v16 =	vsel vm8, v16, v18  }
0x449: {  	v49 =	vsel vm0, $0x1, v4;
	vm0 =	veq.s32 v47, $0x1;
	v10 =	vsel vm9, v16, v10  }
0x44a: {  	vm2 =	veq.s32 v44, $0x0;
	[tilespmem:s21+$0x40] =	vst v43;
	v2 =	vsel vm0, v6, v2;
	v10 =	vsel vm10, v10, v14  }
0x44b: {  	[tilespmem:s21+$0x50] =	vst v45;
	v6 =	vbroadcast v49, $0x0;
	vm0 =	veq.s32 v44, $0x1;
	v10 =	vsel vm15, v10, v46  }
0x44c: {  	s0 =	sadd.s32 $0x2, s20;
	[tilespmem:s21+$0x60] =	vst v8;
	v51 =	vnsel vm2, $0x0, v2;
	vm2 =	veq.s32 v44, $0x2;
	v10 =	vsel vm11, v10, v48  }
0x44d: {  	v52 =	vld.msk [tilespmem:s0+$0x0 ss:$0x0], $0xffff;
	v54 =	vnsel vm0, $0x0, v2;
	vm0 =	veq.s32 v44, $0x3;
	[tilespmem:s21+$0xFFFFFF80] =	vst v51;
	v50 =	vsel vm12, v10, v55  }
0x44e: {  	v56 =	vnsel vm2, $0x0, v2;
	[tilespmem:s21+$0xFFFFFF90] =	vst v54;
	v6 =	vand.u32 $0x1, v6;
	v7 =	vsel vm13, v50, v7  }
0x44f: {  	vm2 =	veq.s32 v44, $0x4;
	v57 =	vnsel vm0, $0x0, v2;
	[tilespmem:s21+$0xFFFFFFA0] =	vst v56;
	v55 =	vperm.xlane v7, v3  }
0x450: {  	v58 =	vld [tilespmem:s2+$0xFFFFFFFF];
	vm0 =	veq.s32 v6, $0x1;
	v6 =	vnsel vm2, $0x0, v2;
	vm2 =	veq.s32 v44, $0x5;
	[tilespmem:s21+$0xFFFFFFB0] =	vst v57  }
0x451: {  	v59 =	vnsel vm2, $0x0, v2;
	[tilespmem:s21+$0xFFFFFFC0] =	vst v6;
	v7 =	vsel vm0, v55, v7;
	vm0 =	veq.s32 v44, $0x6  }
0x452: {  	v0 =	vsel vm11, v0, v53;
	vm2 =	veq.s32 v52, $0x7;
	[tilespmem:s21+$0xFFFFFFD0] =	vst v59;
	v6 =	vnsel vm0, $0x0, v2  }
0x453: {  	s1 =	sadd.s32 $0x100, s21;
	v0 =	vsel vm12, v0, v5;
	vm0 =	veq.s32 v44, $0x7;
	v60 =	vnsel vm2, $0x0, v7;
	[tilespmem:s21+$0xFFFFFFE0] =	vst v6  }
0x454: {  	vm2 =	veq.s32 v52, $0x1;
	v2 =	vnsel vm0, $0x0, v2;
	vm0 =	veq.s32 v52, $0x0;
	[tilespmem:s1+$0x70] =	vst v60  }
0x455: {  	v5 =	vnsel vm2, $0x0, v7;
	[tilespmem:s21+$0xFFFFFFF0] =	vst v2;
	v2 =	vnsel vm0, $0x0, v7;
	vm0 =	veq.s32 v58, $0x1  }
0x456: {  	v0 =	vsel vm13, v0, v1;
	v6 =	vld.msk [tilespmem:s0+$0xFFFFFFFF ss:$0x0], $0xffff;
	vm2 =	veq.s32 v52, $0x2;
	[tilespmem:s1+$0x10] =	vst v5;
	v61 =	vsel vm0, $0x1, v4  }
0x457: {  	vm0 =	veq.s32 v52, $0x3;
	[tilespmem:s1+$0x0] =	vst v2;
	v2 =	vnsel vm2, $0x0, v7;
	v5 =	vbroadcast v61, $0x0  }
0x458: {  	vm2 =	veq.s32 v52, $0x4;
	v62 =	vnsel vm0, $0x0, v7;
	vm0 =	veq.s32 v52, $0x5;
	[tilespmem:s1+$0x20] =	vst v2  }
0x459: {  	v1 =	vnsel vm2, $0x0, v7;
	v2 =	vperm.xlane v0, v3;
	[tilespmem:s1+$0x30] =	vst v62;
	v5 =	vand.u32 $0x1, v5  }
0x45a: {  	vm2 =	veq.s32 v52, $0x6;
	v63 =	vnsel vm0, $0x0, v7;
	[tilespmem:s1+$0x40] =	vst v1;
	vm0 =	veq.s32 v5, $0x1  }
0x45b: {  	v1 =	vnsel vm2, $0x0, v7;
	[tilespmem:s1+$0x50] =	vst v63;
	v0 =	vsel vm0, v2, v0;
	vm0 =	veq.s32 v6, $0x0  }
0x45c: {  	[tilespmem:s1+$0x60] =	vst v1;
	v1 =	vnsel vm0, $0x0, v0;
	vm0 =	veq.s32 v6, $0x1  }
0x45d: {  	v2 =	vnsel vm0, $0x0, v0;
	vm0 =	veq.s32 v6, $0x2;
	[tilespmem:s1+$0xFFFFFF80] =	vst v1  }
0x45e: {  	v1 =	vnsel vm0, $0x0, v0;
	vm0 =	veq.s32 v6, $0x3;
	[tilespmem:s1+$0xFFFFFF90] =	vst v2  }
0x45f: {  	v2 =	vnsel vm0, $0x0, v0;
	vm0 =	veq.s32 v6, $0x4;
	[tilespmem:s1+$0xFFFFFFA0] =	vst v1  }
0x460: {  	v1 =	vnsel vm0, $0x0, v0;
	vm0 =	veq.s32 v6, $0x5;
	[tilespmem:s1+$0xFFFFFFB0] =	vst v2  }
0x461: {  	v2 =	vnsel vm0, $0x0, v0;
	vm0 =	veq.s32 v6, $0x6;
	[tilespmem:s1+$0xFFFFFFC0] =	vst v1  }
0x462: {  	v1 =	vnsel vm0, $0x0, v0;
	vm0 =	veq.s32 v6, $0x7;
	[tilespmem:s1+$0xFFFFFFD0] =	vst v2  }
0x463: {  	v0 =	vnsel vm0, $0x0, v0;
	[tilespmem:s1+$0xFFFFFFE0] =	vst v1  }
0x464: {  	[tilespmem:s1+$0xFFFFFFF0] =	vst v0  }
0x465: {  	s22 =	sld [smem:$0x7F4]  }
0x466: {  	s1 =	sld [smem:$0x7EE];
	_ =	sdelay $0x1  }
0x467: {  	s24 =	simm.s32 $0x5280  }
0x468: {  	s23 =	simm.s32 $0x0;
	s5 =	simm.s32 $0x3;
	s0 =	sadd.s32 s22, s1  }
0x469: {  	[hbm4b:s0+s23] =	stream.linear.scatter [tilespmem:s24], [sflag:$0x3], $0x1400, $0x38;
	[tilespmem:$0x1DB00] =	vst v63  }
0x46a: {  	_ =	swait.ge [sflag:s5], $0x1400  }
0x46b: {  	[sflag:s5] =	ssyncset.done $0x0  }
0x46c: {  	s7 =	simm.s32 $0x28;
	[sflag:s5] =	ssyncadd.s32 $0xFFFFEC00  }
0x46d: {  	s6 =	simm.s32 $0x80;
	s26 =	simm.s32 $0x6680;
	s25 =	rddreg [dreg:$0x3]  }
0x46e: {  	[spmem:s25] =	stream.indirect.scatter.add.f32 [tilespmem:s26], [sflag:$0x3], $0x80, s6, s7, $0xb8;
	[tilespmem:$0x1DB00] =	vst v63  }
0x46f: {  	_ =	swait.ge [sflag:s5], $0x1400  }
0x470: {  	[sflag:s5] =	ssyncset.done $0x0  }
0x471: {  	[sflag:s5] =	ssyncadd.s32 $0xFFFFEC00  }
0x472: {  	s29 =	simm.s32 $0x100;
	s30 =	simm.s32 $0x7A80;
	s28 =	rddreg [dreg:$0x4]  }
0x473: {  	[spmem:s28] =	stream.indirect.scatter.add.f32 [tilespmem:s30], [sflag:$0x3], $0x80, s29, s7, $0xb8;
	[tilespmem:$0x1DB00] =	vst v63  }
0x474: {  	_ =	swait.ge [sflag:s5], $0x1400  }
0x475: {  	s31 =	sld [smem:$0x7ED];
	_ =	sdelay $0x2  }
0x476: {  	s0 =	sadd.s32 $0x1, s31  }
0x477: {  	p1 =	sne.s32 s0, $0xFA  }
.Ltmp1:
0x478: {  	_ = 	snop;
	(pc) =	sbr.rel @p1 .LBB2_2-.Ltmp1, $3  }
0x479: {  	_ =	sdelay $0x1  }
0x47a: {  	[sflag:s5] =	ssyncset.done $0x0  }
0x47b: {  	[sflag:s5] =	ssyncadd.s32 $0xFFFFEC00  }
0x47c: {  	[bflag:$0x0] =	sbarrier.arrive $0xFFFF  }
0x47d: {  	s9 =	sld [smem:$0x7FA]  }
0x47e: {  	s0 =	sld [smem:$0x7F6]  }
0x47f: {  	s2 =	sld [smem:$0x7FB];
	_ =	sdelay $0x2  }
0x480: {  	[hbm:s0], [sflag:s9] =	dma.local [spmem:s2], $0x280  }
0x481: {  	_ =	swait.ge [sflag:s5], $0x280  }
0x482: {  	s0 =	sld [smem:$0x7F8]  }
0x483: {  	s3 =	sld [smem:$0x7FC]  }
0x484: {  	[sflag:s5] =	ssyncset.done $0x0  }
0x485: {  	[sflag:s5] =	ssyncadd.s32 $0xFFFFFD80  }
0x486: {  	[hbm:s0], [sflag:s9] =	dma.local @p0 [spmem:s3], $0x1900  }
0x487: {  	s0 =	simm.s32 @p0 $0x3  }
0x488: {  	_ =	swait.ge @p0 [sflag:s0], $0x1900  }
0x489: {  	[sflag:s0] =	ssyncset.done @p0 $0x0;
	s4 =	sld [smem:$0x7FD]  }
0x48a: {  	[sflag:s0] =	ssyncadd.s32 @p0 $0xFFFFE700;
	s0 =	sld [smem:$0x7F7];
	_ =	sdelay $0x2  }
0x48b: {  	[hbm:s0], [sflag:s9] =	dma.local @!p0 [spmem:s4], $0x2800  }
0x48c: {  	s0 =	simm.s32 @!p0 $0x3  }
0x48d: {  	_ =	swait.ge @!p0 [sflag:s0], $0x2800  }
0x48e: {  	s8 =	sld [smem:$0x7EF]  }
0x48f: {  	s1 =	sld [smem:$0x7F9];
	_ =	sdelay $0x1  }
0x490: {  	s8 =	sadd.s32 $0x1, s8  }
0x491: {  	p1 =	sne.s32 s8, s1  }
.Ltmp2:
0x492: {  	_ = 	snop;
	(pc) =	sbr.rel @p1 .LBB2_1-.Ltmp2, $3  }
0x493: {  	_ =	sdelay $0x1  }
0x494: {  	[sflag:s0] =	ssyncset.done @!p0 $0x0  }
0x495: {  	[sflag:s0] =	ssyncadd.s32 @!p0 $0xFFFFD800  }
0x496: {  	_ =	sfence.sel $0x180000  }
0x497: {  	[bflag:$0x0] =	sbarrier.arrive $0xFFFF  }
0x498: {  	_ =	strace $0x90000047  }
0x499: {  	s0 =	stileid.u32;
	[bflag:$0x2] =	sbarrier.arrive $0xFFFF  }
0x49a: {  	p0 =	sne.s32 s0, $0x0;
	s0 =	rddreg [dreg:$0x5]  }
0x49b: {  	s0 =	sadd.s32 @!p0 $0x100000, s0  }
0x49c: {  	[sflag:s0] =	ssyncadd.tile.s32 @!p0 $0x1;
	_ =	shalt  }
.Lfunc_end2:
_tile_overlayer_lowered:
.L_overlay_start_2:
0x49d: {  	(tag) =	ssettag $0x2  }
0x49e: {  	s0 =	rddreg [dreg:$0x0];
	s2 =	stileid.u32  }
0x49f: {  	s1 =	rddreg [dreg:$0x1];
	p0 =	sne.s32 s2, $0x0  }
0x4a0: {  	s3 =	rddreg [dreg:$0x2];
	[bflag:$0x3] =	sbarrier.arrive $0xFFFF;
	s2 =	simm.s32 @!p0 $0x1C03  }
0x4a1: {  	[timem:s3], [sflag:s2] =	dma.local @!p0 [hbm:s0], s1  }
0x4a2: {  	s0 =	simm.s32 @!p0 $0x3  }
0x4a3: {  	_ =	swait.ge @!p0 [sflag:s0], s1  }
0x4a4: {  	s1 =	ssub.s32 @!p0 $0x0, s1;
	[sflag:s0] =	ssyncset.done @!p0 $0x0  }
0x4a5: {  	[sflag:s0] =	ssyncadd.s32 @!p0 s1  }
0x4a6: {  	[bflag:$0x3] =	sbarrier.arrive $0xFFFF  }
0x4a7: {  	_ =	shalt  }

</sc_bundles>
